<compile_context>
chip_gen: v7x
topology: tpu7x:2x2x1
jax: 0.10.2.dev20260603
libtpu: 0.0.44.dev20260713+nightly
codegen_flags: <defaults>
</compile_context>

<pallas_src>
import functools

import jax
import jax.numpy as jnp
import numpy as np
from jax import lax
from jax.experimental import pallas as pl
from jax.experimental.pallas import tpu as pltpu
from jax.experimental.pallas import tpu_sc as plsc

_BN = np.float32(1.0 / np.sqrt(1.0 + 1e-5))
_DIMS = [32, 64, 128, 256]
_K = 16
_NQ = 256

_INTERPRET = False


def _mlp(x, wt_ref, b_ref):
    y = jnp.dot(x, wt_ref[...], preferred_element_type=jnp.float32) + b_ref[...]
    return jnp.maximum(y * _BN, 0.0)


def _knn_agg(qt, cand_t, cand_r, ew1, eb1, ew2, eb2):
    ns = cand_t.shape[1]
    sqc = jnp.sum(cand_t * cand_t, axis=0, keepdims=True)
    sqq = jnp.sum(qt * qt, axis=1, keepdims=True)
    d2 = sqq + sqc - 2.0 * jnp.dot(qt, cand_t, preferred_element_type=jnp.float32)
    col = lax.broadcasted_iota(jnp.int32, (_NQ, ns), 1)
    sp_parts = []
    for _ in range(_K):
        rmin = jnp.min(d2, axis=1, keepdims=True)
        sel = jnp.min(jnp.where(d2 == rmin, col, ns), axis=1, keepdims=True)
        hit = col == sel
        onehot = hit.astype(jnp.float32)
        d2 = jnp.where(hit, jnp.inf, d2)
        nbr = jnp.dot(onehot, cand_r, preferred_element_type=jnp.float32)
        rel = nbr - qt
        dist = jnp.sqrt(jnp.sum(rel * rel, axis=1, keepdims=True) + 1e-12)
        sp_parts.append(jnp.concatenate([rel, dist, qt, nbr], axis=1))
    sp = jnp.concatenate(sp_parts, axis=0)
    h = _mlp(sp, ew1, eb1)
    h = _mlp(h, ew2, eb2)
    agg = h[0:_NQ]
    for k in range(1, _K):
        agg = jnp.maximum(agg, h[k * _NQ:(k + 1) * _NQ])
    return agg


def _tc_body(*refs):
    (c0t, c0r, c1t, c1r, c2t, c2r, fin, emb_wt, emb_b), rest = refs[:9], refs[9:]
    out_ref = rest[-1]
    wrefs = rest[:-1]
    qt = c2r[0]
    x = _mlp(fin[0], emb_wt, emb_b)
    cands = [(c0t, c0r), (c1t, c1r), (c2t, c2r)]
    for s in range(3):
        (w_e1, b_e1, w_e2, b_e2, w_a1, b_a1, w_a2, b_a2, w_ac, b_ac,
         w_o1, b_o1, w_o2, b_o2, w_sh, b_sh) = wrefs[s * 16:(s + 1) * 16]
        ct, cr = cands[s]
        agg = _knn_agg(qt, ct[0], cr[0], w_e1, b_e1, w_e2, b_e2)
        att = jnp.concatenate([x, agg], axis=1)
        att = _mlp(att, w_a1, b_a1)
        att = _mlp(att, w_a2, b_a2)
        att = jax.nn.sigmoid(
            jnp.dot(att, w_ac[...], preferred_element_type=jnp.float32) + b_ac[...])
        weighted = x * att
        o = _mlp(weighted, w_o1, b_o1)
        o = _mlp(o, w_o2, b_o2)
        sh = (jnp.dot(x, w_sh[...], preferred_element_type=jnp.float32)
              + b_sh[...]) * _BN
        x = jnp.maximum(o + sh, 0.0)
    out_ref[0] = x.T


def _sc_gather(table, idx2d, n_chunks_total, chunk, width):
    info = plsc.get_sparse_core_info()
    nw = info.num_cores * info.num_subcores
    per_w = n_chunks_total // nw
    mesh = plsc.VectorSubcoreMesh(core_axis_name="c", subcore_axis_name="s")

    @functools.partial(
        pl.kernel,
        mesh=mesh,
        out_type=jax.ShapeDtypeStruct((n_chunks_total, chunk, width), jnp.float32),
        scratch_types=[
            pltpu.VMEM((chunk,), jnp.int32),
            pltpu.VMEM((chunk, width), jnp.float32),
            pltpu.SemaphoreType.DMA,
        ],
    )
    def run(table_hbm, idx_hbm, out_hbm, idx_v, rows_v, sem):
        wid = lax.axis_index("s") * info.num_cores + lax.axis_index("c")
        for j in range(per_w):
            r = wid * per_w + j
            pltpu.sync_copy(idx_hbm.at[r], idx_v)
            pltpu.async_copy(table_hbm.at[idx_v], rows_v, sem).wait()
            pltpu.sync_copy(rows_v, out_hbm.at[r])

    return run(table, idx2d)


def _wt(wb):
    w, b = wb
    return [w.T, b[None, :]]


def kernel(xyz, features, params):
    B, N, _ = xyz.shape
    f32 = jnp.float32

    key = jax.random.key(1234)
    cur, sel = N, []
    for i in range(3):
        S = max(1, int(cur * 0.25))
        r = jax.random.uniform(jax.random.fold_in(key, i), (B, cur))
        sel.append(jnp.argsort(r, axis=1)[:, :S])
        cur = S
    a0, a1, a2 = sel
    i0 = a0
    i1 = jnp.take_along_axis(i0, a1, axis=1)
    i2 = jnp.take_along_axis(i1, a2, axis=1)

    s0, s1, s2 = i0.shape[1], i1.shape[1], i2.shape[1]
    per_b = s0 + s1 + s2
    width = 128
    table = jnp.concatenate(
        [xyz, jnp.transpose(features, (0, 2, 1)),
         jnp.zeros((B, N, width - 6), f32)], axis=2).reshape(B * N, width)
    idx_all = (jnp.concatenate([i0, i1, i2], axis=1)
               + (jnp.arange(B, dtype=i0.dtype) * N)[:, None]).reshape(-1)
    total = B * per_b
    nw = 32
    per_w = total // nw
    n_chunks = 1
    while per_w % n_chunks or per_w // n_chunks > 128:
        n_chunks += 1
    chunk = per_w // n_chunks
    g = _sc_gather(table, idx_all.reshape(total // chunk, chunk).astype(jnp.int32),
                   total // chunk, chunk, width)
    g = g.reshape(B, per_b, width)
    c0r = g[:, :s0, :3]
    c1r = g[:, s0:s0 + s1, :3]
    c2r = g[:, s0 + s1:, :3]
    fin = g[:, s0 + s1:, 3:6]
    c0t = jnp.transpose(c0r, (0, 2, 1))
    c1t = jnp.transpose(c1r, (0, 2, 1))
    c2t = jnp.transpose(c2r, (0, 2, 1))

    ws = _wt(params['embedding'][0])
    for p in params['lfa']:
        for wb in p['enc']:
            ws += _wt(wb)
        for wb in p['att_mlp']:
            ws += _wt(wb)
        ws += _wt(p['att_conv'])
        for wb in p['out']:
            ws += _wt(wb)
        ws += _wt(p['short'])

    data = [c0t, c0r, c1t, c1r, c2t, c2r, fin]
    d_specs = [pl.BlockSpec((1,) + d.shape[1:], lambda b: (b, 0, 0)) for d in data]
    w_specs = [pl.BlockSpec(w.shape, lambda b: (0, 0)) for w in ws]

    out = pl.pallas_call(
        _tc_body,
        grid=(B,),
        in_specs=d_specs + w_specs,
        out_specs=pl.BlockSpec((1, _DIMS[-1], _NQ), lambda b: (b, 0, 0)),
        out_shape=jax.ShapeDtypeStruct((B, _DIMS[-1], _NQ), f32),
        interpret=_INTERPRET,
    )(*data, *ws)
    return out

# --- scband reference (transcript-rebuilt; emitter-appended) ---
"""Pipeline reference for scband-rand-lanet-backbone-71116068488061 (READ-ONLY COPY).

The authoritative reference and input builder live on the scoring server;
editing this copy changes nothing except your own understanding.
"""

import jax, jax.numpy as jnp
import numpy as np

BN_SCALE = np.float32(1.0 / np.sqrt(1.0 + 1e-5))  # eval-mode BatchNorm with default running stats (mean=0, var=1, affine identity)
FEATURE_DIMS = [32, 64, 128, 256]
NUM_NEIGHBORS = 16
DECIMATION = 0.25


def conv1d(x, wb):
    # x: (B, Cin, N), W: (Cout, Cin), b: (Cout,) -- Conv1d with kernel size 1
    W, b = wb
    return jnp.einsum('oc,bcn->bon', W, x) + b[None, :, None]


def shared_mlp(x, layers):
    # Conv1d -> BatchNorm1d (eval) -> ReLU per layer
    for wb in layers:
        x = jax.nn.relu(conv1d(x, wb) * BN_SCALE)
    return x


def knn(xyz, k):
    # xyz: (B, N, 3) -> (B, N, k) neighbor indices by squared euclidean distance
    sq = jnp.sum(xyz * xyz, axis=-1)
    d2 = sq[:, :, None] + sq[:, None, :] - 2.0 * jnp.einsum('bnd,bmd->bnm', xyz, xyz)
    _, idx = jax.lax.top_k(-d2, k)
    return idx


def gather_points(pts, idx):
    # pts: (B, N, D); idx: (B, ...) int -> (B, ..., D)
    return jax.vmap(lambda p, i: p[i])(pts, idx)


def lfa(xyz, features, neighbors_idx, p):
    # LocalFeatureAggregation; xyz (B,N,3), features (B,C,N), neighbors_idx (B,N,K)
    B, N, _ = xyz.shape
    C = features.shape[1]
    K = neighbors_idx.shape[2]
    feats_t = jnp.transpose(features, (0, 2, 1))  # (B, N, C)
    idx_flat = neighbors_idx.reshape(B, N * K)
    valid = ((idx_flat >= 0) & (idx_flat < N)).astype(features.dtype)
    idx_safe = jnp.clip(idx_flat, 0, N - 1)
    # Faithful to torch: advanced-index gather -> (B, N*K, C), then raw reshape to (B, C, N, K)
    nf = gather_points(feats_t, idx_safe)
    nf = nf.reshape(B, C, N, K)
    nf = nf * valid.reshape(B, 1, N, K)  # computed as in torch (unused downstream, kept for fidelity)
    nbr_pos = gather_points(xyz, neighbors_idx)  # (B, N, K, 3)
    xyz_exp = jnp.broadcast_to(xyz[:, :, None, :], (B, N, K, 3))
    rel = nbr_pos - xyz_exp
    dist = jnp.sqrt(jnp.sum(rel * rel, axis=3, keepdims=True) + 1e-12)
    sp = jnp.concatenate([rel, dist, xyz_exp, nbr_pos], axis=3)  # (B, N, K, 10)
    sp = jnp.transpose(sp, (0, 3, 1, 2)).reshape(B, 10, N * K)
    enc = shared_mlp(sp, p['enc'])  # (B, C, N*K)
    enc = enc.reshape(B, C, N, K)
    agg = jnp.max(enc, axis=3)  # (B, C, N)
    att_in = jnp.concatenate([features, agg], axis=1)
    att = shared_mlp(att_in, p['att_mlp'])
    att = jax.nn.sigmoid(conv1d(att, p['att_conv']))
    weighted = features * att
    out = shared_mlp(weighted, p['out'])
    short = conv1d(features, p['short']) * BN_SCALE
    return jax.nn.relu(out + short)


def random_sample(xyz, features, ratio, key):
    B, N, _ = xyz.shape
    S = max(1, int(N * ratio))
    r = jax.random.uniform(key, (B, N))
    idx = jnp.argsort(r, axis=1)[:, :S]
    new_xyz = gather_points(xyz, idx)
    new_f = jnp.transpose(gather_points(jnp.transpose(features, (0, 2, 1)), idx), (0, 2, 1))
    return new_xyz, new_f, idx


def forward(xyz, features, params):
    x = shared_mlp(features, params['embedding'])
    key = jax.random.key(1234)
    for i in range(len(FEATURE_DIMS) - 1):
        xyz, x, _ = random_sample(xyz, x, DECIMATION, jax.random.fold_in(key, i))
        nbr = knn(xyz, NUM_NEIGHBORS)
        x = lfa(xyz, x, nbr, params['lfa'][i])
    return x


def make_conv(key, cin, cout):
    W = jax.random.normal(key, (cout, cin), jnp.float32) * 0.02
    b = jnp.zeros((cout,), jnp.float32)
    return (W, b)


def make_params(key):
    keys = jax.random.split(key, 64)
    ki = iter(range(64))
    params = {'embedding': [make_conv(keys[next(ki)], 3, FEATURE_DIMS[0])], 'lfa': []}
    for i in range(len(FEATURE_DIMS) - 1):
        cin, cout = FEATURE_DIMS[i], FEATURE_DIMS[i + 1]
        p = {
            'enc': [make_conv(keys[next(ki)], 10, cin // 2), make_conv(keys[next(ki)], cin // 2, cin)],
            'att_mlp': [make_conv(keys[next(ki)], cin * 2, cin), make_conv(keys[next(ki)], cin, cin)],
            'att_conv': make_conv(keys[next(ki)], cin, cin),
            'out': [make_conv(keys[next(ki)], cin, cin), make_conv(keys[next(ki)], cin, cout)],
            'short': make_conv(keys[next(ki)], cin, cout),
        }
        params['lfa'].append(p)
    return params


def setup_inputs(seed: int = 0) -> dict:
    key = jax.random.key(seed)
    k1, k2, k3 = jax.random.split(key, 3)
    xyz = jax.random.normal(k1, (2, 16384, 3), jnp.float32)
    features = jax.random.normal(k2, (2, 3, 16384), jnp.float32)
    params = make_params(k3)
    return {'xyz': xyz, 'features': features, 'params': params}


def reference(xyz, features, params):
    return forward(xyz, features, params)

if __name__ == "__main__":
    import jax
    _d = setup_inputs()
    print(jax.jit(kernel)(*tuple(_d.values())))

</pallas_src>

<mosaic_0001>
#map = affine_map<(d0, d1) -> (0, 0)>
#map1 = affine_map<(d0, d1) -> (0, 0, 0)>
module attributes {stable_mosaic.version = 14 : i64} {
  func.func @run(%arg0: i32, %arg1: i32, %arg2: memref<32768x128xf32, #tpu.memory_space<hbm>>, %arg3: memref<96x112xi32, #tpu.memory_space<hbm>>, %arg4: memref<96x112x128xf32, #tpu.memory_space<hbm>>, %arg5: memref<112xi32, #tpu.memory_space<vmem>>, %arg6: memref<112x128xf32, #tpu.memory_space<vmem>>, %arg7: memref<!tpu.dma_semaphore, #tpu.memory_space<semaphore_mem>>) attributes {dimension_semantics = [#tpu.dimension_semantics<core_parallel>, #tpu.dimension_semantics<subcore_parallel>], iteration_bounds = array<i64: 2, 16>, scalar_prefetch = 0 : i64, scratch_operands = 3 : i64, tpu.core_type = #tpu.core_type<sc_vector_subcore>, window_params = [{transform_indices = #map}, {transform_indices = #map}, {transform_indices = #map1}]} {
    %mul3A = arith.constant 2 : i32
    %mul3A_0 = arith.muli %arg1, %mul3A : i32
    %add3A = arith.addi %mul3A_0, %arg0 : i32
    %mul3A_1 = arith.constant 3 : i32
    %mul3A_2 = arith.muli %add3A, %mul3A_1 : i32
    %add3A_3 = arith.constant 0 : i32
    %add3A_4 = arith.addi %mul3A_2, %add3A_3 : i32
    "tpu.region"() ({
      %run_scoped3A = tpu.sem_alloc : memref<!tpu.dma_semaphore, #tpu.memory_space<semaphore_mem>>
      %dma_start3A_29 = arith.constant 0 : i32
      %dma_start3A_30 = tpu.memref_slice %arg3[%add3A_4, %dma_start3A_29] : memref<96x112xi32, #tpu.memory_space<hbm>> -> memref<1x112xi32, #tpu.memory_space<hbm>>
      %dma_start3A_31 = tpu.memref_squeeze %dma_start3A_30 : memref<1x112xi32, #tpu.memory_space<hbm>> -> memref<112xi32, #tpu.memory_space<hbm>>
      %dma_start3A_32 = arith.constant 0 : i32
      %dma_start3A_33 = tpu.memref_slice %arg3[%add3A_4, %dma_start3A_32] : memref<96x112xi32, #tpu.memory_space<hbm>> -> memref<1x112xi32, #tpu.memory_space<hbm>>
      %dma_start3A_34 = tpu.memref_squeeze %dma_start3A_33 : memref<1x112xi32, #tpu.memory_space<hbm>> -> memref<112xi32, #tpu.memory_space<hbm>>
      tpu.enqueue_dma source(%dma_start3A_34 : memref<112xi32, #tpu.memory_space<hbm>>) target(%arg5 : memref<112xi32, #tpu.memory_space<vmem>>) target_semaphore(%run_scoped3A : memref<!tpu.dma_semaphore, #tpu.memory_space<semaphore_mem>>)
      %dma_wait3A_35 = arith.constant 0 : i32
      %dma_wait3A_36 = tpu.memref_slice %arg3[%add3A_4, %dma_wait3A_35] : memref<96x112xi32, #tpu.memory_space<hbm>> -> memref<1x112xi32, #tpu.memory_space<hbm>>
      %dma_wait3A_37 = tpu.memref_squeeze %dma_wait3A_36 : memref<1x112xi32, #tpu.memory_space<hbm>> -> memref<112xi32, #tpu.memory_space<hbm>>
      %dma_wait3A_38 = arith.constant 0 : i32
      %dma_wait3A_39 = tpu.memref_slice %arg3[%add3A_4, %dma_wait3A_38] : memref<96x112xi32, #tpu.memory_space<hbm>> -> memref<1x112xi32, #tpu.memory_space<hbm>>
      %dma_wait3A_40 = tpu.memref_squeeze %dma_wait3A_39 : memref<1x112xi32, #tpu.memory_space<hbm>> -> memref<112xi32, #tpu.memory_space<hbm>>
      tpu.wait_dma2 semaphore(%run_scoped3A : memref<!tpu.dma_semaphore, #tpu.memory_space<semaphore_mem>>) src(%dma_wait3A_40 : memref<112xi32, #tpu.memory_space<hbm>>) dst(%arg5 : memref<112xi32, #tpu.memory_space<vmem>>)
      tpu.yield
    }) : () -> ()
    %dma_start3A = arith.constant 0 : i32
    %dma_start3A_5 = arith.constant 0 : i32
    %dma_start3A_6 = tpu.memref_slice %arg2[%dma_start3A, %dma_start3A_5] : memref<32768x128xf32, #tpu.memory_space<hbm>> -> memref<32768x128xf32, #tpu.memory_space<hbm>>
    tpu.enqueue_indirect_dma source(%dma_start3A_6 : memref<32768x128xf32, #tpu.memory_space<hbm>>) target(%arg6 : memref<112x128xf32, #tpu.memory_space<vmem>>) offsets(%arg5 : memref<112xi32, #tpu.memory_space<vmem>>) semaphore(%arg7 : memref<!tpu.dma_semaphore, #tpu.memory_space<semaphore_mem>>)
    %dma_wait3A = arith.constant 0 : i32
    %dma_wait3A_7 = arith.constant 0 : i32
    %dma_wait3A_8 = tpu.memref_slice %arg2[%dma_wait3A, %dma_wait3A_7] : memref<32768x128xf32, #tpu.memory_space<hbm>> -> memref<32768x128xf32, #tpu.memory_space<hbm>>
    tpu.wait_indirect_dma semaphore(%arg7 : memref<!tpu.dma_semaphore, #tpu.memory_space<semaphore_mem>>) src(%dma_wait3A_8 : memref<32768x128xf32, #tpu.memory_space<hbm>>) dst(%arg6 : memref<112x128xf32, #tpu.memory_space<vmem>>)
    "tpu.region"() ({
      %run_scoped3A = tpu.sem_alloc : memref<!tpu.dma_semaphore, #tpu.memory_space<semaphore_mem>>
      %dma_start3A_29 = arith.constant 0 : i32
      %dma_start3A_30 = arith.constant 0 : i32
      %dma_start3A_31 = tpu.memref_slice %arg4[%add3A_4, %dma_start3A_29, %dma_start3A_30] : memref<96x112x128xf32, #tpu.memory_space<hbm>> -> memref<1x112x128xf32, #tpu.memory_space<hbm>>
      %dma_start3A_32 = tpu.memref_squeeze %dma_start3A_31 : memref<1x112x128xf32, #tpu.memory_space<hbm>> -> memref<112x128xf32, #tpu.memory_space<hbm>>
      %dma_start3A_33 = arith.constant 0 : i32
      %dma_start3A_34 = arith.constant 0 : i32
      %dma_start3A_35 = tpu.memref_slice %arg4[%add3A_4, %dma_start3A_33, %dma_start3A_34] : memref<96x112x128xf32, #tpu.memory_space<hbm>> -> memref<1x112x128xf32, #tpu.memory_space<hbm>>
      %dma_start3A_36 = tpu.memref_squeeze %dma_start3A_35 : memref<1x112x128xf32, #tpu.memory_space<hbm>> -> memref<112x128xf32, #tpu.memory_space<hbm>>
      tpu.enqueue_dma source(%arg6 : memref<112x128xf32, #tpu.memory_space<vmem>>) target(%dma_start3A_36 : memref<112x128xf32, #tpu.memory_space<hbm>>) target_semaphore(%run_scoped3A : memref<!tpu.dma_semaphore, #tpu.memory_space<semaphore_mem>>)
      %dma_wait3A_37 = arith.constant 0 : i32
      %dma_wait3A_38 = arith.constant 0 : i32
      %dma_wait3A_39 = tpu.memref_slice %arg4[%add3A_4, %dma_wait3A_37, %dma_wait3A_38] : memref<96x112x128xf32, #tpu.memory_space<hbm>> -> memref<1x112x128xf32, #tpu.memory_space<hbm>>
      %dma_wait3A_40 = tpu.memref_squeeze %dma_wait3A_39 : memref<1x112x128xf32, #tpu.memory_space<hbm>> -> memref<112x128xf32, #tpu.memory_space<hbm>>
      %dma_wait3A_41 = arith.constant 0 : i32
      %dma_wait3A_42 = arith.constant 0 : i32
      %dma_wait3A_43 = tpu.memref_slice %arg4[%add3A_4, %dma_wait3A_41, %dma_wait3A_42] : memref<96x112x128xf32, #tpu.memory_space<hbm>> -> memref<1x112x128xf32, #tpu.memory_space<hbm>>
      %dma_wait3A_44 = tpu.memref_squeeze %dma_wait3A_43 : memref<1x112x128xf32, #tpu.memory_space<hbm>> -> memref<112x128xf32, #tpu.memory_space<hbm>>
      tpu.wait_dma2 semaphore(%run_scoped3A : memref<!tpu.dma_semaphore, #tpu.memory_space<semaphore_mem>>) src(%arg6 : memref<112x128xf32, #tpu.memory_space<vmem>>) dst(%dma_wait3A_44 : memref<112x128xf32, #tpu.memory_space<hbm>>)
      tpu.yield
    }) : () -> ()
    %mul3A_9 = arith.constant 3 : i32
    %mul3A_10 = arith.muli %add3A, %mul3A_9 : i32
    %add3A_11 = arith.constant 1 : i32
    %add3A_12 = arith.addi %mul3A_10, %add3A_11 : i32
    "tpu.region"() ({
      %run_scoped3A = tpu.sem_alloc : memref<!tpu.dma_semaphore, #tpu.memory_space<semaphore_mem>>
      %dma_start3A_29 = arith.constant 0 : i32
      %dma_start3A_30 = tpu.memref_slice %arg3[%add3A_12, %dma_start3A_29] : memref<96x112xi32, #tpu.memory_space<hbm>> -> memref<1x112xi32, #tpu.memory_space<hbm>>
      %dma_start3A_31 = tpu.memref_squeeze %dma_start3A_30 : memref<1x112xi32, #tpu.memory_space<hbm>> -> memref<112xi32, #tpu.memory_space<hbm>>
      %dma_start3A_32 = arith.constant 0 : i32
      %dma_start3A_33 = tpu.memref_slice %arg3[%add3A_12, %dma_start3A_32] : memref<96x112xi32, #tpu.memory_space<hbm>> -> memref<1x112xi32, #tpu.memory_space<hbm>>
      %dma_start3A_34 = tpu.memref_squeeze %dma_start3A_33 : memref<1x112xi32, #tpu.memory_space<hbm>> -> memref<112xi32, #tpu.memory_space<hbm>>
      tpu.enqueue_dma source(%dma_start3A_34 : memref<112xi32, #tpu.memory_space<hbm>>) target(%arg5 : memref<112xi32, #tpu.memory_space<vmem>>) target_semaphore(%run_scoped3A : memref<!tpu.dma_semaphore, #tpu.memory_space<semaphore_mem>>)
      %dma_wait3A_35 = arith.constant 0 : i32
      %dma_wait3A_36 = tpu.memref_slice %arg3[%add3A_12, %dma_wait3A_35] : memref<96x112xi32, #tpu.memory_space<hbm>> -> memref<1x112xi32, #tpu.memory_space<hbm>>
      %dma_wait3A_37 = tpu.memref_squeeze %dma_wait3A_36 : memref<1x112xi32, #tpu.memory_space<hbm>> -> memref<112xi32, #tpu.memory_space<hbm>>
      %dma_wait3A_38 = arith.constant 0 : i32
      %dma_wait3A_39 = tpu.memref_slice %arg3[%add3A_12, %dma_wait3A_38] : memref<96x112xi32, #tpu.memory_space<hbm>> -> memref<1x112xi32, #tpu.memory_space<hbm>>
      %dma_wait3A_40 = tpu.memref_squeeze %dma_wait3A_39 : memref<1x112xi32, #tpu.memory_space<hbm>> -> memref<112xi32, #tpu.memory_space<hbm>>
      tpu.wait_dma2 semaphore(%run_scoped3A : memref<!tpu.dma_semaphore, #tpu.memory_space<semaphore_mem>>) src(%dma_wait3A_40 : memref<112xi32, #tpu.memory_space<hbm>>) dst(%arg5 : memref<112xi32, #tpu.memory_space<vmem>>)
      tpu.yield
    }) : () -> ()
    %dma_start3A_13 = arith.constant 0 : i32
    %dma_start3A_14 = arith.constant 0 : i32
    %dma_start3A_15 = tpu.memref_slice %arg2[%dma_start3A_13, %dma_start3A_14] : memref<32768x128xf32, #tpu.memory_space<hbm>> -> memref<32768x128xf32, #tpu.memory_space<hbm>>
    tpu.enqueue_indirect_dma source(%dma_start3A_15 : memref<32768x128xf32, #tpu.memory_space<hbm>>) target(%arg6 : memref<112x128xf32, #tpu.memory_space<vmem>>) offsets(%arg5 : memref<112xi32, #tpu.memory_space<vmem>>) semaphore(%arg7 : memref<!tpu.dma_semaphore, #tpu.memory_space<semaphore_mem>>)
    %dma_wait3A_16 = arith.constant 0 : i32
    %dma_wait3A_17 = arith.constant 0 : i32
    %dma_wait3A_18 = tpu.memref_slice %arg2[%dma_wait3A_16, %dma_wait3A_17] : memref<32768x128xf32, #tpu.memory_space<hbm>> -> memref<32768x128xf32, #tpu.memory_space<hbm>>
    tpu.wait_indirect_dma semaphore(%arg7 : memref<!tpu.dma_semaphore, #tpu.memory_space<semaphore_mem>>) src(%dma_wait3A_18 : memref<32768x128xf32, #tpu.memory_space<hbm>>) dst(%arg6 : memref<112x128xf32, #tpu.memory_space<vmem>>)
    "tpu.region"() ({
      %run_scoped3A = tpu.sem_alloc : memref<!tpu.dma_semaphore, #tpu.memory_space<semaphore_mem>>
      %dma_start3A_29 = arith.constant 0 : i32
      %dma_start3A_30 = arith.constant 0 : i32
      %dma_start3A_31 = tpu.memref_slice %arg4[%add3A_12, %dma_start3A_29, %dma_start3A_30] : memref<96x112x128xf32, #tpu.memory_space<hbm>> -> memref<1x112x128xf32, #tpu.memory_space<hbm>>
      %dma_start3A_32 = tpu.memref_squeeze %dma_start3A_31 : memref<1x112x128xf32, #tpu.memory_space<hbm>> -> memref<112x128xf32, #tpu.memory_space<hbm>>
      %dma_start3A_33 = arith.constant 0 : i32
      %dma_start3A_34 = arith.constant 0 : i32
      %dma_start3A_35 = tpu.memref_slice %arg4[%add3A_12, %dma_start3A_33, %dma_start3A_34] : memref<96x112x128xf32, #tpu.memory_space<hbm>> -> memref<1x112x128xf32, #tpu.memory_space<hbm>>
      %dma_start3A_36 = tpu.memref_squeeze %dma_start3A_35 : memref<1x112x128xf32, #tpu.memory_space<hbm>> -> memref<112x128xf32, #tpu.memory_space<hbm>>
      tpu.enqueue_dma source(%arg6 : memref<112x128xf32, #tpu.memory_space<vmem>>) target(%dma_start3A_36 : memref<112x128xf32, #tpu.memory_space<hbm>>) target_semaphore(%run_scoped3A : memref<!tpu.dma_semaphore, #tpu.memory_space<semaphore_mem>>)
      %dma_wait3A_37 = arith.constant 0 : i32
      %dma_wait3A_38 = arith.constant 0 : i32
      %dma_wait3A_39 = tpu.memref_slice %arg4[%add3A_12, %dma_wait3A_37, %dma_wait3A_38] : memref<96x112x128xf32, #tpu.memory_space<hbm>> -> memref<1x112x128xf32, #tpu.memory_space<hbm>>
      %dma_wait3A_40 = tpu.memref_squeeze %dma_wait3A_39 : memref<1x112x128xf32, #tpu.memory_space<hbm>> -> memref<112x128xf32, #tpu.memory_space<hbm>>
      %dma_wait3A_41 = arith.constant 0 : i32
      %dma_wait3A_42 = arith.constant 0 : i32
      %dma_wait3A_43 = tpu.memref_slice %arg4[%add3A_12, %dma_wait3A_41, %dma_wait3A_42] : memref<96x112x128xf32, #tpu.memory_space<hbm>> -> memref<1x112x128xf32, #tpu.memory_space<hbm>>
      %dma_wait3A_44 = tpu.memref_squeeze %dma_wait3A_43 : memref<1x112x128xf32, #tpu.memory_space<hbm>> -> memref<112x128xf32, #tpu.memory_space<hbm>>
      tpu.wait_dma2 semaphore(%run_scoped3A : memref<!tpu.dma_semaphore, #tpu.memory_space<semaphore_mem>>) src(%arg6 : memref<112x128xf32, #tpu.memory_space<vmem>>) dst(%dma_wait3A_44 : memref<112x128xf32, #tpu.memory_space<hbm>>)
      tpu.yield
    }) : () -> ()
    %mul3A_19 = arith.constant 3 : i32
    %mul3A_20 = arith.muli %add3A, %mul3A_19 : i32
    %add3A_21 = arith.constant 2 : i32
    %add3A_22 = arith.addi %mul3A_20, %add3A_21 : i32
    "tpu.region"() ({
      %run_scoped3A = tpu.sem_alloc : memref<!tpu.dma_semaphore, #tpu.memory_space<semaphore_mem>>
      %dma_start3A_29 = arith.constant 0 : i32
      %dma_start3A_30 = tpu.memref_slice %arg3[%add3A_22, %dma_start3A_29] : memref<96x112xi32, #tpu.memory_space<hbm>> -> memref<1x112xi32, #tpu.memory_space<hbm>>
      %dma_start3A_31 = tpu.memref_squeeze %dma_start3A_30 : memref<1x112xi32, #tpu.memory_space<hbm>> -> memref<112xi32, #tpu.memory_space<hbm>>
      %dma_start3A_32 = arith.constant 0 : i32
      %dma_start3A_33 = tpu.memref_slice %arg3[%add3A_22, %dma_start3A_32] : memref<96x112xi32, #tpu.memory_space<hbm>> -> memref<1x112xi32, #tpu.memory_space<hbm>>
      %dma_start3A_34 = tpu.memref_squeeze %dma_start3A_33 : memref<1x112xi32, #tpu.memory_space<hbm>> -> memref<112xi32, #tpu.memory_space<hbm>>
      tpu.enqueue_dma source(%dma_start3A_34 : memref<112xi32, #tpu.memory_space<hbm>>) target(%arg5 : memref<112xi32, #tpu.memory_space<vmem>>) target_semaphore(%run_scoped3A : memref<!tpu.dma_semaphore, #tpu.memory_space<semaphore_mem>>)
      %dma_wait3A_35 = arith.constant 0 : i32
      %dma_wait3A_36 = tpu.memref_slice %arg3[%add3A_22, %dma_wait3A_35] : memref<96x112xi32, #tpu.memory_space<hbm>> -> memref<1x112xi32, #tpu.memory_space<hbm>>
      %dma_wait3A_37 = tpu.memref_squeeze %dma_wait3A_36 : memref<1x112xi32, #tpu.memory_space<hbm>> -> memref<112xi32, #tpu.memory_space<hbm>>
      %dma_wait3A_38 = arith.constant 0 : i32
      %dma_wait3A_39 = tpu.memref_slice %arg3[%add3A_22, %dma_wait3A_38] : memref<96x112xi32, #tpu.memory_space<hbm>> -> memref<1x112xi32, #tpu.memory_space<hbm>>
      %dma_wait3A_40 = tpu.memref_squeeze %dma_wait3A_39 : memref<1x112xi32, #tpu.memory_space<hbm>> -> memref<112xi32, #tpu.memory_space<hbm>>
      tpu.wait_dma2 semaphore(%run_scoped3A : memref<!tpu.dma_semaphore, #tpu.memory_space<semaphore_mem>>) src(%dma_wait3A_40 : memref<112xi32, #tpu.memory_space<hbm>>) dst(%arg5 : memref<112xi32, #tpu.memory_space<vmem>>)
      tpu.yield
    }) : () -> ()
    %dma_start3A_23 = arith.constant 0 : i32
    %dma_start3A_24 = arith.constant 0 : i32
    %dma_start3A_25 = tpu.memref_slice %arg2[%dma_start3A_23, %dma_start3A_24] : memref<32768x128xf32, #tpu.memory_space<hbm>> -> memref<32768x128xf32, #tpu.memory_space<hbm>>
    tpu.enqueue_indirect_dma source(%dma_start3A_25 : memref<32768x128xf32, #tpu.memory_space<hbm>>) target(%arg6 : memref<112x128xf32, #tpu.memory_space<vmem>>) offsets(%arg5 : memref<112xi32, #tpu.memory_space<vmem>>) semaphore(%arg7 : memref<!tpu.dma_semaphore, #tpu.memory_space<semaphore_mem>>)
    %dma_wait3A_26 = arith.constant 0 : i32
    %dma_wait3A_27 = arith.constant 0 : i32
    %dma_wait3A_28 = tpu.memref_slice %arg2[%dma_wait3A_26, %dma_wait3A_27] : memref<32768x128xf32, #tpu.memory_space<hbm>> -> memref<32768x128xf32, #tpu.memory_space<hbm>>
    tpu.wait_indirect_dma semaphore(%arg7 : memref<!tpu.dma_semaphore, #tpu.memory_space<semaphore_mem>>) src(%dma_wait3A_28 : memref<32768x128xf32, #tpu.memory_space<hbm>>) dst(%arg6 : memref<112x128xf32, #tpu.memory_space<vmem>>)
    "tpu.region"() ({
      %run_scoped3A = tpu.sem_alloc : memref<!tpu.dma_semaphore, #tpu.memory_space<semaphore_mem>>
      %dma_start3A_29 = arith.constant 0 : i32
      %dma_start3A_30 = arith.constant 0 : i32
      %dma_start3A_31 = tpu.memref_slice %arg4[%add3A_22, %dma_start3A_29, %dma_start3A_30] : memref<96x112x128xf32, #tpu.memory_space<hbm>> -> memref<1x112x128xf32, #tpu.memory_space<hbm>>
      %dma_start3A_32 = tpu.memref_squeeze %dma_start3A_31 : memref<1x112x128xf32, #tpu.memory_space<hbm>> -> memref<112x128xf32, #tpu.memory_space<hbm>>
      %dma_start3A_33 = arith.constant 0 : i32
      %dma_start3A_34 = arith.constant 0 : i32
      %dma_start3A_35 = tpu.memref_slice %arg4[%add3A_22, %dma_start3A_33, %dma_start3A_34] : memref<96x112x128xf32, #tpu.memory_space<hbm>> -> memref<1x112x128xf32, #tpu.memory_space<hbm>>
      %dma_start3A_36 = tpu.memref_squeeze %dma_start3A_35 : memref<1x112x128xf32, #tpu.memory_space<hbm>> -> memref<112x128xf32, #tpu.memory_space<hbm>>
      tpu.enqueue_dma source(%arg6 : memref<112x128xf32, #tpu.memory_space<vmem>>) target(%dma_start3A_36 : memref<112x128xf32, #tpu.memory_space<hbm>>) target_semaphore(%run_scoped3A : memref<!tpu.dma_semaphore, #tpu.memory_space<semaphore_mem>>)
      %dma_wait3A_37 = arith.constant 0 : i32
      %dma_wait3A_38 = arith.constant 0 : i32
      %dma_wait3A_39 = tpu.memref_slice %arg4[%add3A_22, %dma_wait3A_37, %dma_wait3A_38] : memref<96x112x128xf32, #tpu.memory_space<hbm>> -> memref<1x112x128xf32, #tpu.memory_space<hbm>>
      %dma_wait3A_40 = tpu.memref_squeeze %dma_wait3A_39 : memref<1x112x128xf32, #tpu.memory_space<hbm>> -> memref<112x128xf32, #tpu.memory_space<hbm>>
      %dma_wait3A_41 = arith.constant 0 : i32
      %dma_wait3A_42 = arith.constant 0 : i32
      %dma_wait3A_43 = tpu.memref_slice %arg4[%add3A_22, %dma_wait3A_41, %dma_wait3A_42] : memref<96x112x128xf32, #tpu.memory_space<hbm>> -> memref<1x112x128xf32, #tpu.memory_space<hbm>>
      %dma_wait3A_44 = tpu.memref_squeeze %dma_wait3A_43 : memref<1x112x128xf32, #tpu.memory_space<hbm>> -> memref<112x128xf32, #tpu.memory_space<hbm>>
      tpu.wait_dma2 semaphore(%run_scoped3A : memref<!tpu.dma_semaphore, #tpu.memory_space<semaphore_mem>>) src(%arg6 : memref<112x128xf32, #tpu.memory_space<vmem>>) dst(%dma_wait3A_44 : memref<112x128xf32, #tpu.memory_space<hbm>>)
      tpu.yield
    }) : () -> ()
    return
  }
}

module attributes {stable_mosaic.version = 14 : i64} {
  func.func @_tc_body(%arg0: i32, %arg1: memref<1x3x4096xf32, #tpu.memory_space<vmem>>, %arg2: memref<1x4096x3xf32, #tpu.memory_space<vmem>>, %arg3: memref<1x3x1024xf32, #tpu.memory_space<vmem>>, %arg4: memref<1x1024x3xf32, #tpu.memory_space<vmem>>, %arg5: memref<1x3x256xf32, #tpu.memory_space<vmem>>, %arg6: memref<1x256x3xf32, #tpu.memory_space<vmem>>, %arg7: memref<1x256x3xf32, #tpu.memory_space<vmem>>, %arg8: memref<3x32xf32, #tpu.memory_space<vmem>>, %arg9: memref<1x32xf32, #tpu.memory_space<vmem>>, %arg10: memref<10x16xf32, #tpu.memory_space<vmem>>, %arg11: memref<1x16xf32, #tpu.memory_space<vmem>>, %arg12: memref<16x32xf32, #tpu.memory_space<vmem>>, %arg13: memref<1x32xf32, #tpu.memory_space<vmem>>, %arg14: memref<64x32xf32, #tpu.memory_space<vmem>>, %arg15: memref<1x32xf32, #tpu.memory_space<vmem>>, %arg16: memref<32x32xf32, #tpu.memory_space<vmem>>, %arg17: memref<1x32xf32, #tpu.memory_space<vmem>>, %arg18: memref<32x32xf32, #tpu.memory_space<vmem>>, %arg19: memref<1x32xf32, #tpu.memory_space<vmem>>, %arg20: memref<32x32xf32, #tpu.memory_space<vmem>>, %arg21: memref<1x32xf32, #tpu.memory_space<vmem>>, %arg22: memref<32x64xf32, #tpu.memory_space<vmem>>, %arg23: memref<1x64xf32, #tpu.memory_space<vmem>>, %arg24: memref<32x64xf32, #tpu.memory_space<vmem>>, %arg25: memref<1x64xf32, #tpu.memory_space<vmem>>, %arg26: memref<10x32xf32, #tpu.memory_space<vmem>>, %arg27: memref<1x32xf32, #tpu.memory_space<vmem>>, %arg28: memref<32x64xf32, #tpu.memory_space<vmem>>, %arg29: memref<1x64xf32, #tpu.memory_space<vmem>>, %arg30: memref<128x64xf32, #tpu.memory_space<vmem>>, %arg31: memref<1x64xf32, #tpu.memory_space<vmem>>, %arg32: memref<64x64xf32, #tpu.memory_space<vmem>>, %arg33: memref<1x64xf32, #tpu.memory_space<vmem>>, %arg34: memref<64x64xf32, #tpu.memory_space<vmem>>, %arg35: memref<1x64xf32, #tpu.memory_space<vmem>>, %arg36: memref<64x64xf32, #tpu.memory_space<vmem>>, %arg37: memref<1x64xf32, #tpu.memory_space<vmem>>, %arg38: memref<64x128xf32, #tpu.memory_space<vmem>>, %arg39: memref<1x128xf32, #tpu.memory_space<vmem>>, %arg40: memref<64x128xf32, #tpu.memory_space<vmem>>, %arg41: memref<1x128xf32, #tpu.memory_space<vmem>>, %arg42: memref<10x64xf32, #tpu.memory_space<vmem>>, %arg43: memref<1x64xf32, #tpu.memory_space<vmem>>, %arg44: memref<64x128xf32, #tpu.memory_space<vmem>>, %arg45: memref<1x128xf32, #tpu.memory_space<vmem>>, %arg46: memref<256x128xf32, #tpu.memory_space<vmem>>, %arg47: memref<1x128xf32, #tpu.memory_space<vmem>>, %arg48: memref<128x128xf32, #tpu.memory_space<vmem>>, %arg49: memref<1x128xf32, #tpu.memory_space<vmem>>, %arg50: memref<128x128xf32, #tpu.memory_space<vmem>>, %arg51: memref<1x128xf32, #tpu.memory_space<vmem>>, %arg52: memref<128x128xf32, #tpu.memory_space<vmem>>, %arg53: memref<1x128xf32, #tpu.memory_space<vmem>>, %arg54: memref<128x256xf32, #tpu.memory_space<vmem>>, %arg55: memref<1x256xf32, #tpu.memory_space<vmem>>, %arg56: memref<128x256xf32, #tpu.memory_space<vmem>>, %arg57: memref<1x256xf32, #tpu.memory_space<vmem>>, %arg58: memref<1x256x256xf32, #tpu.memory_space<vmem>>) attributes {dimension_semantics = [#tpu.dimension_semantics<arbitrary>], iteration_bounds = array<i64: 2>, scalar_prefetch = 0 : i64, scratch_operands = 0 : i64, tpu.core_type = #tpu.core_type<tc>, window_params = [{transform_indices = @transform_0, window_bounds = array<i64: 1, 3, 4096>}, {transform_indices = @transform_1, window_bounds = array<i64: 1, 4096, 3>}, {transform_indices = @transform_2, window_bounds = array<i64: 1, 3, 1024>}, {transform_indices = @transform_3, window_bounds = array<i64: 1, 1024, 3>}, {transform_indices = @transform_4, window_bounds = array<i64: 1, 3, 256>}, {transform_indices = @transform_5, window_bounds = array<i64: 1, 256, 3>}, {transform_indices = @transform_6, window_bounds = array<i64: 1, 256, 3>}, {pipeline_mode = #tpu.pipeline_mode<synchronous>, transform_indices = @transform_7, window_bounds = array<i64: 3, 32>}, {pipeline_mode = #tpu.pipeline_mode<synchronous>, transform_indices = @transform_8, window_bounds = array<i64: 1, 32>}, {pipeline_mode = #tpu.pipeline_mode<synchronous>, transform_indices = @transform_9, window_bounds = array<i64: 10, 16>}, {pipeline_mode = #tpu.pipeline_mode<synchronous>, transform_indices = @transform_10, window_bounds = array<i64: 1, 16>}, {pipeline_mode = #tpu.pipeline_mode<synchronous>, transform_indices = @transform_11, window_bounds = array<i64: 16, 32>}, {pipeline_mode = #tpu.pipeline_mode<synchronous>, transform_indices = @transform_12, window_bounds = array<i64: 1, 32>}, {pipeline_mode = #tpu.pipeline_mode<synchronous>, transform_indices = @transform_13, window_bounds = array<i64: 64, 32>}, {pipeline_mode = #tpu.pipeline_mode<synchronous>, transform_indices = @transform_14, window_bounds = array<i64: 1, 32>}, {pipeline_mode = #tpu.pipeline_mode<synchronous>, transform_indices = @transform_15, window_bounds = array<i64: 32, 32>}, {pipeline_mode = #tpu.pipeline_mode<synchronous>, transform_indices = @transform_16, window_bounds = array<i64: 1, 32>}, {pipeline_mode = #tpu.pipeline_mode<synchronous>, transform_indices = @transform_17, window_bounds = array<i64: 32, 32>}, {pipeline_mode = #tpu.pipeline_mode<synchronous>, transform_indices = @transform_18, window_bounds = array<i64: 1, 32>}, {pipeline_mode = #tpu.pipeline_mode<synchronous>, transform_indices = @transform_19, window_bounds = array<i64: 32, 32>}, {pipeline_mode = #tpu.pipeline_mode<synchronous>, transform_indices = @transform_20, window_bounds = array<i64: 1, 32>}, {pipeline_mode = #tpu.pipeline_mode<synchronous>, transform_indices = @transform_21, window_bounds = array<i64: 32, 64>}, {pipeline_mode = #tpu.pipeline_mode<synchronous>, transform_indices = @transform_22, window_bounds = array<i64: 1, 64>}, {pipeline_mode = #tpu.pipeline_mode<synchronous>, transform_indices = @transform_23, window_bounds = array<i64: 32, 64>}, {pipeline_mode = #tpu.pipeline_mode<synchronous>, transform_indices = @transform_24, window_bounds = array<i64: 1, 64>}, {pipeline_mode = #tpu.pipeline_mode<synchronous>, transform_indices = @transform_25, window_bounds = array<i64: 10, 32>}, {pipeline_mode = #tpu.pipeline_mode<synchronous>, transform_indices = @transform_26, window_bounds = array<i64: 1, 32>}, {pipeline_mode = #tpu.pipeline_mode<synchronous>, transform_indices = @transform_27, window_bounds = array<i64: 32, 64>}, {pipeline_mode = #tpu.pipeline_mode<synchronous>, transform_indices = @transform_28, window_bounds = array<i64: 1, 64>}, {pipeline_mode = #tpu.pipeline_mode<synchronous>, transform_indices = @transform_29, window_bounds = array<i64: 128, 64>}, {pipeline_mode = #tpu.pipeline_mode<synchronous>, transform_indices = @transform_30, window_bounds = array<i64: 1, 64>}, {pipeline_mode = #tpu.pipeline_mode<synchronous>, transform_indices = @transform_31, window_bounds = array<i64: 64, 64>}, {pipeline_mode = #tpu.pipeline_mode<synchronous>, transform_indices = @transform_32, window_bounds = array<i64: 1, 64>}, {pipeline_mode = #tpu.pipeline_mode<synchronous>, transform_indices = @transform_33, window_bounds = array<i64: 64, 64>}, {pipeline_mode = #tpu.pipeline_mode<synchronous>, transform_indices = @transform_34, window_bounds = array<i64: 1, 64>}, {pipeline_mode = #tpu.pipeline_mode<synchronous>, transform_indices = @transform_35, window_bounds = array<i64: 64, 64>}, {pipeline_mode = #tpu.pipeline_mode<synchronous>, transform_indices = @transform_36, window_bounds = array<i64: 1, 64>}, {pipeline_mode = #tpu.pipeline_mode<synchronous>, transform_indices = @transform_37, window_bounds = array<i64: 64, 128>}, {pipeline_mode = #tpu.pipeline_mode<synchronous>, transform_indices = @transform_38, window_bounds = array<i64: 1, 128>}, {pipeline_mode = #tpu.pipeline_mode<synchronous>, transform_indices = @transform_39, window_bounds = array<i64: 64, 128>}, {pipeline_mode = #tpu.pipeline_mode<synchronous>, transform_indices = @transform_40, window_bounds = array<i64: 1, 128>}, {pipeline_mode = #tpu.pipeline_mode<synchronous>, transform_indices = @transform_41, window_bounds = array<i64: 10, 64>}, {pipeline_mode = #tpu.pipeline_mode<synchronous>, transform_indices = @transform_42, window_bounds = array<i64: 1, 64>}, {pipeline_mode = #tpu.pipeline_mode<synchronous>, transform_indices = @transform_43, window_bounds = array<i64: 64, 128>}, {pipeline_mode = #tpu.pipeline_mode<synchronous>, transform_indices = @transform_44, window_bounds = array<i64: 1, 128>}, {pipeline_mode = #tpu.pipeline_mode<synchronous>, transform_indices = @transform_45, window_bounds = array<i64: 256, 128>}, {pipeline_mode = #tpu.pipeline_mode<synchronous>, transform_indices = @transform_46, window_bounds = array<i64: 1, 128>}, {pipeline_mode = #tpu.pipeline_mode<synchronous>, transform_indices = @transform_47, window_bounds = array<i64: 128, 128>}, {pipeline_mode = #tpu.pipeline_mode<synchronous>, transform_indices = @transform_48, window_bounds = array<i64: 1, 128>}, {pipeline_mode = #tpu.pipeline_mode<synchronous>, transform_indices = @transform_49, window_bounds = array<i64: 128, 128>}, {pipeline_mode = #tpu.pipeline_mode<synchronous>, transform_indices = @transform_50, window_bounds = array<i64: 1, 128>}, {pipeline_mode = #tpu.pipeline_mode<synchronous>, transform_indices = @transform_51, window_bounds = array<i64: 128, 128>}, {pipeline_mode = #tpu.pipeline_mode<synchronous>, transform_indices = @transform_52, window_bounds = array<i64: 1, 128>}, {pipeline_mode = #tpu.pipeline_mode<synchronous>, transform_indices = @transform_53, window_bounds = array<i64: 128, 256>}, {pipeline_mode = #tpu.pipeline_mode<synchronous>, transform_indices = @transform_54, window_bounds = array<i64: 1, 256>}, {pipeline_mode = #tpu.pipeline_mode<synchronous>, transform_indices = @transform_55, window_bounds = array<i64: 128, 256>}, {pipeline_mode = #tpu.pipeline_mode<synchronous>, transform_indices = @transform_56, window_bounds = array<i64: 1, 256>}, {transform_indices = @transform_57, window_bounds = array<i64: 1, 256, 256>}]} {
    %get3A = arith.constant 0 : index
    %get3A_0 = arith.constant 0 : index
    %get3A_1 = arith.constant 0 : index
    %get3A_2 = vector.load %arg6[%get3A, %get3A_0, %get3A_1] : memref<1x256x3xf32, #tpu.memory_space<vmem>>, vector<1x256x3xf32>
    %get3A_3 = vector.shape_cast %get3A_2 : vector<1x256x3xf32> to vector<256x3xf32>
    %get3A_4 = arith.constant 0 : index
    %get3A_5 = arith.constant 0 : index
    %get3A_6 = arith.constant 0 : index
    %get3A_7 = vector.load %arg7[%get3A_4, %get3A_5, %get3A_6] : memref<1x256x3xf32, #tpu.memory_space<vmem>>, vector<1x256x3xf32>
    %get3A_8 = vector.shape_cast %get3A_7 : vector<1x256x3xf32> to vector<256x3xf32>
    %get3A_9 = arith.constant 0 : index
    %get3A_10 = arith.constant 0 : index
    %get3A_11 = vector.load %arg8[%get3A_9, %get3A_10] : memref<3x32xf32, #tpu.memory_space<vmem>>, vector<3x32xf32>
    %dot_general3A = arith.constant dense<0.000000e+00> : vector<256x32xf32>
    %dot_general3A_12 = tpu.matmul %get3A_8, %get3A_11, %dot_general3A {dimension_numbers = #tpu.dot_dimension_numbers<[1], [0], [0], [1], [0, 0, 1, 1], [], []>, transpose_lhs_hint = false} : vector<256x3xf32>, vector<3x32xf32>, vector<256x32xf32> -> vector<256x32xf32>
    %get3A_13 = arith.constant 0 : index
    %get3A_14 = arith.constant 0 : index
    %get3A_15 = vector.load %arg9[%get3A_13, %get3A_14] : memref<1x32xf32, #tpu.memory_space<vmem>>, vector<1x32xf32>
    %add3A = vector.broadcast %get3A_15 : vector<1x32xf32> to vector<256x32xf32>
    %add3A_16 = arith.addf %dot_general3A_12, %add3A : vector<256x32xf32>
    %mul3A = arith.constant 0.999994993 : f32
    %mul3A_17 = vector.broadcast %mul3A : f32 to vector<256x32xf32>
    %mul3A_18 = arith.mulf %add3A_16, %mul3A_17 : vector<256x32xf32>
    %max3A = arith.constant 0.000000e+00 : f32
    %max3A_19 = vector.broadcast %max3A : f32 to vector<256x32xf32>
    %max3A_20 = arith.maximumf %mul3A_18, %max3A_19 : vector<256x32xf32>
    %get3A_21 = arith.constant 0 : index
    %get3A_22 = arith.constant 0 : index
    %get3A_23 = arith.constant 0 : index
    %get3A_24 = vector.load %arg1[%get3A_21, %get3A_22, %get3A_23] : memref<1x3x4096xf32, #tpu.memory_space<vmem>>, vector<1x3x4096xf32>
    %get3A_25 = vector.shape_cast %get3A_24 : vector<1x3x4096xf32> to vector<3x4096xf32>
    %get3A_26 = arith.constant 0 : index
    %get3A_27 = arith.constant 0 : index
    %get3A_28 = arith.constant 0 : index
    %get3A_29 = vector.load %arg2[%get3A_26, %get3A_27, %get3A_28] : memref<1x4096x3xf32, #tpu.memory_space<vmem>>, vector<1x4096x3xf32>
    %get3A_30 = vector.shape_cast %get3A_29 : vector<1x4096x3xf32> to vector<4096x3xf32>
    %mul3A_31 = arith.mulf %get3A_25, %get3A_25 : vector<3x4096xf32>
    %reduce_sum3A = arith.constant dense<0.000000e+00> : vector<4096xf32>
    %reduce_sum3A_32 = vector.multi_reduction <add>, %mul3A_31, %reduce_sum3A [0] : vector<3x4096xf32> to vector<4096xf32>
    %broadcast_in_dim3A = vector.shape_cast %reduce_sum3A_32 : vector<4096xf32> to vector<1x4096xf32>
    %mul3A_33 = arith.mulf %get3A_3, %get3A_3 : vector<256x3xf32>
    %reduce_sum3A_34 = arith.constant dense<0.000000e+00> : vector<256xf32>
    %reduce_sum3A_35 = vector.multi_reduction <add>, %mul3A_33, %reduce_sum3A_34 [1] : vector<256x3xf32> to vector<256xf32>
    %broadcast_in_dim3A_36 = vector.shape_cast %reduce_sum3A_35 : vector<256xf32> to vector<256x1xf32>
    %add3A_37 = vector.broadcast %broadcast_in_dim3A_36 : vector<256x1xf32> to vector<256x4096xf32>
    %add3A_38 = vector.broadcast %broadcast_in_dim3A : vector<1x4096xf32> to vector<256x4096xf32>
    %add3A_39 = arith.addf %add3A_37, %add3A_38 : vector<256x4096xf32>
    %dot_general3A_40 = arith.constant dense<0.000000e+00> : vector<256x4096xf32>
    %dot_general3A_41 = tpu.matmul %get3A_3, %get3A_25, %dot_general3A_40 {dimension_numbers = #tpu.dot_dimension_numbers<[1], [0], [0], [1], [0, 0, 1, 1], [], []>, transpose_lhs_hint = false} : vector<256x3xf32>, vector<3x4096xf32>, vector<256x4096xf32> -> vector<256x4096xf32>
    %mul3A_42 = arith.constant 2.000000e+00 : f32
    %mul3A_43 = vector.broadcast %mul3A_42 : f32 to vector<256x4096xf32>
    %mul3A_44 = arith.mulf %mul3A_43, %dot_general3A_41 : vector<256x4096xf32>
    %sub3A = arith.subf %add3A_39, %mul3A_44 : vector<256x4096xf32>
    %iota3A = tpu.iota {dimensions = array<i32: 1>} : vector<256x4096xi32>
    %reduce_min3A = arith.constant dense<0x7F800000> : vector<256xf32>
    %reduce_min3A_45 = vector.multi_reduction <minimumf>, %sub3A, %reduce_min3A [1] : vector<256x4096xf32> to vector<256xf32>
    %broadcast_in_dim3A_46 = vector.shape_cast %reduce_min3A_45 : vector<256xf32> to vector<256x1xf32>
    %eq3A = vector.broadcast %broadcast_in_dim3A_46 : vector<256x1xf32> to vector<256x4096xf32>
    %eq3A_47 = arith.cmpf oeq, %sub3A, %eq3A : vector<256x4096xf32>
    %jit3A = arith.constant 4096 : i32
    %broadcast_in_dim3A_48 = vector.broadcast %jit3A : i32 to vector<256x4096xi32>
    %select_n3A = arith.select %eq3A_47, %iota3A, %broadcast_in_dim3A_48 : vector<256x4096xi1>, vector<256x4096xi32>
    %reduce_min3A_49 = arith.constant dense<2147483647> : vector<256xi32>
    %reduce_min3A_50 = vector.multi_reduction <minsi>, %select_n3A, %reduce_min3A_49 [1] : vector<256x4096xi32> to vector<256xi32>
    %broadcast_in_dim3A_51 = vector.shape_cast %reduce_min3A_50 : vector<256xi32> to vector<256x1xi32>
    %eq3A_52 = vector.broadcast %broadcast_in_dim3A_51 : vector<256x1xi32> to vector<256x4096xi32>
    %eq3A_53 = arith.cmpi eq, %iota3A, %eq3A_52 : vector<256x4096xi32>
    %convert_element_type3A = arith.extui %eq3A_53 : vector<256x4096xi1> to vector<256x4096xi32>
    %convert_element_type3A_54 = arith.sitofp %convert_element_type3A : vector<256x4096xi32> to vector<256x4096xf32>
    %jit3A_55 = arith.constant 0x7F800000 : f32
    %broadcast_in_dim3A_56 = vector.broadcast %jit3A_55 : f32 to vector<256x4096xf32>
    %select_n3A_57 = arith.select %eq3A_53, %broadcast_in_dim3A_56, %sub3A : vector<256x4096xi1>, vector<256x4096xf32>
    %dot_general3A_58 = arith.constant dense<0.000000e+00> : vector<256x3xf32>
    %dot_general3A_59 = tpu.matmul %convert_element_type3A_54, %get3A_30, %dot_general3A_58 {dimension_numbers = #tpu.dot_dimension_numbers<[1], [0], [0], [1], [0, 0, 1, 1], [], []>, transpose_lhs_hint = false} : vector<256x4096xf32>, vector<4096x3xf32>, vector<256x3xf32> -> vector<256x3xf32>
    %sub3A_60 = arith.subf %dot_general3A_59, %get3A_3 : vector<256x3xf32>
    %mul3A_61 = arith.mulf %sub3A_60, %sub3A_60 : vector<256x3xf32>
    %reduce_sum3A_62 = arith.constant dense<0.000000e+00> : vector<256xf32>
    %reduce_sum3A_63 = vector.multi_reduction <add>, %mul3A_61, %reduce_sum3A_62 [1] : vector<256x3xf32> to vector<256xf32>
    %broadcast_in_dim3A_64 = vector.shape_cast %reduce_sum3A_63 : vector<256xf32> to vector<256x1xf32>
    %add3A_65 = arith.constant 9.99999996E-13 : f32
    %add3A_66 = vector.broadcast %add3A_65 : f32 to vector<256x1xf32>
    %add3A_67 = arith.addf %broadcast_in_dim3A_64, %add3A_66 : vector<256x1xf32>
    %sqrt3A = math.sqrt %add3A_67 : vector<256x1xf32>
    %concatenate3A = tpu.concatenate %sub3A_60, %sqrt3A, %get3A_3, %dot_general3A_59 in 1 : vector<256x3xf32>, vector<256x1xf32>, vector<256x3xf32>, vector<256x3xf32> -> vector<256x10xf32>
    %reduce_min3A_68 = arith.constant dense<0x7F800000> : vector<256xf32>
    %reduce_min3A_69 = vector.multi_reduction <minimumf>, %select_n3A_57, %reduce_min3A_68 [1] : vector<256x4096xf32> to vector<256xf32>
    %broadcast_in_dim3A_70 = vector.shape_cast %reduce_min3A_69 : vector<256xf32> to vector<256x1xf32>
    %eq3A_71 = vector.broadcast %broadcast_in_dim3A_70 : vector<256x1xf32> to vector<256x4096xf32>
    %eq3A_72 = arith.cmpf oeq, %select_n3A_57, %eq3A_71 : vector<256x4096xf32>
    %jit3A_73 = arith.constant 4096 : i32
    %broadcast_in_dim3A_74 = vector.broadcast %jit3A_73 : i32 to vector<256x4096xi32>
    %select_n3A_75 = arith.select %eq3A_72, %iota3A, %broadcast_in_dim3A_74 : vector<256x4096xi1>, vector<256x4096xi32>
    %reduce_min3A_76 = arith.constant dense<2147483647> : vector<256xi32>
    %reduce_min3A_77 = vector.multi_reduction <minsi>, %select_n3A_75, %reduce_min3A_76 [1] : vector<256x4096xi32> to vector<256xi32>
    %broadcast_in_dim3A_78 = vector.shape_cast %reduce_min3A_77 : vector<256xi32> to vector<256x1xi32>
    %eq3A_79 = vector.broadcast %broadcast_in_dim3A_78 : vector<256x1xi32> to vector<256x4096xi32>
    %eq3A_80 = arith.cmpi eq, %iota3A, %eq3A_79 : vector<256x4096xi32>
    %convert_element_type3A_81 = arith.extui %eq3A_80 : vector<256x4096xi1> to vector<256x4096xi32>
    %convert_element_type3A_82 = arith.sitofp %convert_element_type3A_81 : vector<256x4096xi32> to vector<256x4096xf32>
    %jit3A_83 = arith.constant 0x7F800000 : f32
    %broadcast_in_dim3A_84 = vector.broadcast %jit3A_83 : f32 to vector<256x4096xf32>
    %select_n3A_85 = arith.select %eq3A_80, %broadcast_in_dim3A_84, %select_n3A_57 : vector<256x4096xi1>, vector<256x4096xf32>
    %dot_general3A_86 = arith.constant dense<0.000000e+00> : vector<256x3xf32>
    %dot_general3A_87 = tpu.matmul %convert_element_type3A_82, %get3A_30, %dot_general3A_86 {dimension_numbers = #tpu.dot_dimension_numbers<[1], [0], [0], [1], [0, 0, 1, 1], [], []>, transpose_lhs_hint = false} : vector<256x4096xf32>, vector<4096x3xf32>, vector<256x3xf32> -> vector<256x3xf32>
    %sub3A_88 = arith.subf %dot_general3A_87, %get3A_3 : vector<256x3xf32>
    %mul3A_89 = arith.mulf %sub3A_88, %sub3A_88 : vector<256x3xf32>
    %reduce_sum3A_90 = arith.constant dense<0.000000e+00> : vector<256xf32>
    %reduce_sum3A_91 = vector.multi_reduction <add>, %mul3A_89, %reduce_sum3A_90 [1] : vector<256x3xf32> to vector<256xf32>
    %broadcast_in_dim3A_92 = vector.shape_cast %reduce_sum3A_91 : vector<256xf32> to vector<256x1xf32>
    %add3A_93 = arith.constant 9.99999996E-13 : f32
    %add3A_94 = vector.broadcast %add3A_93 : f32 to vector<256x1xf32>
    %add3A_95 = arith.addf %broadcast_in_dim3A_92, %add3A_94 : vector<256x1xf32>
    %sqrt3A_96 = math.sqrt %add3A_95 : vector<256x1xf32>
    %concatenate3A_97 = tpu.concatenate %sub3A_88, %sqrt3A_96, %get3A_3, %dot_general3A_87 in 1 : vector<256x3xf32>, vector<256x1xf32>, vector<256x3xf32>, vector<256x3xf32> -> vector<256x10xf32>
    %reduce_min3A_98 = arith.constant dense<0x7F800000> : vector<256xf32>
    %reduce_min3A_99 = vector.multi_reduction <minimumf>, %select_n3A_85, %reduce_min3A_98 [1] : vector<256x4096xf32> to vector<256xf32>
    %broadcast_in_dim3A_100 = vector.shape_cast %reduce_min3A_99 : vector<256xf32> to vector<256x1xf32>
    %eq3A_101 = vector.broadcast %broadcast_in_dim3A_100 : vector<256x1xf32> to vector<256x4096xf32>
    %eq3A_102 = arith.cmpf oeq, %select_n3A_85, %eq3A_101 : vector<256x4096xf32>
    %jit3A_103 = arith.constant 4096 : i32
    %broadcast_in_dim3A_104 = vector.broadcast %jit3A_103 : i32 to vector<256x4096xi32>
    %select_n3A_105 = arith.select %eq3A_102, %iota3A, %broadcast_in_dim3A_104 : vector<256x4096xi1>, vector<256x4096xi32>
    %reduce_min3A_106 = arith.constant dense<2147483647> : vector<256xi32>
    %reduce_min3A_107 = vector.multi_reduction <minsi>, %select_n3A_105, %reduce_min3A_106 [1] : vector<256x4096xi32> to vector<256xi32>
    %broadcast_in_dim3A_108 = vector.shape_cast %reduce_min3A_107 : vector<256xi32> to vector<256x1xi32>
    %eq3A_109 = vector.broadcast %broadcast_in_dim3A_108 : vector<256x1xi32> to vector<256x4096xi32>
    %eq3A_110 = arith.cmpi eq, %iota3A, %eq3A_109 : vector<256x4096xi32>
    %convert_element_type3A_111 = arith.extui %eq3A_110 : vector<256x4096xi1> to vector<256x4096xi32>
    %convert_element_type3A_112 = arith.sitofp %convert_element_type3A_111 : vector<256x4096xi32> to vector<256x4096xf32>
    %jit3A_113 = arith.constant 0x7F800000 : f32
    %broadcast_in_dim3A_114 = vector.broadcast %jit3A_113 : f32 to vector<256x4096xf32>
    %select_n3A_115 = arith.select %eq3A_110, %broadcast_in_dim3A_114, %select_n3A_85 : vector<256x4096xi1>, vector<256x4096xf32>
    %dot_general3A_116 = arith.constant dense<0.000000e+00> : vector<256x3xf32>
    %dot_general3A_117 = tpu.matmul %convert_element_type3A_112, %get3A_30, %dot_general3A_116 {dimension_numbers = #tpu.dot_dimension_numbers<[1], [0], [0], [1], [0, 0, 1, 1], [], []>, transpose_lhs_hint = false} : vector<256x4096xf32>, vector<4096x3xf32>, vector<256x3xf32> -> vector<256x3xf32>
    %sub3A_118 = arith.subf %dot_general3A_117, %get3A_3 : vector<256x3xf32>
    %mul3A_119 = arith.mulf %sub3A_118, %sub3A_118 : vector<256x3xf32>
    %reduce_sum3A_120 = arith.constant dense<0.000000e+00> : vector<256xf32>
    %reduce_sum3A_121 = vector.multi_reduction <add>, %mul3A_119, %reduce_sum3A_120 [1] : vector<256x3xf32> to vector<256xf32>
    %broadcast_in_dim3A_122 = vector.shape_cast %reduce_sum3A_121 : vector<256xf32> to vector<256x1xf32>
    %add3A_123 = arith.constant 9.99999996E-13 : f32
    %add3A_124 = vector.broadcast %add3A_123 : f32 to vector<256x1xf32>
    %add3A_125 = arith.addf %broadcast_in_dim3A_122, %add3A_124 : vector<256x1xf32>
    %sqrt3A_126 = math.sqrt %add3A_125 : vector<256x1xf32>
    %concatenate3A_127 = tpu.concatenate %sub3A_118, %sqrt3A_126, %get3A_3, %dot_general3A_117 in 1 : vector<256x3xf32>, vector<256x1xf32>, vector<256x3xf32>, vector<256x3xf32> -> vector<256x10xf32>
    %reduce_min3A_128 = arith.constant dense<0x7F800000> : vector<256xf32>
    %reduce_min3A_129 = vector.multi_reduction <minimumf>, %select_n3A_115, %reduce_min3A_128 [1] : vector<256x4096xf32> to vector<256xf32>
    %broadcast_in_dim3A_130 = vector.shape_cast %reduce_min3A_129 : vector<256xf32> to vector<256x1xf32>
    %eq3A_131 = vector.broadcast %broadcast_in_dim3A_130 : vector<256x1xf32> to vector<256x4096xf32>
    %eq3A_132 = arith.cmpf oeq, %select_n3A_115, %eq3A_131 : vector<256x4096xf32>
    %jit3A_133 = arith.constant 4096 : i32
    %broadcast_in_dim3A_134 = vector.broadcast %jit3A_133 : i32 to vector<256x4096xi32>
    %select_n3A_135 = arith.select %eq3A_132, %iota3A, %broadcast_in_dim3A_134 : vector<256x4096xi1>, vector<256x4096xi32>
    %reduce_min3A_136 = arith.constant dense<2147483647> : vector<256xi32>
    %reduce_min3A_137 = vector.multi_reduction <minsi>, %select_n3A_135, %reduce_min3A_136 [1] : vector<256x4096xi32> to vector<256xi32>
    %broadcast_in_dim3A_138 = vector.shape_cast %reduce_min3A_137 : vector<256xi32> to vector<256x1xi32>
    %eq3A_139 = vector.broadcast %broadcast_in_dim3A_138 : vector<256x1xi32> to vector<256x4096xi32>
    %eq3A_140 = arith.cmpi eq, %iota3A, %eq3A_139 : vector<256x4096xi32>
    %convert_element_type3A_141 = arith.extui %eq3A_140 : vector<256x4096xi1> to vector<256x4096xi32>
    %convert_element_type3A_142 = arith.sitofp %convert_element_type3A_141 : vector<256x4096xi32> to vector<256x4096xf32>
    %jit3A_143 = arith.constant 0x7F800000 : f32
    %broadcast_in_dim3A_144 = vector.broadcast %jit3A_143 : f32 to vector<256x4096xf32>
    %select_n3A_145 = arith.select %eq3A_140, %broadcast_in_dim3A_144, %select_n3A_115 : vector<256x4096xi1>, vector<256x4096xf32>
    %dot_general3A_146 = arith.constant dense<0.000000e+00> : vector<256x3xf32>
    %dot_general3A_147 = tpu.matmul %convert_element_type3A_142, %get3A_30, %dot_general3A_146 {dimension_numbers = #tpu.dot_dimension_numbers<[1], [0], [0], [1], [0, 0, 1, 1], [], []>, transpose_lhs_hint = false} : vector<256x4096xf32>, vector<4096x3xf32>, vector<256x3xf32> -> vector<256x3xf32>
    %sub3A_148 = arith.subf %dot_general3A_147, %get3A_3 : vector<256x3xf32>
    %mul3A_149 = arith.mulf %sub3A_148, %sub3A_148 : vector<256x3xf32>
    %reduce_sum3A_150 = arith.constant dense<0.000000e+00> : vector<256xf32>
    %reduce_sum3A_151 = vector.multi_reduction <add>, %mul3A_149, %reduce_sum3A_150 [1] : vector<256x3xf32> to vector<256xf32>
    %broadcast_in_dim3A_152 = vector.shape_cast %reduce_sum3A_151 : vector<256xf32> to vector<256x1xf32>
    %add3A_153 = arith.constant 9.99999996E-13 : f32
    %add3A_154 = vector.broadcast %add3A_153 : f32 to vector<256x1xf32>
    %add3A_155 = arith.addf %broadcast_in_dim3A_152, %add3A_154 : vector<256x1xf32>
    %sqrt3A_156 = math.sqrt %add3A_155 : vector<256x1xf32>
    %concatenate3A_157 = tpu.concatenate %sub3A_148, %sqrt3A_156, %get3A_3, %dot_general3A_147 in 1 : vector<256x3xf32>, vector<256x1xf32>, vector<256x3xf32>, vector<256x3xf32> -> vector<256x10xf32>
    %reduce_min3A_158 = arith.constant dense<0x7F800000> : vector<256xf32>
    %reduce_min3A_159 = vector.multi_reduction <minimumf>, %select_n3A_145, %reduce_min3A_158 [1] : vector<256x4096xf32> to vector<256xf32>
    %broadcast_in_dim3A_160 = vector.shape_cast %reduce_min3A_159 : vector<256xf32> to vector<256x1xf32>
    %eq3A_161 = vector.broadcast %broadcast_in_dim3A_160 : vector<256x1xf32> to vector<256x4096xf32>
    %eq3A_162 = arith.cmpf oeq, %select_n3A_145, %eq3A_161 : vector<256x4096xf32>
    %jit3A_163 = arith.constant 4096 : i32
    %broadcast_in_dim3A_164 = vector.broadcast %jit3A_163 : i32 to vector<256x4096xi32>
    %select_n3A_165 = arith.select %eq3A_162, %iota3A, %broadcast_in_dim3A_164 : vector<256x4096xi1>, vector<256x4096xi32>
    %reduce_min3A_166 = arith.constant dense<2147483647> : vector<256xi32>
    %reduce_min3A_167 = vector.multi_reduction <minsi>, %select_n3A_165, %reduce_min3A_166 [1] : vector<256x4096xi32> to vector<256xi32>
    %broadcast_in_dim3A_168 = vector.shape_cast %reduce_min3A_167 : vector<256xi32> to vector<256x1xi32>
    %eq3A_169 = vector.broadcast %broadcast_in_dim3A_168 : vector<256x1xi32> to vector<256x4096xi32>
    %eq3A_170 = arith.cmpi eq, %iota3A, %eq3A_169 : vector<256x4096xi32>
    %convert_element_type3A_171 = arith.extui %eq3A_170 : vector<256x4096xi1> to vector<256x4096xi32>
    %convert_element_type3A_172 = arith.sitofp %convert_element_type3A_171 : vector<256x4096xi32> to vector<256x4096xf32>
    %jit3A_173 = arith.constant 0x7F800000 : f32
    %broadcast_in_dim3A_174 = vector.broadcast %jit3A_173 : f32 to vector<256x4096xf32>
    %select_n3A_175 = arith.select %eq3A_170, %broadcast_in_dim3A_174, %select_n3A_145 : vector<256x4096xi1>, vector<256x4096xf32>
    %dot_general3A_176 = arith.constant dense<0.000000e+00> : vector<256x3xf32>
    %dot_general3A_177 = tpu.matmul %convert_element_type3A_172, %get3A_30, %dot_general3A_176 {dimension_numbers = #tpu.dot_dimension_numbers<[1], [0], [0], [1], [0, 0, 1, 1], [], []>, transpose_lhs_hint = false} : vector<256x4096xf32>, vector<4096x3xf32>, vector<256x3xf32> -> vector<256x3xf32>
    %sub3A_178 = arith.subf %dot_general3A_177, %get3A_3 : vector<256x3xf32>
    %mul3A_179 = arith.mulf %sub3A_178, %sub3A_178 : vector<256x3xf32>
    %reduce_sum3A_180 = arith.constant dense<0.000000e+00> : vector<256xf32>
    %reduce_sum3A_181 = vector.multi_reduction <add>, %mul3A_179, %reduce_sum3A_180 [1] : vector<256x3xf32> to vector<256xf32>
    %broadcast_in_dim3A_182 = vector.shape_cast %reduce_sum3A_181 : vector<256xf32> to vector<256x1xf32>
    %add3A_183 = arith.constant 9.99999996E-13 : f32
    %add3A_184 = vector.broadcast %add3A_183 : f32 to vector<256x1xf32>
    %add3A_185 = arith.addf %broadcast_in_dim3A_182, %add3A_184 : vector<256x1xf32>
    %sqrt3A_186 = math.sqrt %add3A_185 : vector<256x1xf32>
    %concatenate3A_187 = tpu.concatenate %sub3A_178, %sqrt3A_186, %get3A_3, %dot_general3A_177 in 1 : vector<256x3xf32>, vector<256x1xf32>, vector<256x3xf32>, vector<256x3xf32> -> vector<256x10xf32>
    %reduce_min3A_188 = arith.constant dense<0x7F800000> : vector<256xf32>
    %reduce_min3A_189 = vector.multi_reduction <minimumf>, %select_n3A_175, %reduce_min3A_188 [1] : vector<256x4096xf32> to vector<256xf32>
    %broadcast_in_dim3A_190 = vector.shape_cast %reduce_min3A_189 : vector<256xf32> to vector<256x1xf32>
    %eq3A_191 = vector.broadcast %broadcast_in_dim3A_190 : vector<256x1xf32> to vector<256x4096xf32>
    %eq3A_192 = arith.cmpf oeq, %select_n3A_175, %eq3A_191 : vector<256x4096xf32>
    %jit3A_193 = arith.constant 4096 : i32
    %broadcast_in_dim3A_194 = vector.broadcast %jit3A_193 : i32 to vector<256x4096xi32>
    %select_n3A_195 = arith.select %eq3A_192, %iota3A, %broadcast_in_dim3A_194 : vector<256x4096xi1>, vector<256x4096xi32>
    %reduce_min3A_196 = arith.constant dense<2147483647> : vector<256xi32>
    %reduce_min3A_197 = vector.multi_reduction <minsi>, %select_n3A_195, %reduce_min3A_196 [1] : vector<256x4096xi32> to vector<256xi32>
    %broadcast_in_dim3A_198 = vector.shape_cast %reduce_min3A_197 : vector<256xi32> to vector<256x1xi32>
    %eq3A_199 = vector.broadcast %broadcast_in_dim3A_198 : vector<256x1xi32> to vector<256x4096xi32>
    %eq3A_200 = arith.cmpi eq, %iota3A, %eq3A_199 : vector<256x4096xi32>
    %convert_element_type3A_201 = arith.extui %eq3A_200 : vector<256x4096xi1> to vector<256x4096xi32>
    %convert_element_type3A_202 = arith.sitofp %convert_element_type3A_201 : vector<256x4096xi32> to vector<256x4096xf32>
    %jit3A_203 = arith.constant 0x7F800000 : f32
    %broadcast_in_dim3A_204 = vector.broadcast %jit3A_203 : f32 to vector<256x4096xf32>
    %select_n3A_205 = arith.select %eq3A_200, %broadcast_in_dim3A_204, %select_n3A_175 : vector<256x4096xi1>, vector<256x4096xf32>
    %dot_general3A_206 = arith.constant dense<0.000000e+00> : vector<256x3xf32>
    %dot_general3A_207 = tpu.matmul %convert_element_type3A_202, %get3A_30, %dot_general3A_206 {dimension_numbers = #tpu.dot_dimension_numbers<[1], [0], [0], [1], [0, 0, 1, 1], [], []>, transpose_lhs_hint = false} : vector<256x4096xf32>, vector<4096x3xf32>, vector<256x3xf32> -> vector<256x3xf32>
    %sub3A_208 = arith.subf %dot_general3A_207, %get3A_3 : vector<256x3xf32>
    %mul3A_209 = arith.mulf %sub3A_208, %sub3A_208 : vector<256x3xf32>
    %reduce_sum3A_210 = arith.constant dense<0.000000e+00> : vector<256xf32>
    %reduce_sum3A_211 = vector.multi_reduction <add>, %mul3A_209, %reduce_sum3A_210 [1] : vector<256x3xf32> to vector<256xf32>
    %broadcast_in_dim3A_212 = vector.shape_cast %reduce_sum3A_211 : vector<256xf32> to vector<256x1xf32>
    %add3A_213 = arith.constant 9.99999996E-13 : f32
    %add3A_214 = vector.broadcast %add3A_213 : f32 to vector<256x1xf32>
    %add3A_215 = arith.addf %broadcast_in_dim3A_212, %add3A_214 : vector<256x1xf32>
    %sqrt3A_216 = math.sqrt %add3A_215 : vector<256x1xf32>
    %concatenate3A_217 = tpu.concatenate %sub3A_208, %sqrt3A_216, %get3A_3, %dot_general3A_207 in 1 : vector<256x3xf32>, vector<256x1xf32>, vector<256x3xf32>, vector<256x3xf32> -> vector<256x10xf32>
    %reduce_min3A_218 = arith.constant dense<0x7F800000> : vector<256xf32>
    %reduce_min3A_219 = vector.multi_reduction <minimumf>, %select_n3A_205, %reduce_min3A_218 [1] : vector<256x4096xf32> to vector<256xf32>
    %broadcast_in_dim3A_220 = vector.shape_cast %reduce_min3A_219 : vector<256xf32> to vector<256x1xf32>
    %eq3A_221 = vector.broadcast %broadcast_in_dim3A_220 : vector<256x1xf32> to vector<256x4096xf32>
    %eq3A_222 = arith.cmpf oeq, %select_n3A_205, %eq3A_221 : vector<256x4096xf32>
    %jit3A_223 = arith.constant 4096 : i32
    %broadcast_in_dim3A_224 = vector.broadcast %jit3A_223 : i32 to vector<256x4096xi32>
    %select_n3A_225 = arith.select %eq3A_222, %iota3A, %broadcast_in_dim3A_224 : vector<256x4096xi1>, vector<256x4096xi32>
    %reduce_min3A_226 = arith.constant dense<2147483647> : vector<256xi32>
    %reduce_min3A_227 = vector.multi_reduction <minsi>, %select_n3A_225, %reduce_min3A_226 [1] : vector<256x4096xi32> to vector<256xi32>
    %broadcast_in_dim3A_228 = vector.shape_cast %reduce_min3A_227 : vector<256xi32> to vector<256x1xi32>
    %eq3A_229 = vector.broadcast %broadcast_in_dim3A_228 : vector<256x1xi32> to vector<256x4096xi32>
    %eq3A_230 = arith.cmpi eq, %iota3A, %eq3A_229 : vector<256x4096xi32>
    %convert_element_type3A_231 = arith.extui %eq3A_230 : vector<256x4096xi1> to vector<256x4096xi32>
    %convert_element_type3A_232 = arith.sitofp %convert_element_type3A_231 : vector<256x4096xi32> to vector<256x4096xf32>
    %jit3A_233 = arith.constant 0x7F800000 : f32
    %broadcast_in_dim3A_234 = vector.broadcast %jit3A_233 : f32 to vector<256x4096xf32>
    %select_n3A_235 = arith.select %eq3A_230, %broadcast_in_dim3A_234, %select_n3A_205 : vector<256x4096xi1>, vector<256x4096xf32>
    %dot_general3A_236 = arith.constant dense<0.000000e+00> : vector<256x3xf32>
    %dot_general3A_237 = tpu.matmul %convert_element_type3A_232, %get3A_30, %dot_general3A_236 {dimension_numbers = #tpu.dot_dimension_numbers<[1], [0], [0], [1], [0, 0, 1, 1], [], []>, transpose_lhs_hint = false} : vector<256x4096xf32>, vector<4096x3xf32>, vector<256x3xf32> -> vector<256x3xf32>
    %sub3A_238 = arith.subf %dot_general3A_237, %get3A_3 : vector<256x3xf32>
    %mul3A_239 = arith.mulf %sub3A_238, %sub3A_238 : vector<256x3xf32>
    %reduce_sum3A_240 = arith.constant dense<0.000000e+00> : vector<256xf32>
    %reduce_sum3A_241 = vector.multi_reduction <add>, %mul3A_239, %reduce_sum3A_240 [1] : vector<256x3xf32> to vector<256xf32>
    %broadcast_in_dim3A_242 = vector.shape_cast %reduce_sum3A_241 : vector<256xf32> to vector<256x1xf32>
    %add3A_243 = arith.constant 9.99999996E-13 : f32
    %add3A_244 = vector.broadcast %add3A_243 : f32 to vector<256x1xf32>
    %add3A_245 = arith.addf %broadcast_in_dim3A_242, %add3A_244 : vector<256x1xf32>
    %sqrt3A_246 = math.sqrt %add3A_245 : vector<256x1xf32>
    %concatenate3A_247 = tpu.concatenate %sub3A_238, %sqrt3A_246, %get3A_3, %dot_general3A_237 in 1 : vector<256x3xf32>, vector<256x1xf32>, vector<256x3xf32>, vector<256x3xf32> -> vector<256x10xf32>
    %reduce_min3A_248 = arith.constant dense<0x7F800000> : vector<256xf32>
    %reduce_min3A_249 = vector.multi_reduction <minimumf>, %select_n3A_235, %reduce_min3A_248 [1] : vector<256x4096xf32> to vector<256xf32>
    %broadcast_in_dim3A_250 = vector.shape_cast %reduce_min3A_249 : vector<256xf32> to vector<256x1xf32>
    %eq3A_251 = vector.broadcast %broadcast_in_dim3A_250 : vector<256x1xf32> to vector<256x4096xf32>
    %eq3A_252 = arith.cmpf oeq, %select_n3A_235, %eq3A_251 : vector<256x4096xf32>
    %jit3A_253 = arith.constant 4096 : i32
    %broadcast_in_dim3A_254 = vector.broadcast %jit3A_253 : i32 to vector<256x4096xi32>
    %select_n3A_255 = arith.select %eq3A_252, %iota3A, %broadcast_in_dim3A_254 : vector<256x4096xi1>, vector<256x4096xi32>
    %reduce_min3A_256 = arith.constant dense<2147483647> : vector<256xi32>
    %reduce_min3A_257 = vector.multi_reduction <minsi>, %select_n3A_255, %reduce_min3A_256 [1] : vector<256x4096xi32> to vector<256xi32>
    %broadcast_in_dim3A_258 = vector.shape_cast %reduce_min3A_257 : vector<256xi32> to vector<256x1xi32>
    %eq3A_259 = vector.broadcast %broadcast_in_dim3A_258 : vector<256x1xi32> to vector<256x4096xi32>
    %eq3A_260 = arith.cmpi eq, %iota3A, %eq3A_259 : vector<256x4096xi32>
    %convert_element_type3A_261 = arith.extui %eq3A_260 : vector<256x4096xi1> to vector<256x4096xi32>
    %convert_element_type3A_262 = arith.sitofp %convert_element_type3A_261 : vector<256x4096xi32> to vector<256x4096xf32>
    %jit3A_263 = arith.constant 0x7F800000 : f32
    %broadcast_in_dim3A_264 = vector.broadcast %jit3A_263 : f32 to vector<256x4096xf32>
    %select_n3A_265 = arith.select %eq3A_260, %broadcast_in_dim3A_264, %select_n3A_235 : vector<256x4096xi1>, vector<256x4096xf32>
    %dot_general3A_266 = arith.constant dense<0.000000e+00> : vector<256x3xf32>
    %dot_general3A_267 = tpu.matmul %convert_element_type3A_262, %get3A_30, %dot_general3A_266 {dimension_numbers = #tpu.dot_dimension_numbers<[1], [0], [0], [1], [0, 0, 1, 1], [], []>, transpose_lhs_hint = false} : vector<256x4096xf32>, vector<4096x3xf32>, vector<256x3xf32> -> vector<256x3xf32>
    %sub3A_268 = arith.subf %dot_general3A_267, %get3A_3 : vector<256x3xf32>
    %mul3A_269 = arith.mulf %sub3A_268, %sub3A_268 : vector<256x3xf32>
    %reduce_sum3A_270 = arith.constant dense<0.000000e+00> : vector<256xf32>
    %reduce_sum3A_271 = vector.multi_reduction <add>, %mul3A_269, %reduce_sum3A_270 [1] : vector<256x3xf32> to vector<256xf32>
    %broadcast_in_dim3A_272 = vector.shape_cast %reduce_sum3A_271 : vector<256xf32> to vector<256x1xf32>
    %add3A_273 = arith.constant 9.99999996E-13 : f32
    %add3A_274 = vector.broadcast %add3A_273 : f32 to vector<256x1xf32>
    %add3A_275 = arith.addf %broadcast_in_dim3A_272, %add3A_274 : vector<256x1xf32>
    %sqrt3A_276 = math.sqrt %add3A_275 : vector<256x1xf32>
    %concatenate3A_277 = tpu.concatenate %sub3A_268, %sqrt3A_276, %get3A_3, %dot_general3A_267 in 1 : vector<256x3xf32>, vector<256x1xf32>, vector<256x3xf32>, vector<256x3xf32> -> vector<256x10xf32>
    %reduce_min3A_278 = arith.constant dense<0x7F800000> : vector<256xf32>
    %reduce_min3A_279 = vector.multi_reduction <minimumf>, %select_n3A_265, %reduce_min3A_278 [1] : vector<256x4096xf32> to vector<256xf32>
    %broadcast_in_dim3A_280 = vector.shape_cast %reduce_min3A_279 : vector<256xf32> to vector<256x1xf32>
    %eq3A_281 = vector.broadcast %broadcast_in_dim3A_280 : vector<256x1xf32> to vector<256x4096xf32>
    %eq3A_282 = arith.cmpf oeq, %select_n3A_265, %eq3A_281 : vector<256x4096xf32>
    %jit3A_283 = arith.constant 4096 : i32
    %broadcast_in_dim3A_284 = vector.broadcast %jit3A_283 : i32 to vector<256x4096xi32>
    %select_n3A_285 = arith.select %eq3A_282, %iota3A, %broadcast_in_dim3A_284 : vector<256x4096xi1>, vector<256x4096xi32>
    %reduce_min3A_286 = arith.constant dense<2147483647> : vector<256xi32>
    %reduce_min3A_287 = vector.multi_reduction <minsi>, %select_n3A_285, %reduce_min3A_286 [1] : vector<256x4096xi32> to vector<256xi32>
    %broadcast_in_dim3A_288 = vector.shape_cast %reduce_min3A_287 : vector<256xi32> to vector<256x1xi32>
    %eq3A_289 = vector.broadcast %broadcast_in_dim3A_288 : vector<256x1xi32> to vector<256x4096xi32>
    %eq3A_290 = arith.cmpi eq, %iota3A, %eq3A_289 : vector<256x4096xi32>
    %convert_element_type3A_291 = arith.extui %eq3A_290 : vector<256x4096xi1> to vector<256x4096xi32>
    %convert_element_type3A_292 = arith.sitofp %convert_element_type3A_291 : vector<256x4096xi32> to vector<256x4096xf32>
    %jit3A_293 = arith.constant 0x7F800000 : f32
    %broadcast_in_dim3A_294 = vector.broadcast %jit3A_293 : f32 to vector<256x4096xf32>
    %select_n3A_295 = arith.select %eq3A_290, %broadcast_in_dim3A_294, %select_n3A_265 : vector<256x4096xi1>, vector<256x4096xf32>
    %dot_general3A_296 = arith.constant dense<0.000000e+00> : vector<256x3xf32>
    %dot_general3A_297 = tpu.matmul %convert_element_type3A_292, %get3A_30, %dot_general3A_296 {dimension_numbers = #tpu.dot_dimension_numbers<[1], [0], [0], [1], [0, 0, 1, 1], [], []>, transpose_lhs_hint = false} : vector<256x4096xf32>, vector<4096x3xf32>, vector<256x3xf32> -> vector<256x3xf32>
    %sub3A_298 = arith.subf %dot_general3A_297, %get3A_3 : vector<256x3xf32>
    %mul3A_299 = arith.mulf %sub3A_298, %sub3A_298 : vector<256x3xf32>
    %reduce_sum3A_300 = arith.constant dense<0.000000e+00> : vector<256xf32>
    %reduce_sum3A_301 = vector.multi_reduction <add>, %mul3A_299, %reduce_sum3A_300 [1] : vector<256x3xf32> to vector<256xf32>
    %broadcast_in_dim3A_302 = vector.shape_cast %reduce_sum3A_301 : vector<256xf32> to vector<256x1xf32>
    %add3A_303 = arith.constant 9.99999996E-13 : f32
    %add3A_304 = vector.broadcast %add3A_303 : f32 to vector<256x1xf32>
    %add3A_305 = arith.addf %broadcast_in_dim3A_302, %add3A_304 : vector<256x1xf32>
    %sqrt3A_306 = math.sqrt %add3A_305 : vector<256x1xf32>
    %concatenate3A_307 = tpu.concatenate %sub3A_298, %sqrt3A_306, %get3A_3, %dot_general3A_297 in 1 : vector<256x3xf32>, vector<256x1xf32>, vector<256x3xf32>, vector<256x3xf32> -> vector<256x10xf32>
    %reduce_min3A_308 = arith.constant dense<0x7F800000> : vector<256xf32>
    %reduce_min3A_309 = vector.multi_reduction <minimumf>, %select_n3A_295, %reduce_min3A_308 [1] : vector<256x4096xf32> to vector<256xf32>
    %broadcast_in_dim3A_310 = vector.shape_cast %reduce_min3A_309 : vector<256xf32> to vector<256x1xf32>
    %eq3A_311 = vector.broadcast %broadcast_in_dim3A_310 : vector<256x1xf32> to vector<256x4096xf32>
    %eq3A_312 = arith.cmpf oeq, %select_n3A_295, %eq3A_311 : vector<256x4096xf32>
    %jit3A_313 = arith.constant 4096 : i32
    %broadcast_in_dim3A_314 = vector.broadcast %jit3A_313 : i32 to vector<256x4096xi32>
    %select_n3A_315 = arith.select %eq3A_312, %iota3A, %broadcast_in_dim3A_314 : vector<256x4096xi1>, vector<256x4096xi32>
    %reduce_min3A_316 = arith.constant dense<2147483647> : vector<256xi32>
    %reduce_min3A_317 = vector.multi_reduction <minsi>, %select_n3A_315, %reduce_min3A_316 [1] : vector<256x4096xi32> to vector<256xi32>
    %broadcast_in_dim3A_318 = vector.shape_cast %reduce_min3A_317 : vector<256xi32> to vector<256x1xi32>
    %eq3A_319 = vector.broadcast %broadcast_in_dim3A_318 : vector<256x1xi32> to vector<256x4096xi32>
    %eq3A_320 = arith.cmpi eq, %iota3A, %eq3A_319 : vector<256x4096xi32>
    %convert_element_type3A_321 = arith.extui %eq3A_320 : vector<256x4096xi1> to vector<256x4096xi32>
    %convert_element_type3A_322 = arith.sitofp %convert_element_type3A_321 : vector<256x4096xi32> to vector<256x4096xf32>
    %jit3A_323 = arith.constant 0x7F800000 : f32
    %broadcast_in_dim3A_324 = vector.broadcast %jit3A_323 : f32 to vector<256x4096xf32>
    %select_n3A_325 = arith.select %eq3A_320, %broadcast_in_dim3A_324, %select_n3A_295 : vector<256x4096xi1>, vector<256x4096xf32>
    %dot_general3A_326 = arith.constant dense<0.000000e+00> : vector<256x3xf32>
    %dot_general3A_327 = tpu.matmul %convert_element_type3A_322, %get3A_30, %dot_general3A_326 {dimension_numbers = #tpu.dot_dimension_numbers<[1], [0], [0], [1], [0, 0, 1, 1], [], []>, transpose_lhs_hint = false} : vector<256x4096xf32>, vector<4096x3xf32>, vector<256x3xf32> -> vector<256x3xf32>
    %sub3A_328 = arith.subf %dot_general3A_327, %get3A_3 : vector<256x3xf32>
    %mul3A_329 = arith.mulf %sub3A_328, %sub3A_328 : vector<256x3xf32>
    %reduce_sum3A_330 = arith.constant dense<0.000000e+00> : vector<256xf32>
    %reduce_sum3A_331 = vector.multi_reduction <add>, %mul3A_329, %reduce_sum3A_330 [1] : vector<256x3xf32> to vector<256xf32>
    %broadcast_in_dim3A_332 = vector.shape_cast %reduce_sum3A_331 : vector<256xf32> to vector<256x1xf32>
    %add3A_333 = arith.constant 9.99999996E-13 : f32
    %add3A_334 = vector.broadcast %add3A_333 : f32 to vector<256x1xf32>
    %add3A_335 = arith.addf %broadcast_in_dim3A_332, %add3A_334 : vector<256x1xf32>
    %sqrt3A_336 = math.sqrt %add3A_335 : vector<256x1xf32>
    %concatenate3A_337 = tpu.concatenate %sub3A_328, %sqrt3A_336, %get3A_3, %dot_general3A_327 in 1 : vector<256x3xf32>, vector<256x1xf32>, vector<256x3xf32>, vector<256x3xf32> -> vector<256x10xf32>
    %reduce_min3A_338 = arith.constant dense<0x7F800000> : vector<256xf32>
    %reduce_min3A_339 = vector.multi_reduction <minimumf>, %select_n3A_325, %reduce_min3A_338 [1] : vector<256x4096xf32> to vector<256xf32>
    %broadcast_in_dim3A_340 = vector.shape_cast %reduce_min3A_339 : vector<256xf32> to vector<256x1xf32>
    %eq3A_341 = vector.broadcast %broadcast_in_dim3A_340 : vector<256x1xf32> to vector<256x4096xf32>
    %eq3A_342 = arith.cmpf oeq, %select_n3A_325, %eq3A_341 : vector<256x4096xf32>
    %jit3A_343 = arith.constant 4096 : i32
    %broadcast_in_dim3A_344 = vector.broadcast %jit3A_343 : i32 to vector<256x4096xi32>
    %select_n3A_345 = arith.select %eq3A_342, %iota3A, %broadcast_in_dim3A_344 : vector<256x4096xi1>, vector<256x4096xi32>
    %reduce_min3A_346 = arith.constant dense<2147483647> : vector<256xi32>
    %reduce_min3A_347 = vector.multi_reduction <minsi>, %select_n3A_345, %reduce_min3A_346 [1] : vector<256x4096xi32> to vector<256xi32>
    %broadcast_in_dim3A_348 = vector.shape_cast %reduce_min3A_347 : vector<256xi32> to vector<256x1xi32>
    %eq3A_349 = vector.broadcast %broadcast_in_dim3A_348 : vector<256x1xi32> to vector<256x4096xi32>
    %eq3A_350 = arith.cmpi eq, %iota3A, %eq3A_349 : vector<256x4096xi32>
    %convert_element_type3A_351 = arith.extui %eq3A_350 : vector<256x4096xi1> to vector<256x4096xi32>
    %convert_element_type3A_352 = arith.sitofp %convert_element_type3A_351 : vector<256x4096xi32> to vector<256x4096xf32>
    %jit3A_353 = arith.constant 0x7F800000 : f32
    %broadcast_in_dim3A_354 = vector.broadcast %jit3A_353 : f32 to vector<256x4096xf32>
    %select_n3A_355 = arith.select %eq3A_350, %broadcast_in_dim3A_354, %select_n3A_325 : vector<256x4096xi1>, vector<256x4096xf32>
    %dot_general3A_356 = arith.constant dense<0.000000e+00> : vector<256x3xf32>
    %dot_general3A_357 = tpu.matmul %convert_element_type3A_352, %get3A_30, %dot_general3A_356 {dimension_numbers = #tpu.dot_dimension_numbers<[1], [0], [0], [1], [0, 0, 1, 1], [], []>, transpose_lhs_hint = false} : vector<256x4096xf32>, vector<4096x3xf32>, vector<256x3xf32> -> vector<256x3xf32>
    %sub3A_358 = arith.subf %dot_general3A_357, %get3A_3 : vector<256x3xf32>
    %mul3A_359 = arith.mulf %sub3A_358, %sub3A_358 : vector<256x3xf32>
    %reduce_sum3A_360 = arith.constant dense<0.000000e+00> : vector<256xf32>
    %reduce_sum3A_361 = vector.multi_reduction <add>, %mul3A_359, %reduce_sum3A_360 [1] : vector<256x3xf32> to vector<256xf32>
    %broadcast_in_dim3A_362 = vector.shape_cast %reduce_sum3A_361 : vector<256xf32> to vector<256x1xf32>
    %add3A_363 = arith.constant 9.99999996E-13 : f32
    %add3A_364 = vector.broadcast %add3A_363 : f32 to vector<256x1xf32>
    %add3A_365 = arith.addf %broadcast_in_dim3A_362, %add3A_364 : vector<256x1xf32>
    %sqrt3A_366 = math.sqrt %add3A_365 : vector<256x1xf32>
    %concatenate3A_367 = tpu.concatenate %sub3A_358, %sqrt3A_366, %get3A_3, %dot_general3A_357 in 1 : vector<256x3xf32>, vector<256x1xf32>, vector<256x3xf32>, vector<256x3xf32> -> vector<256x10xf32>
    %reduce_min3A_368 = arith.constant dense<0x7F800000> : vector<256xf32>
    %reduce_min3A_369 = vector.multi_reduction <minimumf>, %select_n3A_355, %reduce_min3A_368 [1] : vector<256x4096xf32> to vector<256xf32>
    %broadcast_in_dim3A_370 = vector.shape_cast %reduce_min3A_369 : vector<256xf32> to vector<256x1xf32>
    %eq3A_371 = vector.broadcast %broadcast_in_dim3A_370 : vector<256x1xf32> to vector<256x4096xf32>
    %eq3A_372 = arith.cmpf oeq, %select_n3A_355, %eq3A_371 : vector<256x4096xf32>
    %jit3A_373 = arith.constant 4096 : i32
    %broadcast_in_dim3A_374 = vector.broadcast %jit3A_373 : i32 to vector<256x4096xi32>
    %select_n3A_375 = arith.select %eq3A_372, %iota3A, %broadcast_in_dim3A_374 : vector<256x4096xi1>, vector<256x4096xi32>
    %reduce_min3A_376 = arith.constant dense<2147483647> : vector<256xi32>
    %reduce_min3A_377 = vector.multi_reduction <minsi>, %select_n3A_375, %reduce_min3A_376 [1] : vector<256x4096xi32> to vector<256xi32>
    %broadcast_in_dim3A_378 = vector.shape_cast %reduce_min3A_377 : vector<256xi32> to vector<256x1xi32>
    %eq3A_379 = vector.broadcast %broadcast_in_dim3A_378 : vector<256x1xi32> to vector<256x4096xi32>
    %eq3A_380 = arith.cmpi eq, %iota3A, %eq3A_379 : vector<256x4096xi32>
    %convert_element_type3A_381 = arith.extui %eq3A_380 : vector<256x4096xi1> to vector<256x4096xi32>
    %convert_element_type3A_382 = arith.sitofp %convert_element_type3A_381 : vector<256x4096xi32> to vector<256x4096xf32>
    %jit3A_383 = arith.constant 0x7F800000 : f32
    %broadcast_in_dim3A_384 = vector.broadcast %jit3A_383 : f32 to vector<256x4096xf32>
    %select_n3A_385 = arith.select %eq3A_380, %broadcast_in_dim3A_384, %select_n3A_355 : vector<256x4096xi1>, vector<256x4096xf32>
    %dot_general3A_386 = arith.constant dense<0.000000e+00> : vector<256x3xf32>
    %dot_general3A_387 = tpu.matmul %convert_element_type3A_382, %get3A_30, %dot_general3A_386 {dimension_numbers = #tpu.dot_dimension_numbers<[1], [0], [0], [1], [0, 0, 1, 1], [], []>, transpose_lhs_hint = false} : vector<256x4096xf32>, vector<4096x3xf32>, vector<256x3xf32> -> vector<256x3xf32>
    %sub3A_388 = arith.subf %dot_general3A_387, %get3A_3 : vector<256x3xf32>
    %mul3A_389 = arith.mulf %sub3A_388, %sub3A_388 : vector<256x3xf32>
    %reduce_sum3A_390 = arith.constant dense<0.000000e+00> : vector<256xf32>
    %reduce_sum3A_391 = vector.multi_reduction <add>, %mul3A_389, %reduce_sum3A_390 [1] : vector<256x3xf32> to vector<256xf32>
    %broadcast_in_dim3A_392 = vector.shape_cast %reduce_sum3A_391 : vector<256xf32> to vector<256x1xf32>
    %add3A_393 = arith.constant 9.99999996E-13 : f32
    %add3A_394 = vector.broadcast %add3A_393 : f32 to vector<256x1xf32>
    %add3A_395 = arith.addf %broadcast_in_dim3A_392, %add3A_394 : vector<256x1xf32>
    %sqrt3A_396 = math.sqrt %add3A_395 : vector<256x1xf32>
    %concatenate3A_397 = tpu.concatenate %sub3A_388, %sqrt3A_396, %get3A_3, %dot_general3A_387 in 1 : vector<256x3xf32>, vector<256x1xf32>, vector<256x3xf32>, vector<256x3xf32> -> vector<256x10xf32>
    %reduce_min3A_398 = arith.constant dense<0x7F800000> : vector<256xf32>
    %reduce_min3A_399 = vector.multi_reduction <minimumf>, %select_n3A_385, %reduce_min3A_398 [1] : vector<256x4096xf32> to vector<256xf32>
    %broadcast_in_dim3A_400 = vector.shape_cast %reduce_min3A_399 : vector<256xf32> to vector<256x1xf32>
    %eq3A_401 = vector.broadcast %broadcast_in_dim3A_400 : vector<256x1xf32> to vector<256x4096xf32>
    %eq3A_402 = arith.cmpf oeq, %select_n3A_385, %eq3A_401 : vector<256x4096xf32>
    %jit3A_403 = arith.constant 4096 : i32
    %broadcast_in_dim3A_404 = vector.broadcast %jit3A_403 : i32 to vector<256x4096xi32>
    %select_n3A_405 = arith.select %eq3A_402, %iota3A, %broadcast_in_dim3A_404 : vector<256x4096xi1>, vector<256x4096xi32>
    %reduce_min3A_406 = arith.constant dense<2147483647> : vector<256xi32>
    %reduce_min3A_407 = vector.multi_reduction <minsi>, %select_n3A_405, %reduce_min3A_406 [1] : vector<256x4096xi32> to vector<256xi32>
    %broadcast_in_dim3A_408 = vector.shape_cast %reduce_min3A_407 : vector<256xi32> to vector<256x1xi32>
    %eq3A_409 = vector.broadcast %broadcast_in_dim3A_408 : vector<256x1xi32> to vector<256x4096xi32>
    %eq3A_410 = arith.cmpi eq, %iota3A, %eq3A_409 : vector<256x4096xi32>
    %convert_element_type3A_411 = arith.extui %eq3A_410 : vector<256x4096xi1> to vector<256x4096xi32>
    %convert_element_type3A_412 = arith.sitofp %convert_element_type3A_411 : vector<256x4096xi32> to vector<256x4096xf32>
    %jit3A_413 = arith.constant 0x7F800000 : f32
    %broadcast_in_dim3A_414 = vector.broadcast %jit3A_413 : f32 to vector<256x4096xf32>
    %select_n3A_415 = arith.select %eq3A_410, %broadcast_in_dim3A_414, %select_n3A_385 : vector<256x4096xi1>, vector<256x4096xf32>
    %dot_general3A_416 = arith.constant dense<0.000000e+00> : vector<256x3xf32>
    %dot_general3A_417 = tpu.matmul %convert_element_type3A_412, %get3A_30, %dot_general3A_416 {dimension_numbers = #tpu.dot_dimension_numbers<[1], [0], [0], [1], [0, 0, 1, 1], [], []>, transpose_lhs_hint = false} : vector<256x4096xf32>, vector<4096x3xf32>, vector<256x3xf32> -> vector<256x3xf32>
    %sub3A_418 = arith.subf %dot_general3A_417, %get3A_3 : vector<256x3xf32>
    %mul3A_419 = arith.mulf %sub3A_418, %sub3A_418 : vector<256x3xf32>
    %reduce_sum3A_420 = arith.constant dense<0.000000e+00> : vector<256xf32>
    %reduce_sum3A_421 = vector.multi_reduction <add>, %mul3A_419, %reduce_sum3A_420 [1] : vector<256x3xf32> to vector<256xf32>
    %broadcast_in_dim3A_422 = vector.shape_cast %reduce_sum3A_421 : vector<256xf32> to vector<256x1xf32>
    %add3A_423 = arith.constant 9.99999996E-13 : f32
    %add3A_424 = vector.broadcast %add3A_423 : f32 to vector<256x1xf32>
    %add3A_425 = arith.addf %broadcast_in_dim3A_422, %add3A_424 : vector<256x1xf32>
    %sqrt3A_426 = math.sqrt %add3A_425 : vector<256x1xf32>
    %concatenate3A_427 = tpu.concatenate %sub3A_418, %sqrt3A_426, %get3A_3, %dot_general3A_417 in 1 : vector<256x3xf32>, vector<256x1xf32>, vector<256x3xf32>, vector<256x3xf32> -> vector<256x10xf32>
    %reduce_min3A_428 = arith.constant dense<0x7F800000> : vector<256xf32>
    %reduce_min3A_429 = vector.multi_reduction <minimumf>, %select_n3A_415, %reduce_min3A_428 [1] : vector<256x4096xf32> to vector<256xf32>
    %broadcast_in_dim3A_430 = vector.shape_cast %reduce_min3A_429 : vector<256xf32> to vector<256x1xf32>
    %eq3A_431 = vector.broadcast %broadcast_in_dim3A_430 : vector<256x1xf32> to vector<256x4096xf32>
    %eq3A_432 = arith.cmpf oeq, %select_n3A_415, %eq3A_431 : vector<256x4096xf32>
    %jit3A_433 = arith.constant 4096 : i32
    %broadcast_in_dim3A_434 = vector.broadcast %jit3A_433 : i32 to vector<256x4096xi32>
    %select_n3A_435 = arith.select %eq3A_432, %iota3A, %broadcast_in_dim3A_434 : vector<256x4096xi1>, vector<256x4096xi32>
    %reduce_min3A_436 = arith.constant dense<2147483647> : vector<256xi32>
    %reduce_min3A_437 = vector.multi_reduction <minsi>, %select_n3A_435, %reduce_min3A_436 [1] : vector<256x4096xi32> to vector<256xi32>
    %broadcast_in_dim3A_438 = vector.shape_cast %reduce_min3A_437 : vector<256xi32> to vector<256x1xi32>
    %eq3A_439 = vector.broadcast %broadcast_in_dim3A_438 : vector<256x1xi32> to vector<256x4096xi32>
    %eq3A_440 = arith.cmpi eq, %iota3A, %eq3A_439 : vector<256x4096xi32>
    %convert_element_type3A_441 = arith.extui %eq3A_440 : vector<256x4096xi1> to vector<256x4096xi32>
    %convert_element_type3A_442 = arith.sitofp %convert_element_type3A_441 : vector<256x4096xi32> to vector<256x4096xf32>
    %jit3A_443 = arith.constant 0x7F800000 : f32
    %broadcast_in_dim3A_444 = vector.broadcast %jit3A_443 : f32 to vector<256x4096xf32>
    %select_n3A_445 = arith.select %eq3A_440, %broadcast_in_dim3A_444, %select_n3A_415 : vector<256x4096xi1>, vector<256x4096xf32>
    %dot_general3A_446 = arith.constant dense<0.000000e+00> : vector<256x3xf32>
    %dot_general3A_447 = tpu.matmul %convert_element_type3A_442, %get3A_30, %dot_general3A_446 {dimension_numbers = #tpu.dot_dimension_numbers<[1], [0], [0], [1], [0, 0, 1, 1], [], []>, transpose_lhs_hint = false} : vector<256x4096xf32>, vector<4096x3xf32>, vector<256x3xf32> -> vector<256x3xf32>
    %sub3A_448 = arith.subf %dot_general3A_447, %get3A_3 : vector<256x3xf32>
    %mul3A_449 = arith.mulf %sub3A_448, %sub3A_448 : vector<256x3xf32>
    %reduce_sum3A_450 = arith.constant dense<0.000000e+00> : vector<256xf32>
    %reduce_sum3A_451 = vector.multi_reduction <add>, %mul3A_449, %reduce_sum3A_450 [1] : vector<256x3xf32> to vector<256xf32>
    %broadcast_in_dim3A_452 = vector.shape_cast %reduce_sum3A_451 : vector<256xf32> to vector<256x1xf32>
    %add3A_453 = arith.constant 9.99999996E-13 : f32
    %add3A_454 = vector.broadcast %add3A_453 : f32 to vector<256x1xf32>
    %add3A_455 = arith.addf %broadcast_in_dim3A_452, %add3A_454 : vector<256x1xf32>
    %sqrt3A_456 = math.sqrt %add3A_455 : vector<256x1xf32>
    %concatenate3A_457 = tpu.concatenate %sub3A_448, %sqrt3A_456, %get3A_3, %dot_general3A_447 in 1 : vector<256x3xf32>, vector<256x1xf32>, vector<256x3xf32>, vector<256x3xf32> -> vector<256x10xf32>
    %reduce_min3A_458 = arith.constant dense<0x7F800000> : vector<256xf32>
    %reduce_min3A_459 = vector.multi_reduction <minimumf>, %select_n3A_445, %reduce_min3A_458 [1] : vector<256x4096xf32> to vector<256xf32>
    %broadcast_in_dim3A_460 = vector.shape_cast %reduce_min3A_459 : vector<256xf32> to vector<256x1xf32>
    %eq3A_461 = vector.broadcast %broadcast_in_dim3A_460 : vector<256x1xf32> to vector<256x4096xf32>
    %eq3A_462 = arith.cmpf oeq, %select_n3A_445, %eq3A_461 : vector<256x4096xf32>
    %jit3A_463 = arith.constant 4096 : i32
    %broadcast_in_dim3A_464 = vector.broadcast %jit3A_463 : i32 to vector<256x4096xi32>
    %select_n3A_465 = arith.select %eq3A_462, %iota3A, %broadcast_in_dim3A_464 : vector<256x4096xi1>, vector<256x4096xi32>
    %reduce_min3A_466 = arith.constant dense<2147483647> : vector<256xi32>
    %reduce_min3A_467 = vector.multi_reduction <minsi>, %select_n3A_465, %reduce_min3A_466 [1] : vector<256x4096xi32> to vector<256xi32>
    %broadcast_in_dim3A_468 = vector.shape_cast %reduce_min3A_467 : vector<256xi32> to vector<256x1xi32>
    %eq3A_469 = vector.broadcast %broadcast_in_dim3A_468 : vector<256x1xi32> to vector<256x4096xi32>
    %eq3A_470 = arith.cmpi eq, %iota3A, %eq3A_469 : vector<256x4096xi32>
    %convert_element_type3A_471 = arith.extui %eq3A_470 : vector<256x4096xi1> to vector<256x4096xi32>
    %convert_element_type3A_472 = arith.sitofp %convert_element_type3A_471 : vector<256x4096xi32> to vector<256x4096xf32>
    %jit3A_473 = arith.constant 0x7F800000 : f32
    %broadcast_in_dim3A_474 = vector.broadcast %jit3A_473 : f32 to vector<256x4096xf32>
    %select_n3A_475 = arith.select %eq3A_470, %broadcast_in_dim3A_474, %select_n3A_445 : vector<256x4096xi1>, vector<256x4096xf32>
    %dot_general3A_476 = arith.constant dense<0.000000e+00> : vector<256x3xf32>
    %dot_general3A_477 = tpu.matmul %convert_element_type3A_472, %get3A_30, %dot_general3A_476 {dimension_numbers = #tpu.dot_dimension_numbers<[1], [0], [0], [1], [0, 0, 1, 1], [], []>, transpose_lhs_hint = false} : vector<256x4096xf32>, vector<4096x3xf32>, vector<256x3xf32> -> vector<256x3xf32>
    %sub3A_478 = arith.subf %dot_general3A_477, %get3A_3 : vector<256x3xf32>
    %mul3A_479 = arith.mulf %sub3A_478, %sub3A_478 : vector<256x3xf32>
    %reduce_sum3A_480 = arith.constant dense<0.000000e+00> : vector<256xf32>
    %reduce_sum3A_481 = vector.multi_reduction <add>, %mul3A_479, %reduce_sum3A_480 [1] : vector<256x3xf32> to vector<256xf32>
    %broadcast_in_dim3A_482 = vector.shape_cast %reduce_sum3A_481 : vector<256xf32> to vector<256x1xf32>
    %add3A_483 = arith.constant 9.99999996E-13 : f32
    %add3A_484 = vector.broadcast %add3A_483 : f32 to vector<256x1xf32>
    %add3A_485 = arith.addf %broadcast_in_dim3A_482, %add3A_484 : vector<256x1xf32>
    %sqrt3A_486 = math.sqrt %add3A_485 : vector<256x1xf32>
    %concatenate3A_487 = tpu.concatenate %sub3A_478, %sqrt3A_486, %get3A_3, %dot_general3A_477 in 1 : vector<256x3xf32>, vector<256x1xf32>, vector<256x3xf32>, vector<256x3xf32> -> vector<256x10xf32>
    %reduce_min3A_488 = arith.constant dense<0x7F800000> : vector<256xf32>
    %reduce_min3A_489 = vector.multi_reduction <minimumf>, %select_n3A_475, %reduce_min3A_488 [1] : vector<256x4096xf32> to vector<256xf32>
    %broadcast_in_dim3A_490 = vector.shape_cast %reduce_min3A_489 : vector<256xf32> to vector<256x1xf32>
    %eq3A_491 = vector.broadcast %broadcast_in_dim3A_490 : vector<256x1xf32> to vector<256x4096xf32>
    %eq3A_492 = arith.cmpf oeq, %select_n3A_475, %eq3A_491 : vector<256x4096xf32>
    %jit3A_493 = arith.constant 4096 : i32
    %broadcast_in_dim3A_494 = vector.broadcast %jit3A_493 : i32 to vector<256x4096xi32>
    %select_n3A_495 = arith.select %eq3A_492, %iota3A, %broadcast_in_dim3A_494 : vector<256x4096xi1>, vector<256x4096xi32>
    %reduce_min3A_496 = arith.constant dense<2147483647> : vector<256xi32>
    %reduce_min3A_497 = vector.multi_reduction <minsi>, %select_n3A_495, %reduce_min3A_496 [1] : vector<256x4096xi32> to vector<256xi32>
    %broadcast_in_dim3A_498 = vector.shape_cast %reduce_min3A_497 : vector<256xi32> to vector<256x1xi32>
    %eq3A_499 = vector.broadcast %broadcast_in_dim3A_498 : vector<256x1xi32> to vector<256x4096xi32>
    %eq3A_500 = arith.cmpi eq, %iota3A, %eq3A_499 : vector<256x4096xi32>
    %convert_element_type3A_501 = arith.extui %eq3A_500 : vector<256x4096xi1> to vector<256x4096xi32>
    %convert_element_type3A_502 = arith.sitofp %convert_element_type3A_501 : vector<256x4096xi32> to vector<256x4096xf32>
    %dot_general3A_503 = arith.constant dense<0.000000e+00> : vector<256x3xf32>
    %dot_general3A_504 = tpu.matmul %convert_element_type3A_502, %get3A_30, %dot_general3A_503 {dimension_numbers = #tpu.dot_dimension_numbers<[1], [0], [0], [1], [0, 0, 1, 1], [], []>, transpose_lhs_hint = false} : vector<256x4096xf32>, vector<4096x3xf32>, vector<256x3xf32> -> vector<256x3xf32>
    %sub3A_505 = arith.subf %dot_general3A_504, %get3A_3 : vector<256x3xf32>
    %mul3A_506 = arith.mulf %sub3A_505, %sub3A_505 : vector<256x3xf32>
    %reduce_sum3A_507 = arith.constant dense<0.000000e+00> : vector<256xf32>
    %reduce_sum3A_508 = vector.multi_reduction <add>, %mul3A_506, %reduce_sum3A_507 [1] : vector<256x3xf32> to vector<256xf32>
    %broadcast_in_dim3A_509 = vector.shape_cast %reduce_sum3A_508 : vector<256xf32> to vector<256x1xf32>
    %add3A_510 = arith.constant 9.99999996E-13 : f32
    %add3A_511 = vector.broadcast %add3A_510 : f32 to vector<256x1xf32>
    %add3A_512 = arith.addf %broadcast_in_dim3A_509, %add3A_511 : vector<256x1xf32>
    %sqrt3A_513 = math.sqrt %add3A_512 : vector<256x1xf32>
    %concatenate3A_514 = tpu.concatenate %sub3A_505, %sqrt3A_513, %get3A_3, %dot_general3A_504 in 1 : vector<256x3xf32>, vector<256x1xf32>, vector<256x3xf32>, vector<256x3xf32> -> vector<256x10xf32>
    %concatenate3A_515 = tpu.concatenate %concatenate3A, %concatenate3A_97, %concatenate3A_127, %concatenate3A_157, %concatenate3A_187, %concatenate3A_217, %concatenate3A_247, %concatenate3A_277, %concatenate3A_307, %concatenate3A_337, %concatenate3A_367, %concatenate3A_397, %concatenate3A_427, %concatenate3A_457, %concatenate3A_487, %concatenate3A_514 in 0 : vector<256x10xf32>, vector<256x10xf32>, vector<256x10xf32>, vector<256x10xf32>, vector<256x10xf32>, vector<256x10xf32>, vector<256x10xf32>, vector<256x10xf32>, vector<256x10xf32>, vector<256x10xf32>, vector<256x10xf32>, vector<256x10xf32>, vector<256x10xf32>, vector<256x10xf32>, vector<256x10xf32>, vector<256x10xf32> -> vector<4096x10xf32>
    %get3A_516 = arith.constant 0 : index
    %get3A_517 = arith.constant 0 : index
    %get3A_518 = vector.load %arg10[%get3A_516, %get3A_517] : memref<10x16xf32, #tpu.memory_space<vmem>>, vector<10x16xf32>
    %dot_general3A_519 = arith.constant dense<0.000000e+00> : vector<4096x16xf32>
    %dot_general3A_520 = tpu.matmul %concatenate3A_515, %get3A_518, %dot_general3A_519 {dimension_numbers = #tpu.dot_dimension_numbers<[1], [0], [0], [1], [0, 0, 1, 1], [], []>, transpose_lhs_hint = false} : vector<4096x10xf32>, vector<10x16xf32>, vector<4096x16xf32> -> vector<4096x16xf32>
    %get3A_521 = arith.constant 0 : index
    %get3A_522 = arith.constant 0 : index
    %get3A_523 = vector.load %arg11[%get3A_521, %get3A_522] : memref<1x16xf32, #tpu.memory_space<vmem>>, vector<1x16xf32>
    %add3A_524 = vector.broadcast %get3A_523 : vector<1x16xf32> to vector<4096x16xf32>
    %add3A_525 = arith.addf %dot_general3A_520, %add3A_524 : vector<4096x16xf32>
    %mul3A_526 = arith.constant 0.999994993 : f32
    %mul3A_527 = vector.broadcast %mul3A_526 : f32 to vector<4096x16xf32>
    %mul3A_528 = arith.mulf %add3A_525, %mul3A_527 : vector<4096x16xf32>
    %max3A_529 = arith.constant 0.000000e+00 : f32
    %max3A_530 = vector.broadcast %max3A_529 : f32 to vector<4096x16xf32>
    %max3A_531 = arith.maximumf %mul3A_528, %max3A_530 : vector<4096x16xf32>
    %get3A_532 = arith.constant 0 : index
    %get3A_533 = arith.constant 0 : index
    %get3A_534 = vector.load %arg12[%get3A_532, %get3A_533] : memref<16x32xf32, #tpu.memory_space<vmem>>, vector<16x32xf32>
    %dot_general3A_535 = arith.constant dense<0.000000e+00> : vector<4096x32xf32>
    %dot_general3A_536 = tpu.matmul %max3A_531, %get3A_534, %dot_general3A_535 {dimension_numbers = #tpu.dot_dimension_numbers<[1], [0], [0], [1], [0, 0, 1, 1], [], []>, transpose_lhs_hint = false} : vector<4096x16xf32>, vector<16x32xf32>, vector<4096x32xf32> -> vector<4096x32xf32>
    %get3A_537 = arith.constant 0 : index
    %get3A_538 = arith.constant 0 : index
    %get3A_539 = vector.load %arg13[%get3A_537, %get3A_538] : memref<1x32xf32, #tpu.memory_space<vmem>>, vector<1x32xf32>
    %add3A_540 = vector.broadcast %get3A_539 : vector<1x32xf32> to vector<4096x32xf32>
    %add3A_541 = arith.addf %dot_general3A_536, %add3A_540 : vector<4096x32xf32>
    %mul3A_542 = arith.constant 0.999994993 : f32
    %mul3A_543 = vector.broadcast %mul3A_542 : f32 to vector<4096x32xf32>
    %mul3A_544 = arith.mulf %add3A_541, %mul3A_543 : vector<4096x32xf32>
    %max3A_545 = arith.constant 0.000000e+00 : f32
    %max3A_546 = vector.broadcast %max3A_545 : f32 to vector<4096x32xf32>
    %max3A_547 = arith.maximumf %mul3A_544, %max3A_546 : vector<4096x32xf32>
    %slice3A = vector.extract_strided_slice %max3A_547 {offsets = [0, 0], sizes = [256, 32], strides = [1, 1]} : vector<4096x32xf32> to vector<256x32xf32>
    %slice3A_548 = vector.extract_strided_slice %max3A_547 {offsets = [256, 0], sizes = [256, 32], strides = [1, 1]} : vector<4096x32xf32> to vector<256x32xf32>
    %max3A_549 = arith.maximumf %slice3A, %slice3A_548 : vector<256x32xf32>
    %slice3A_550 = vector.extract_strided_slice %max3A_547 {offsets = [512, 0], sizes = [256, 32], strides = [1, 1]} : vector<4096x32xf32> to vector<256x32xf32>
    %max3A_551 = arith.maximumf %max3A_549, %slice3A_550 : vector<256x32xf32>
    %slice3A_552 = vector.extract_strided_slice %max3A_547 {offsets = [768, 0], sizes = [256, 32], strides = [1, 1]} : vector<4096x32xf32> to vector<256x32xf32>
    %max3A_553 = arith.maximumf %max3A_551, %slice3A_552 : vector<256x32xf32>
    %slice3A_554 = vector.extract_strided_slice %max3A_547 {offsets = [1024, 0], sizes = [256, 32], strides = [1, 1]} : vector<4096x32xf32> to vector<256x32xf32>
    %max3A_555 = arith.maximumf %max3A_553, %slice3A_554 : vector<256x32xf32>
    %slice3A_556 = vector.extract_strided_slice %max3A_547 {offsets = [1280, 0], sizes = [256, 32], strides = [1, 1]} : vector<4096x32xf32> to vector<256x32xf32>
    %max3A_557 = arith.maximumf %max3A_555, %slice3A_556 : vector<256x32xf32>
    %slice3A_558 = vector.extract_strided_slice %max3A_547 {offsets = [1536, 0], sizes = [256, 32], strides = [1, 1]} : vector<4096x32xf32> to vector<256x32xf32>
    %max3A_559 = arith.maximumf %max3A_557, %slice3A_558 : vector<256x32xf32>
    %slice3A_560 = vector.extract_strided_slice %max3A_547 {offsets = [1792, 0], sizes = [256, 32], strides = [1, 1]} : vector<4096x32xf32> to vector<256x32xf32>
    %max3A_561 = arith.maximumf %max3A_559, %slice3A_560 : vector<256x32xf32>
    %slice3A_562 = vector.extract_strided_slice %max3A_547 {offsets = [2048, 0], sizes = [256, 32], strides = [1, 1]} : vector<4096x32xf32> to vector<256x32xf32>
    %max3A_563 = arith.maximumf %max3A_561, %slice3A_562 : vector<256x32xf32>
    %slice3A_564 = vector.extract_strided_slice %max3A_547 {offsets = [2304, 0], sizes = [256, 32], strides = [1, 1]} : vector<4096x32xf32> to vector<256x32xf32>
    %max3A_565 = arith.maximumf %max3A_563, %slice3A_564 : vector<256x32xf32>
    %slice3A_566 = vector.extract_strided_slice %max3A_547 {offsets = [2560, 0], sizes = [256, 32], strides = [1, 1]} : vector<4096x32xf32> to vector<256x32xf32>
    %max3A_567 = arith.maximumf %max3A_565, %slice3A_566 : vector<256x32xf32>
    %slice3A_568 = vector.extract_strided_slice %max3A_547 {offsets = [2816, 0], sizes = [256, 32], strides = [1, 1]} : vector<4096x32xf32> to vector<256x32xf32>
    %max3A_569 = arith.maximumf %max3A_567, %slice3A_568 : vector<256x32xf32>
    %slice3A_570 = vector.extract_strided_slice %max3A_547 {offsets = [3072, 0], sizes = [256, 32], strides = [1, 1]} : vector<4096x32xf32> to vector<256x32xf32>
    %max3A_571 = arith.maximumf %max3A_569, %slice3A_570 : vector<256x32xf32>
    %slice3A_572 = vector.extract_strided_slice %max3A_547 {offsets = [3328, 0], sizes = [256, 32], strides = [1, 1]} : vector<4096x32xf32> to vector<256x32xf32>
    %max3A_573 = arith.maximumf %max3A_571, %slice3A_572 : vector<256x32xf32>
    %slice3A_574 = vector.extract_strided_slice %max3A_547 {offsets = [3584, 0], sizes = [256, 32], strides = [1, 1]} : vector<4096x32xf32> to vector<256x32xf32>
    %max3A_575 = arith.maximumf %max3A_573, %slice3A_574 : vector<256x32xf32>
    %slice3A_576 = vector.extract_strided_slice %max3A_547 {offsets = [3840, 0], sizes = [256, 32], strides = [1, 1]} : vector<4096x32xf32> to vector<256x32xf32>
    %max3A_577 = arith.maximumf %max3A_575, %slice3A_576 : vector<256x32xf32>
    %concatenate3A_578 = tpu.concatenate %max3A_20, %max3A_577 in 1 : vector<256x32xf32>, vector<256x32xf32> -> vector<256x64xf32>
    %get3A_579 = arith.constant 0 : index
    %get3A_580 = arith.constant 0 : index
    %get3A_581 = vector.load %arg14[%get3A_579, %get3A_580] : memref<64x32xf32, #tpu.memory_space<vmem>>, vector<64x32xf32>
    %dot_general3A_582 = arith.constant dense<0.000000e+00> : vector<256x32xf32>
    %dot_general3A_583 = tpu.matmul %concatenate3A_578, %get3A_581, %dot_general3A_582 {dimension_numbers = #tpu.dot_dimension_numbers<[1], [0], [0], [1], [0, 0, 1, 1], [], []>, transpose_lhs_hint = false} : vector<256x64xf32>, vector<64x32xf32>, vector<256x32xf32> -> vector<256x32xf32>
    %get3A_584 = arith.constant 0 : index
    %get3A_585 = arith.constant 0 : index
    %get3A_586 = vector.load %arg15[%get3A_584, %get3A_585] : memref<1x32xf32, #tpu.memory_space<vmem>>, vector<1x32xf32>
    %add3A_587 = vector.broadcast %get3A_586 : vector<1x32xf32> to vector<256x32xf32>
    %add3A_588 = arith.addf %dot_general3A_583, %add3A_587 : vector<256x32xf32>
    %mul3A_589 = arith.constant 0.999994993 : f32
    %mul3A_590 = vector.broadcast %mul3A_589 : f32 to vector<256x32xf32>
    %mul3A_591 = arith.mulf %add3A_588, %mul3A_590 : vector<256x32xf32>
    %max3A_592 = arith.constant 0.000000e+00 : f32
    %max3A_593 = vector.broadcast %max3A_592 : f32 to vector<256x32xf32>
    %max3A_594 = arith.maximumf %mul3A_591, %max3A_593 : vector<256x32xf32>
    %get3A_595 = arith.constant 0 : index
    %get3A_596 = arith.constant 0 : index
    %get3A_597 = vector.load %arg16[%get3A_595, %get3A_596] : memref<32x32xf32, #tpu.memory_space<vmem>>, vector<32x32xf32>
    %dot_general3A_598 = arith.constant dense<0.000000e+00> : vector<256x32xf32>
    %dot_general3A_599 = tpu.matmul %max3A_594, %get3A_597, %dot_general3A_598 {dimension_numbers = #tpu.dot_dimension_numbers<[1], [0], [0], [1], [0, 0, 1, 1], [], []>, transpose_lhs_hint = false} : vector<256x32xf32>, vector<32x32xf32>, vector<256x32xf32> -> vector<256x32xf32>
    %get3A_600 = arith.constant 0 : index
    %get3A_601 = arith.constant 0 : index
    %get3A_602 = vector.load %arg17[%get3A_600, %get3A_601] : memref<1x32xf32, #tpu.memory_space<vmem>>, vector<1x32xf32>
    %add3A_603 = vector.broadcast %get3A_602 : vector<1x32xf32> to vector<256x32xf32>
    %add3A_604 = arith.addf %dot_general3A_599, %add3A_603 : vector<256x32xf32>
    %mul3A_605 = arith.constant 0.999994993 : f32
    %mul3A_606 = vector.broadcast %mul3A_605 : f32 to vector<256x32xf32>
    %mul3A_607 = arith.mulf %add3A_604, %mul3A_606 : vector<256x32xf32>
    %max3A_608 = arith.constant 0.000000e+00 : f32
    %max3A_609 = vector.broadcast %max3A_608 : f32 to vector<256x32xf32>
    %max3A_610 = arith.maximumf %mul3A_607, %max3A_609 : vector<256x32xf32>
    %get3A_611 = arith.constant 0 : index
    %get3A_612 = arith.constant 0 : index
    %get3A_613 = vector.load %arg18[%get3A_611, %get3A_612] : memref<32x32xf32, #tpu.memory_space<vmem>>, vector<32x32xf32>
    %dot_general3A_614 = arith.constant dense<0.000000e+00> : vector<256x32xf32>
    %dot_general3A_615 = tpu.matmul %max3A_610, %get3A_613, %dot_general3A_614 {dimension_numbers = #tpu.dot_dimension_numbers<[1], [0], [0], [1], [0, 0, 1, 1], [], []>, transpose_lhs_hint = false} : vector<256x32xf32>, vector<32x32xf32>, vector<256x32xf32> -> vector<256x32xf32>
    %get3A_616 = arith.constant 0 : index
    %get3A_617 = arith.constant 0 : index
    %get3A_618 = vector.load %arg19[%get3A_616, %get3A_617] : memref<1x32xf32, #tpu.memory_space<vmem>>, vector<1x32xf32>
    %add3A_619 = vector.broadcast %get3A_618 : vector<1x32xf32> to vector<256x32xf32>
    %add3A_620 = arith.addf %dot_general3A_615, %add3A_619 : vector<256x32xf32>
    %logistic3A = arith.negf %add3A_620 : vector<256x32xf32>
    %logistic3A_621 = math.exp %logistic3A : vector<256x32xf32>
    %logistic3A_622 = arith.constant 1.000000e+00 : f32
    %logistic3A_623 = vector.broadcast %logistic3A_622 : f32 to vector<256x32xf32>
    %logistic3A_624 = arith.addf %logistic3A_623, %logistic3A_621 : vector<256x32xf32>
    %logistic3A_625 = arith.divf %logistic3A_623, %logistic3A_624 : vector<256x32xf32>
    %mul3A_626 = arith.mulf %max3A_20, %logistic3A_625 : vector<256x32xf32>
    %get3A_627 = arith.constant 0 : index
    %get3A_628 = arith.constant 0 : index
    %get3A_629 = vector.load %arg20[%get3A_627, %get3A_628] : memref<32x32xf32, #tpu.memory_space<vmem>>, vector<32x32xf32>
    %dot_general3A_630 = arith.constant dense<0.000000e+00> : vector<256x32xf32>
    %dot_general3A_631 = tpu.matmul %mul3A_626, %get3A_629, %dot_general3A_630 {dimension_numbers = #tpu.dot_dimension_numbers<[1], [0], [0], [1], [0, 0, 1, 1], [], []>, transpose_lhs_hint = false} : vector<256x32xf32>, vector<32x32xf32>, vector<256x32xf32> -> vector<256x32xf32>
    %get3A_632 = arith.constant 0 : index
    %get3A_633 = arith.constant 0 : index
    %get3A_634 = vector.load %arg21[%get3A_632, %get3A_633] : memref<1x32xf32, #tpu.memory_space<vmem>>, vector<1x32xf32>
    %add3A_635 = vector.broadcast %get3A_634 : vector<1x32xf32> to vector<256x32xf32>
    %add3A_636 = arith.addf %dot_general3A_631, %add3A_635 : vector<256x32xf32>
    %mul3A_637 = arith.constant 0.999994993 : f32
    %mul3A_638 = vector.broadcast %mul3A_637 : f32 to vector<256x32xf32>
    %mul3A_639 = arith.mulf %add3A_636, %mul3A_638 : vector<256x32xf32>
    %max3A_640 = arith.constant 0.000000e+00 : f32
    %max3A_641 = vector.broadcast %max3A_640 : f32 to vector<256x32xf32>
    %max3A_642 = arith.maximumf %mul3A_639, %max3A_641 : vector<256x32xf32>
    %get3A_643 = arith.constant 0 : index
    %get3A_644 = arith.constant 0 : index
    %get3A_645 = vector.load %arg22[%get3A_643, %get3A_644] : memref<32x64xf32, #tpu.memory_space<vmem>>, vector<32x64xf32>
    %dot_general3A_646 = arith.constant dense<0.000000e+00> : vector<256x64xf32>
    %dot_general3A_647 = tpu.matmul %max3A_642, %get3A_645, %dot_general3A_646 {dimension_numbers = #tpu.dot_dimension_numbers<[1], [0], [0], [1], [0, 0, 1, 1], [], []>, transpose_lhs_hint = false} : vector<256x32xf32>, vector<32x64xf32>, vector<256x64xf32> -> vector<256x64xf32>
    %get3A_648 = arith.constant 0 : index
    %get3A_649 = arith.constant 0 : index
    %get3A_650 = vector.load %arg23[%get3A_648, %get3A_649] : memref<1x64xf32, #tpu.memory_space<vmem>>, vector<1x64xf32>
    %add3A_651 = vector.broadcast %get3A_650 : vector<1x64xf32> to vector<256x64xf32>
    %add3A_652 = arith.addf %dot_general3A_647, %add3A_651 : vector<256x64xf32>
    %mul3A_653 = arith.constant 0.999994993 : f32
    %mul3A_654 = vector.broadcast %mul3A_653 : f32 to vector<256x64xf32>
    %mul3A_655 = arith.mulf %add3A_652, %mul3A_654 : vector<256x64xf32>
    %max3A_656 = arith.constant 0.000000e+00 : f32
    %max3A_657 = vector.broadcast %max3A_656 : f32 to vector<256x64xf32>
    %max3A_658 = arith.maximumf %mul3A_655, %max3A_657 : vector<256x64xf32>
    %get3A_659 = arith.constant 0 : index
    %get3A_660 = arith.constant 0 : index
    %get3A_661 = vector.load %arg24[%get3A_659, %get3A_660] : memref<32x64xf32, #tpu.memory_space<vmem>>, vector<32x64xf32>
    %dot_general3A_662 = arith.constant dense<0.000000e+00> : vector<256x64xf32>
    %dot_general3A_663 = tpu.matmul %max3A_20, %get3A_661, %dot_general3A_662 {dimension_numbers = #tpu.dot_dimension_numbers<[1], [0], [0], [1], [0, 0, 1, 1], [], []>, transpose_lhs_hint = false} : vector<256x32xf32>, vector<32x64xf32>, vector<256x64xf32> -> vector<256x64xf32>
    %get3A_664 = arith.constant 0 : index
    %get3A_665 = arith.constant 0 : index
    %get3A_666 = vector.load %arg25[%get3A_664, %get3A_665] : memref<1x64xf32, #tpu.memory_space<vmem>>, vector<1x64xf32>
    %add3A_667 = vector.broadcast %get3A_666 : vector<1x64xf32> to vector<256x64xf32>
    %add3A_668 = arith.addf %dot_general3A_663, %add3A_667 : vector<256x64xf32>
    %mul3A_669 = arith.constant 0.999994993 : f32
    %mul3A_670 = vector.broadcast %mul3A_669 : f32 to vector<256x64xf32>
    %mul3A_671 = arith.mulf %add3A_668, %mul3A_670 : vector<256x64xf32>
    %add3A_672 = arith.addf %max3A_658, %mul3A_671 : vector<256x64xf32>
    %max3A_673 = arith.constant 0.000000e+00 : f32
    %max3A_674 = vector.broadcast %max3A_673 : f32 to vector<256x64xf32>
    %max3A_675 = arith.maximumf %add3A_672, %max3A_674 : vector<256x64xf32>
    %get3A_676 = arith.constant 0 : index
    %get3A_677 = arith.constant 0 : index
    %get3A_678 = arith.constant 0 : index
    %get3A_679 = vector.load %arg3[%get3A_676, %get3A_677, %get3A_678] : memref<1x3x1024xf32, #tpu.memory_space<vmem>>, vector<1x3x1024xf32>
    %get3A_680 = vector.shape_cast %get3A_679 : vector<1x3x1024xf32> to vector<3x1024xf32>
    %get3A_681 = arith.constant 0 : index
    %get3A_682 = arith.constant 0 : index
    %get3A_683 = arith.constant 0 : index
    %get3A_684 = vector.load %arg4[%get3A_681, %get3A_682, %get3A_683] : memref<1x1024x3xf32, #tpu.memory_space<vmem>>, vector<1x1024x3xf32>
    %get3A_685 = vector.shape_cast %get3A_684 : vector<1x1024x3xf32> to vector<1024x3xf32>
    %mul3A_686 = arith.mulf %get3A_680, %get3A_680 : vector<3x1024xf32>
    %reduce_sum3A_687 = arith.constant dense<0.000000e+00> : vector<1024xf32>
    %reduce_sum3A_688 = vector.multi_reduction <add>, %mul3A_686, %reduce_sum3A_687 [0] : vector<3x1024xf32> to vector<1024xf32>
    %broadcast_in_dim3A_689 = vector.shape_cast %reduce_sum3A_688 : vector<1024xf32> to vector<1x1024xf32>
    %mul3A_690 = arith.mulf %get3A_3, %get3A_3 : vector<256x3xf32>
    %reduce_sum3A_691 = arith.constant dense<0.000000e+00> : vector<256xf32>
    %reduce_sum3A_692 = vector.multi_reduction <add>, %mul3A_690, %reduce_sum3A_691 [1] : vector<256x3xf32> to vector<256xf32>
    %broadcast_in_dim3A_693 = vector.shape_cast %reduce_sum3A_692 : vector<256xf32> to vector<256x1xf32>
    %add3A_694 = vector.broadcast %broadcast_in_dim3A_693 : vector<256x1xf32> to vector<256x1024xf32>
    %add3A_695 = vector.broadcast %broadcast_in_dim3A_689 : vector<1x1024xf32> to vector<256x1024xf32>
    %add3A_696 = arith.addf %add3A_694, %add3A_695 : vector<256x1024xf32>
    %dot_general3A_697 = arith.constant dense<0.000000e+00> : vector<256x1024xf32>
    %dot_general3A_698 = tpu.matmul %get3A_3, %get3A_680, %dot_general3A_697 {dimension_numbers = #tpu.dot_dimension_numbers<[1], [0], [0], [1], [0, 0, 1, 1], [], []>, transpose_lhs_hint = false} : vector<256x3xf32>, vector<3x1024xf32>, vector<256x1024xf32> -> vector<256x1024xf32>
    %mul3A_699 = arith.constant 2.000000e+00 : f32
    %mul3A_700 = vector.broadcast %mul3A_699 : f32 to vector<256x1024xf32>
    %mul3A_701 = arith.mulf %mul3A_700, %dot_general3A_698 : vector<256x1024xf32>
    %sub3A_702 = arith.subf %add3A_696, %mul3A_701 : vector<256x1024xf32>
    %iota3A_703 = tpu.iota {dimensions = array<i32: 1>} : vector<256x1024xi32>
    %reduce_min3A_704 = arith.constant dense<0x7F800000> : vector<256xf32>
    %reduce_min3A_705 = vector.multi_reduction <minimumf>, %sub3A_702, %reduce_min3A_704 [1] : vector<256x1024xf32> to vector<256xf32>
    %broadcast_in_dim3A_706 = vector.shape_cast %reduce_min3A_705 : vector<256xf32> to vector<256x1xf32>
    %eq3A_707 = vector.broadcast %broadcast_in_dim3A_706 : vector<256x1xf32> to vector<256x1024xf32>
    %eq3A_708 = arith.cmpf oeq, %sub3A_702, %eq3A_707 : vector<256x1024xf32>
    %jit3A_709 = arith.constant 1024 : i32
    %broadcast_in_dim3A_710 = vector.broadcast %jit3A_709 : i32 to vector<256x1024xi32>
    %select_n3A_711 = arith.select %eq3A_708, %iota3A_703, %broadcast_in_dim3A_710 : vector<256x1024xi1>, vector<256x1024xi32>
    %reduce_min3A_712 = arith.constant dense<2147483647> : vector<256xi32>
    %reduce_min3A_713 = vector.multi_reduction <minsi>, %select_n3A_711, %reduce_min3A_712 [1] : vector<256x1024xi32> to vector<256xi32>
    %broadcast_in_dim3A_714 = vector.shape_cast %reduce_min3A_713 : vector<256xi32> to vector<256x1xi32>
    %eq3A_715 = vector.broadcast %broadcast_in_dim3A_714 : vector<256x1xi32> to vector<256x1024xi32>
    %eq3A_716 = arith.cmpi eq, %iota3A_703, %eq3A_715 : vector<256x1024xi32>
    %convert_element_type3A_717 = arith.extui %eq3A_716 : vector<256x1024xi1> to vector<256x1024xi32>
    %convert_element_type3A_718 = arith.sitofp %convert_element_type3A_717 : vector<256x1024xi32> to vector<256x1024xf32>
    %jit3A_719 = arith.constant 0x7F800000 : f32
    %broadcast_in_dim3A_720 = vector.broadcast %jit3A_719 : f32 to vector<256x1024xf32>
    %select_n3A_721 = arith.select %eq3A_716, %broadcast_in_dim3A_720, %sub3A_702 : vector<256x1024xi1>, vector<256x1024xf32>
    %dot_general3A_722 = arith.constant dense<0.000000e+00> : vector<256x3xf32>
    %dot_general3A_723 = tpu.matmul %convert_element_type3A_718, %get3A_685, %dot_general3A_722 {dimension_numbers = #tpu.dot_dimension_numbers<[1], [0], [0], [1], [0, 0, 1, 1], [], []>, transpose_lhs_hint = false} : vector<256x1024xf32>, vector<1024x3xf32>, vector<256x3xf32> -> vector<256x3xf32>
    %sub3A_724 = arith.subf %dot_general3A_723, %get3A_3 : vector<256x3xf32>
    %mul3A_725 = arith.mulf %sub3A_724, %sub3A_724 : vector<256x3xf32>
    %reduce_sum3A_726 = arith.constant dense<0.000000e+00> : vector<256xf32>
    %reduce_sum3A_727 = vector.multi_reduction <add>, %mul3A_725, %reduce_sum3A_726 [1] : vector<256x3xf32> to vector<256xf32>
    %broadcast_in_dim3A_728 = vector.shape_cast %reduce_sum3A_727 : vector<256xf32> to vector<256x1xf32>
    %add3A_729 = arith.constant 9.99999996E-13 : f32
    %add3A_730 = vector.broadcast %add3A_729 : f32 to vector<256x1xf32>
    %add3A_731 = arith.addf %broadcast_in_dim3A_728, %add3A_730 : vector<256x1xf32>
    %sqrt3A_732 = math.sqrt %add3A_731 : vector<256x1xf32>
    %concatenate3A_733 = tpu.concatenate %sub3A_724, %sqrt3A_732, %get3A_3, %dot_general3A_723 in 1 : vector<256x3xf32>, vector<256x1xf32>, vector<256x3xf32>, vector<256x3xf32> -> vector<256x10xf32>
    %reduce_min3A_734 = arith.constant dense<0x7F800000> : vector<256xf32>
    %reduce_min3A_735 = vector.multi_reduction <minimumf>, %select_n3A_721, %reduce_min3A_734 [1] : vector<256x1024xf32> to vector<256xf32>
    %broadcast_in_dim3A_736 = vector.shape_cast %reduce_min3A_735 : vector<256xf32> to vector<256x1xf32>
    %eq3A_737 = vector.broadcast %broadcast_in_dim3A_736 : vector<256x1xf32> to vector<256x1024xf32>
    %eq3A_738 = arith.cmpf oeq, %select_n3A_721, %eq3A_737 : vector<256x1024xf32>
    %jit3A_739 = arith.constant 1024 : i32
    %broadcast_in_dim3A_740 = vector.broadcast %jit3A_739 : i32 to vector<256x1024xi32>
    %select_n3A_741 = arith.select %eq3A_738, %iota3A_703, %broadcast_in_dim3A_740 : vector<256x1024xi1>, vector<256x1024xi32>
    %reduce_min3A_742 = arith.constant dense<2147483647> : vector<256xi32>
    %reduce_min3A_743 = vector.multi_reduction <minsi>, %select_n3A_741, %reduce_min3A_742 [1] : vector<256x1024xi32> to vector<256xi32>
    %broadcast_in_dim3A_744 = vector.shape_cast %reduce_min3A_743 : vector<256xi32> to vector<256x1xi32>
    %eq3A_745 = vector.broadcast %broadcast_in_dim3A_744 : vector<256x1xi32> to vector<256x1024xi32>
    %eq3A_746 = arith.cmpi eq, %iota3A_703, %eq3A_745 : vector<256x1024xi32>
    %convert_element_type3A_747 = arith.extui %eq3A_746 : vector<256x1024xi1> to vector<256x1024xi32>
    %convert_element_type3A_748 = arith.sitofp %convert_element_type3A_747 : vector<256x1024xi32> to vector<256x1024xf32>
    %jit3A_749 = arith.constant 0x7F800000 : f32
    %broadcast_in_dim3A_750 = vector.broadcast %jit3A_749 : f32 to vector<256x1024xf32>
    %select_n3A_751 = arith.select %eq3A_746, %broadcast_in_dim3A_750, %select_n3A_721 : vector<256x1024xi1>, vector<256x1024xf32>
    %dot_general3A_752 = arith.constant dense<0.000000e+00> : vector<256x3xf32>
    %dot_general3A_753 = tpu.matmul %convert_element_type3A_748, %get3A_685, %dot_general3A_752 {dimension_numbers = #tpu.dot_dimension_numbers<[1], [0], [0], [1], [0, 0, 1, 1], [], []>, transpose_lhs_hint = false} : vector<256x1024xf32>, vector<1024x3xf32>, vector<256x3xf32> -> vector<256x3xf32>
    %sub3A_754 = arith.subf %dot_general3A_753, %get3A_3 : vector<256x3xf32>
    %mul3A_755 = arith.mulf %sub3A_754, %sub3A_754 : vector<256x3xf32>
    %reduce_sum3A_756 = arith.constant dense<0.000000e+00> : vector<256xf32>
    %reduce_sum3A_757 = vector.multi_reduction <add>, %mul3A_755, %reduce_sum3A_756 [1] : vector<256x3xf32> to vector<256xf32>
    %broadcast_in_dim3A_758 = vector.shape_cast %reduce_sum3A_757 : vector<256xf32> to vector<256x1xf32>
    %add3A_759 = arith.constant 9.99999996E-13 : f32
    %add3A_760 = vector.broadcast %add3A_759 : f32 to vector<256x1xf32>
    %add3A_761 = arith.addf %broadcast_in_dim3A_758, %add3A_760 : vector<256x1xf32>
    %sqrt3A_762 = math.sqrt %add3A_761 : vector<256x1xf32>
    %concatenate3A_763 = tpu.concatenate %sub3A_754, %sqrt3A_762, %get3A_3, %dot_general3A_753 in 1 : vector<256x3xf32>, vector<256x1xf32>, vector<256x3xf32>, vector<256x3xf32> -> vector<256x10xf32>
    %reduce_min3A_764 = arith.constant dense<0x7F800000> : vector<256xf32>
    %reduce_min3A_765 = vector.multi_reduction <minimumf>, %select_n3A_751, %reduce_min3A_764 [1] : vector<256x1024xf32> to vector<256xf32>
    %broadcast_in_dim3A_766 = vector.shape_cast %reduce_min3A_765 : vector<256xf32> to vector<256x1xf32>
    %eq3A_767 = vector.broadcast %broadcast_in_dim3A_766 : vector<256x1xf32> to vector<256x1024xf32>
    %eq3A_768 = arith.cmpf oeq, %select_n3A_751, %eq3A_767 : vector<256x1024xf32>
    %jit3A_769 = arith.constant 1024 : i32
    %broadcast_in_dim3A_770 = vector.broadcast %jit3A_769 : i32 to vector<256x1024xi32>
    %select_n3A_771 = arith.select %eq3A_768, %iota3A_703, %broadcast_in_dim3A_770 : vector<256x1024xi1>, vector<256x1024xi32>
    %reduce_min3A_772 = arith.constant dense<2147483647> : vector<256xi32>
    %reduce_min3A_773 = vector.multi_reduction <minsi>, %select_n3A_771, %reduce_min3A_772 [1] : vector<256x1024xi32> to vector<256xi32>
    %broadcast_in_dim3A_774 = vector.shape_cast %reduce_min3A_773 : vector<256xi32> to vector<256x1xi32>
    %eq3A_775 = vector.broadcast %broadcast_in_dim3A_774 : vector<256x1xi32> to vector<256x1024xi32>
    %eq3A_776 = arith.cmpi eq, %iota3A_703, %eq3A_775 : vector<256x1024xi32>
    %convert_element_type3A_777 = arith.extui %eq3A_776 : vector<256x1024xi1> to vector<256x1024xi32>
    %convert_element_type3A_778 = arith.sitofp %convert_element_type3A_777 : vector<256x1024xi32> to vector<256x1024xf32>
    %jit3A_779 = arith.constant 0x7F800000 : f32
    %broadcast_in_dim3A_780 = vector.broadcast %jit3A_779 : f32 to vector<256x1024xf32>
    %select_n3A_781 = arith.select %eq3A_776, %broadcast_in_dim3A_780, %select_n3A_751 : vector<256x1024xi1>, vector<256x1024xf32>
    %dot_general3A_782 = arith.constant dense<0.000000e+00> : vector<256x3xf32>
    %dot_general3A_783 = tpu.matmul %convert_element_type3A_778, %get3A_685, %dot_general3A_782 {dimension_numbers = #tpu.dot_dimension_numbers<[1], [0], [0], [1], [0, 0, 1, 1], [], []>, transpose_lhs_hint = false} : vector<256x1024xf32>, vector<1024x3xf32>, vector<256x3xf32> -> vector<256x3xf32>
    %sub3A_784 = arith.subf %dot_general3A_783, %get3A_3 : vector<256x3xf32>
    %mul3A_785 = arith.mulf %sub3A_784, %sub3A_784 : vector<256x3xf32>
    %reduce_sum3A_786 = arith.constant dense<0.000000e+00> : vector<256xf32>
    %reduce_sum3A_787 = vector.multi_reduction <add>, %mul3A_785, %reduce_sum3A_786 [1] : vector<256x3xf32> to vector<256xf32>
    %broadcast_in_dim3A_788 = vector.shape_cast %reduce_sum3A_787 : vector<256xf32> to vector<256x1xf32>
    %add3A_789 = arith.constant 9.99999996E-13 : f32
    %add3A_790 = vector.broadcast %add3A_789 : f32 to vector<256x1xf32>
    %add3A_791 = arith.addf %broadcast_in_dim3A_788, %add3A_790 : vector<256x1xf32>
    %sqrt3A_792 = math.sqrt %add3A_791 : vector<256x1xf32>
    %concatenate3A_793 = tpu.concatenate %sub3A_784, %sqrt3A_792, %get3A_3, %dot_general3A_783 in 1 : vector<256x3xf32>, vector<256x1xf32>, vector<256x3xf32>, vector<256x3xf32> -> vector<256x10xf32>
    %reduce_min3A_794 = arith.constant dense<0x7F800000> : vector<256xf32>
    %reduce_min3A_795 = vector.multi_reduction <minimumf>, %select_n3A_781, %reduce_min3A_794 [1] : vector<256x1024xf32> to vector<256xf32>
    %broadcast_in_dim3A_796 = vector.shape_cast %reduce_min3A_795 : vector<256xf32> to vector<256x1xf32>
    %eq3A_797 = vector.broadcast %broadcast_in_dim3A_796 : vector<256x1xf32> to vector<256x1024xf32>
    %eq3A_798 = arith.cmpf oeq, %select_n3A_781, %eq3A_797 : vector<256x1024xf32>
    %jit3A_799 = arith.constant 1024 : i32
    %broadcast_in_dim3A_800 = vector.broadcast %jit3A_799 : i32 to vector<256x1024xi32>
    %select_n3A_801 = arith.select %eq3A_798, %iota3A_703, %broadcast_in_dim3A_800 : vector<256x1024xi1>, vector<256x1024xi32>
    %reduce_min3A_802 = arith.constant dense<2147483647> : vector<256xi32>
    %reduce_min3A_803 = vector.multi_reduction <minsi>, %select_n3A_801, %reduce_min3A_802 [1] : vector<256x1024xi32> to vector<256xi32>
    %broadcast_in_dim3A_804 = vector.shape_cast %reduce_min3A_803 : vector<256xi32> to vector<256x1xi32>
    %eq3A_805 = vector.broadcast %broadcast_in_dim3A_804 : vector<256x1xi32> to vector<256x1024xi32>
    %eq3A_806 = arith.cmpi eq, %iota3A_703, %eq3A_805 : vector<256x1024xi32>
    %convert_element_type3A_807 = arith.extui %eq3A_806 : vector<256x1024xi1> to vector<256x1024xi32>
    %convert_element_type3A_808 = arith.sitofp %convert_element_type3A_807 : vector<256x1024xi32> to vector<256x1024xf32>
    %jit3A_809 = arith.constant 0x7F800000 : f32
    %broadcast_in_dim3A_810 = vector.broadcast %jit3A_809 : f32 to vector<256x1024xf32>
    %select_n3A_811 = arith.select %eq3A_806, %broadcast_in_dim3A_810, %select_n3A_781 : vector<256x1024xi1>, vector<256x1024xf32>
    %dot_general3A_812 = arith.constant dense<0.000000e+00> : vector<256x3xf32>
    %dot_general3A_813 = tpu.matmul %convert_element_type3A_808, %get3A_685, %dot_general3A_812 {dimension_numbers = #tpu.dot_dimension_numbers<[1], [0], [0], [1], [0, 0, 1, 1], [], []>, transpose_lhs_hint = false} : vector<256x1024xf32>, vector<1024x3xf32>, vector<256x3xf32> -> vector<256x3xf32>
    %sub3A_814 = arith.subf %dot_general3A_813, %get3A_3 : vector<256x3xf32>
    %mul3A_815 = arith.mulf %sub3A_814, %sub3A_814 : vector<256x3xf32>
    %reduce_sum3A_816 = arith.constant dense<0.000000e+00> : vector<256xf32>
    %reduce_sum3A_817 = vector.multi_reduction <add>, %mul3A_815, %reduce_sum3A_816 [1] : vector<256x3xf32> to vector<256xf32>
    %broadcast_in_dim3A_818 = vector.shape_cast %reduce_sum3A_817 : vector<256xf32> to vector<256x1xf32>
    %add3A_819 = arith.constant 9.99999996E-13 : f32
    %add3A_820 = vector.broadcast %add3A_819 : f32 to vector<256x1xf32>
    %add3A_821 = arith.addf %broadcast_in_dim3A_818, %add3A_820 : vector<256x1xf32>
    %sqrt3A_822 = math.sqrt %add3A_821 : vector<256x1xf32>
    %concatenate3A_823 = tpu.concatenate %sub3A_814, %sqrt3A_822, %get3A_3, %dot_general3A_813 in 1 : vector<256x3xf32>, vector<256x1xf32>, vector<256x3xf32>, vector<256x3xf32> -> vector<256x10xf32>
    %reduce_min3A_824 = arith.constant dense<0x7F800000> : vector<256xf32>
    %reduce_min3A_825 = vector.multi_reduction <minimumf>, %select_n3A_811, %reduce_min3A_824 [1] : vector<256x1024xf32> to vector<256xf32>
    %broadcast_in_dim3A_826 = vector.shape_cast %reduce_min3A_825 : vector<256xf32> to vector<256x1xf32>
    %eq3A_827 = vector.broadcast %broadcast_in_dim3A_826 : vector<256x1xf32> to vector<256x1024xf32>
    %eq3A_828 = arith.cmpf oeq, %select_n3A_811, %eq3A_827 : vector<256x1024xf32>
    %jit3A_829 = arith.constant 1024 : i32
    %broadcast_in_dim3A_830 = vector.broadcast %jit3A_829 : i32 to vector<256x1024xi32>
    %select_n3A_831 = arith.select %eq3A_828, %iota3A_703, %broadcast_in_dim3A_830 : vector<256x1024xi1>, vector<256x1024xi32>
    %reduce_min3A_832 = arith.constant dense<2147483647> : vector<256xi32>
    %reduce_min3A_833 = vector.multi_reduction <minsi>, %select_n3A_831, %reduce_min3A_832 [1] : vector<256x1024xi32> to vector<256xi32>
    %broadcast_in_dim3A_834 = vector.shape_cast %reduce_min3A_833 : vector<256xi32> to vector<256x1xi32>
    %eq3A_835 = vector.broadcast %broadcast_in_dim3A_834 : vector<256x1xi32> to vector<256x1024xi32>
    %eq3A_836 = arith.cmpi eq, %iota3A_703, %eq3A_835 : vector<256x1024xi32>
    %convert_element_type3A_837 = arith.extui %eq3A_836 : vector<256x1024xi1> to vector<256x1024xi32>
    %convert_element_type3A_838 = arith.sitofp %convert_element_type3A_837 : vector<256x1024xi32> to vector<256x1024xf32>
    %jit3A_839 = arith.constant 0x7F800000 : f32
    %broadcast_in_dim3A_840 = vector.broadcast %jit3A_839 : f32 to vector<256x1024xf32>
    %select_n3A_841 = arith.select %eq3A_836, %broadcast_in_dim3A_840, %select_n3A_811 : vector<256x1024xi1>, vector<256x1024xf32>
    %dot_general3A_842 = arith.constant dense<0.000000e+00> : vector<256x3xf32>
    %dot_general3A_843 = tpu.matmul %convert_element_type3A_838, %get3A_685, %dot_general3A_842 {dimension_numbers = #tpu.dot_dimension_numbers<[1], [0], [0], [1], [0, 0, 1, 1], [], []>, transpose_lhs_hint = false} : vector<256x1024xf32>, vector<1024x3xf32>, vector<256x3xf32> -> vector<256x3xf32>
    %sub3A_844 = arith.subf %dot_general3A_843, %get3A_3 : vector<256x3xf32>
    %mul3A_845 = arith.mulf %sub3A_844, %sub3A_844 : vector<256x3xf32>
    %reduce_sum3A_846 = arith.constant dense<0.000000e+00> : vector<256xf32>
    %reduce_sum3A_847 = vector.multi_reduction <add>, %mul3A_845, %reduce_sum3A_846 [1] : vector<256x3xf32> to vector<256xf32>
    %broadcast_in_dim3A_848 = vector.shape_cast %reduce_sum3A_847 : vector<256xf32> to vector<256x1xf32>
    %add3A_849 = arith.constant 9.99999996E-13 : f32
    %add3A_850 = vector.broadcast %add3A_849 : f32 to vector<256x1xf32>
    %add3A_851 = arith.addf %broadcast_in_dim3A_848, %add3A_850 : vector<256x1xf32>
    %sqrt3A_852 = math.sqrt %add3A_851 : vector<256x1xf32>
    %concatenate3A_853 = tpu.concatenate %sub3A_844, %sqrt3A_852, %get3A_3, %dot_general3A_843 in 1 : vector<256x3xf32>, vector<256x1xf32>, vector<256x3xf32>, vector<256x3xf32> -> vector<256x10xf32>
    %reduce_min3A_854 = arith.constant dense<0x7F800000> : vector<256xf32>
    %reduce_min3A_855 = vector.multi_reduction <minimumf>, %select_n3A_841, %reduce_min3A_854 [1] : vector<256x1024xf32> to vector<256xf32>
    %broadcast_in_dim3A_856 = vector.shape_cast %reduce_min3A_855 : vector<256xf32> to vector<256x1xf32>
    %eq3A_857 = vector.broadcast %broadcast_in_dim3A_856 : vector<256x1xf32> to vector<256x1024xf32>
    %eq3A_858 = arith.cmpf oeq, %select_n3A_841, %eq3A_857 : vector<256x1024xf32>
    %jit3A_859 = arith.constant 1024 : i32
    %broadcast_in_dim3A_860 = vector.broadcast %jit3A_859 : i32 to vector<256x1024xi32>
    %select_n3A_861 = arith.select %eq3A_858, %iota3A_703, %broadcast_in_dim3A_860 : vector<256x1024xi1>, vector<256x1024xi32>
    %reduce_min3A_862 = arith.constant dense<2147483647> : vector<256xi32>
    %reduce_min3A_863 = vector.multi_reduction <minsi>, %select_n3A_861, %reduce_min3A_862 [1] : vector<256x1024xi32> to vector<256xi32>
    %broadcast_in_dim3A_864 = vector.shape_cast %reduce_min3A_863 : vector<256xi32> to vector<256x1xi32>
    %eq3A_865 = vector.broadcast %broadcast_in_dim3A_864 : vector<256x1xi32> to vector<256x1024xi32>
    %eq3A_866 = arith.cmpi eq, %iota3A_703, %eq3A_865 : vector<256x1024xi32>
    %convert_element_type3A_867 = arith.extui %eq3A_866 : vector<256x1024xi1> to vector<256x1024xi32>
    %convert_element_type3A_868 = arith.sitofp %convert_element_type3A_867 : vector<256x1024xi32> to vector<256x1024xf32>
    %jit3A_869 = arith.constant 0x7F800000 : f32
    %broadcast_in_dim3A_870 = vector.broadcast %jit3A_869 : f32 to vector<256x1024xf32>
    %select_n3A_871 = arith.select %eq3A_866, %broadcast_in_dim3A_870, %select_n3A_841 : vector<256x1024xi1>, vector<256x1024xf32>
    %dot_general3A_872 = arith.constant dense<0.000000e+00> : vector<256x3xf32>
    %dot_general3A_873 = tpu.matmul %convert_element_type3A_868, %get3A_685, %dot_general3A_872 {dimension_numbers = #tpu.dot_dimension_numbers<[1], [0], [0], [1], [0, 0, 1, 1], [], []>, transpose_lhs_hint = false} : vector<256x1024xf32>, vector<1024x3xf32>, vector<256x3xf32> -> vector<256x3xf32>
    %sub3A_874 = arith.subf %dot_general3A_873, %get3A_3 : vector<256x3xf32>
    %mul3A_875 = arith.mulf %sub3A_874, %sub3A_874 : vector<256x3xf32>
    %reduce_sum3A_876 = arith.constant dense<0.000000e+00> : vector<256xf32>
    %reduce_sum3A_877 = vector.multi_reduction <add>, %mul3A_875, %reduce_sum3A_876 [1] : vector<256x3xf32> to vector<256xf32>
    %broadcast_in_dim3A_878 = vector.shape_cast %reduce_sum3A_877 : vector<256xf32> to vector<256x1xf32>
    %add3A_879 = arith.constant 9.99999996E-13 : f32
    %add3A_880 = vector.broadcast %add3A_879 : f32 to vector<256x1xf32>
    %add3A_881 = arith.addf %broadcast_in_dim3A_878, %add3A_880 : vector<256x1xf32>
    %sqrt3A_882 = math.sqrt %add3A_881 : vector<256x1xf32>
    %concatenate3A_883 = tpu.concatenate %sub3A_874, %sqrt3A_882, %get3A_3, %dot_general3A_873 in 1 : vector<256x3xf32>, vector<256x1xf32>, vector<256x3xf32>, vector<256x3xf32> -> vector<256x10xf32>
    %reduce_min3A_884 = arith.constant dense<0x7F800000> : vector<256xf32>
    %reduce_min3A_885 = vector.multi_reduction <minimumf>, %select_n3A_871, %reduce_min3A_884 [1] : vector<256x1024xf32> to vector<256xf32>
    %broadcast_in_dim3A_886 = vector.shape_cast %reduce_min3A_885 : vector<256xf32> to vector<256x1xf32>
    %eq3A_887 = vector.broadcast %broadcast_in_dim3A_886 : vector<256x1xf32> to vector<256x1024xf32>
    %eq3A_888 = arith.cmpf oeq, %select_n3A_871, %eq3A_887 : vector<256x1024xf32>
    %jit3A_889 = arith.constant 1024 : i32
    %broadcast_in_dim3A_890 = vector.broadcast %jit3A_889 : i32 to vector<256x1024xi32>
    %select_n3A_891 = arith.select %eq3A_888, %iota3A_703, %broadcast_in_dim3A_890 : vector<256x1024xi1>, vector<256x1024xi32>
    %reduce_min3A_892 = arith.constant dense<2147483647> : vector<256xi32>
    %reduce_min3A_893 = vector.multi_reduction <minsi>, %select_n3A_891, %reduce_min3A_892 [1] : vector<256x1024xi32> to vector<256xi32>
    %broadcast_in_dim3A_894 = vector.shape_cast %reduce_min3A_893 : vector<256xi32> to vector<256x1xi32>
    %eq3A_895 = vector.broadcast %broadcast_in_dim3A_894 : vector<256x1xi32> to vector<256x1024xi32>
    %eq3A_896 = arith.cmpi eq, %iota3A_703, %eq3A_895 : vector<256x1024xi32>
    %convert_element_type3A_897 = arith.extui %eq3A_896 : vector<256x1024xi1> to vector<256x1024xi32>
    %convert_element_type3A_898 = arith.sitofp %convert_element_type3A_897 : vector<256x1024xi32> to vector<256x1024xf32>
    %jit3A_899 = arith.constant 0x7F800000 : f32
    %broadcast_in_dim3A_900 = vector.broadcast %jit3A_899 : f32 to vector<256x1024xf32>
    %select_n3A_901 = arith.select %eq3A_896, %broadcast_in_dim3A_900, %select_n3A_871 : vector<256x1024xi1>, vector<256x1024xf32>
    %dot_general3A_902 = arith.constant dense<0.000000e+00> : vector<256x3xf32>
    %dot_general3A_903 = tpu.matmul %convert_element_type3A_898, %get3A_685, %dot_general3A_902 {dimension_numbers = #tpu.dot_dimension_numbers<[1], [0], [0], [1], [0, 0, 1, 1], [], []>, transpose_lhs_hint = false} : vector<256x1024xf32>, vector<1024x3xf32>, vector<256x3xf32> -> vector<256x3xf32>
    %sub3A_904 = arith.subf %dot_general3A_903, %get3A_3 : vector<256x3xf32>
    %mul3A_905 = arith.mulf %sub3A_904, %sub3A_904 : vector<256x3xf32>
    %reduce_sum3A_906 = arith.constant dense<0.000000e+00> : vector<256xf32>
    %reduce_sum3A_907 = vector.multi_reduction <add>, %mul3A_905, %reduce_sum3A_906 [1] : vector<256x3xf32> to vector<256xf32>
    %broadcast_in_dim3A_908 = vector.shape_cast %reduce_sum3A_907 : vector<256xf32> to vector<256x1xf32>
    %add3A_909 = arith.constant 9.99999996E-13 : f32
    %add3A_910 = vector.broadcast %add3A_909 : f32 to vector<256x1xf32>
    %add3A_911 = arith.addf %broadcast_in_dim3A_908, %add3A_910 : vector<256x1xf32>
    %sqrt3A_912 = math.sqrt %add3A_911 : vector<256x1xf32>
    %concatenate3A_913 = tpu.concatenate %sub3A_904, %sqrt3A_912, %get3A_3, %dot_general3A_903 in 1 : vector<256x3xf32>, vector<256x1xf32>, vector<256x3xf32>, vector<256x3xf32> -> vector<256x10xf32>
    %reduce_min3A_914 = arith.constant dense<0x7F800000> : vector<256xf32>
    %reduce_min3A_915 = vector.multi_reduction <minimumf>, %select_n3A_901, %reduce_min3A_914 [1] : vector<256x1024xf32> to vector<256xf32>
    %broadcast_in_dim3A_916 = vector.shape_cast %reduce_min3A_915 : vector<256xf32> to vector<256x1xf32>
    %eq3A_917 = vector.broadcast %broadcast_in_dim3A_916 : vector<256x1xf32> to vector<256x1024xf32>
    %eq3A_918 = arith.cmpf oeq, %select_n3A_901, %eq3A_917 : vector<256x1024xf32>
    %jit3A_919 = arith.constant 1024 : i32
    %broadcast_in_dim3A_920 = vector.broadcast %jit3A_919 : i32 to vector<256x1024xi32>
    %select_n3A_921 = arith.select %eq3A_918, %iota3A_703, %broadcast_in_dim3A_920 : vector<256x1024xi1>, vector<256x1024xi32>
    %reduce_min3A_922 = arith.constant dense<2147483647> : vector<256xi32>
    %reduce_min3A_923 = vector.multi_reduction <minsi>, %select_n3A_921, %reduce_min3A_922 [1] : vector<256x1024xi32> to vector<256xi32>
    %broadcast_in_dim3A_924 = vector.shape_cast %reduce_min3A_923 : vector<256xi32> to vector<256x1xi32>
    %eq3A_925 = vector.broadcast %broadcast_in_dim3A_924 : vector<256x1xi32> to vector<256x1024xi32>
    %eq3A_926 = arith.cmpi eq, %iota3A_703, %eq3A_925 : vector<256x1024xi32>
    %convert_element_type3A_927 = arith.extui %eq3A_926 : vector<256x1024xi1> to vector<256x1024xi32>
    %convert_element_type3A_928 = arith.sitofp %convert_element_type3A_927 : vector<256x1024xi32> to vector<256x1024xf32>
    %jit3A_929 = arith.constant 0x7F800000 : f32
    %broadcast_in_dim3A_930 = vector.broadcast %jit3A_929 : f32 to vector<256x1024xf32>
    %select_n3A_931 = arith.select %eq3A_926, %broadcast_in_dim3A_930, %select_n3A_901 : vector<256x1024xi1>, vector<256x1024xf32>
    %dot_general3A_932 = arith.constant dense<0.000000e+00> : vector<256x3xf32>
    %dot_general3A_933 = tpu.matmul %convert_element_type3A_928, %get3A_685, %dot_general3A_932 {dimension_numbers = #tpu.dot_dimension_numbers<[1], [0], [0], [1], [0, 0, 1, 1], [], []>, transpose_lhs_hint = false} : vector<256x1024xf32>, vector<1024x3xf32>, vector<256x3xf32> -> vector<256x3xf32>
    %sub3A_934 = arith.subf %dot_general3A_933, %get3A_3 : vector<256x3xf32>
    %mul3A_935 = arith.mulf %sub3A_934, %sub3A_934 : vector<256x3xf32>
    %reduce_sum3A_936 = arith.constant dense<0.000000e+00> : vector<256xf32>
    %reduce_sum3A_937 = vector.multi_reduction <add>, %mul3A_935, %reduce_sum3A_936 [1] : vector<256x3xf32> to vector<256xf32>
    %broadcast_in_dim3A_938 = vector.shape_cast %reduce_sum3A_937 : vector<256xf32> to vector<256x1xf32>
    %add3A_939 = arith.constant 9.99999996E-13 : f32
    %add3A_940 = vector.broadcast %add3A_939 : f32 to vector<256x1xf32>
    %add3A_941 = arith.addf %broadcast_in_dim3A_938, %add3A_940 : vector<256x1xf32>
    %sqrt3A_942 = math.sqrt %add3A_941 : vector<256x1xf32>
    %concatenate3A_943 = tpu.concatenate %sub3A_934, %sqrt3A_942, %get3A_3, %dot_general3A_933 in 1 : vector<256x3xf32>, vector<256x1xf32>, vector<256x3xf32>, vector<256x3xf32> -> vector<256x10xf32>
    %reduce_min3A_944 = arith.constant dense<0x7F800000> : vector<256xf32>
    %reduce_min3A_945 = vector.multi_reduction <minimumf>, %select_n3A_931, %reduce_min3A_944 [1] : vector<256x1024xf32> to vector<256xf32>
    %broadcast_in_dim3A_946 = vector.shape_cast %reduce_min3A_945 : vector<256xf32> to vector<256x1xf32>
    %eq3A_947 = vector.broadcast %broadcast_in_dim3A_946 : vector<256x1xf32> to vector<256x1024xf32>
    %eq3A_948 = arith.cmpf oeq, %select_n3A_931, %eq3A_947 : vector<256x1024xf32>
    %jit3A_949 = arith.constant 1024 : i32
    %broadcast_in_dim3A_950 = vector.broadcast %jit3A_949 : i32 to vector<256x1024xi32>
    %select_n3A_951 = arith.select %eq3A_948, %iota3A_703, %broadcast_in_dim3A_950 : vector<256x1024xi1>, vector<256x1024xi32>
    %reduce_min3A_952 = arith.constant dense<2147483647> : vector<256xi32>
    %reduce_min3A_953 = vector.multi_reduction <minsi>, %select_n3A_951, %reduce_min3A_952 [1] : vector<256x1024xi32> to vector<256xi32>
    %broadcast_in_dim3A_954 = vector.shape_cast %reduce_min3A_953 : vector<256xi32> to vector<256x1xi32>
    %eq3A_955 = vector.broadcast %broadcast_in_dim3A_954 : vector<256x1xi32> to vector<256x1024xi32>
    %eq3A_956 = arith.cmpi eq, %iota3A_703, %eq3A_955 : vector<256x1024xi32>
    %convert_element_type3A_957 = arith.extui %eq3A_956 : vector<256x1024xi1> to vector<256x1024xi32>
    %convert_element_type3A_958 = arith.sitofp %convert_element_type3A_957 : vector<256x1024xi32> to vector<256x1024xf32>
    %jit3A_959 = arith.constant 0x7F800000 : f32
    %broadcast_in_dim3A_960 = vector.broadcast %jit3A_959 : f32 to vector<256x1024xf32>
    %select_n3A_961 = arith.select %eq3A_956, %broadcast_in_dim3A_960, %select_n3A_931 : vector<256x1024xi1>, vector<256x1024xf32>
    %dot_general3A_962 = arith.constant dense<0.000000e+00> : vector<256x3xf32>
    %dot_general3A_963 = tpu.matmul %convert_element_type3A_958, %get3A_685, %dot_general3A_962 {dimension_numbers = #tpu.dot_dimension_numbers<[1], [0], [0], [1], [0, 0, 1, 1], [], []>, transpose_lhs_hint = false} : vector<256x1024xf32>, vector<1024x3xf32>, vector<256x3xf32> -> vector<256x3xf32>
    %sub3A_964 = arith.subf %dot_general3A_963, %get3A_3 : vector<256x3xf32>
    %mul3A_965 = arith.mulf %sub3A_964, %sub3A_964 : vector<256x3xf32>
    %reduce_sum3A_966 = arith.constant dense<0.000000e+00> : vector<256xf32>
    %reduce_sum3A_967 = vector.multi_reduction <add>, %mul3A_965, %reduce_sum3A_966 [1] : vector<256x3xf32> to vector<256xf32>
    %broadcast_in_dim3A_968 = vector.shape_cast %reduce_sum3A_967 : vector<256xf32> to vector<256x1xf32>
    %add3A_969 = arith.constant 9.99999996E-13 : f32
    %add3A_970 = vector.broadcast %add3A_969 : f32 to vector<256x1xf32>
    %add3A_971 = arith.addf %broadcast_in_dim3A_968, %add3A_970 : vector<256x1xf32>
    %sqrt3A_972 = math.sqrt %add3A_971 : vector<256x1xf32>
    %concatenate3A_973 = tpu.concatenate %sub3A_964, %sqrt3A_972, %get3A_3, %dot_general3A_963 in 1 : vector<256x3xf32>, vector<256x1xf32>, vector<256x3xf32>, vector<256x3xf32> -> vector<256x10xf32>
    %reduce_min3A_974 = arith.constant dense<0x7F800000> : vector<256xf32>
    %reduce_min3A_975 = vector.multi_reduction <minimumf>, %select_n3A_961, %reduce_min3A_974 [1] : vector<256x1024xf32> to vector<256xf32>
    %broadcast_in_dim3A_976 = vector.shape_cast %reduce_min3A_975 : vector<256xf32> to vector<256x1xf32>
    %eq3A_977 = vector.broadcast %broadcast_in_dim3A_976 : vector<256x1xf32> to vector<256x1024xf32>
    %eq3A_978 = arith.cmpf oeq, %select_n3A_961, %eq3A_977 : vector<256x1024xf32>
    %jit3A_979 = arith.constant 1024 : i32
    %broadcast_in_dim3A_980 = vector.broadcast %jit3A_979 : i32 to vector<256x1024xi32>
    %select_n3A_981 = arith.select %eq3A_978, %iota3A_703, %broadcast_in_dim3A_980 : vector<256x1024xi1>, vector<256x1024xi32>
    %reduce_min3A_982 = arith.constant dense<2147483647> : vector<256xi32>
    %reduce_min3A_983 = vector.multi_reduction <minsi>, %select_n3A_981, %reduce_min3A_982 [1] : vector<256x1024xi32> to vector<256xi32>
    %broadcast_in_dim3A_984 = vector.shape_cast %reduce_min3A_983 : vector<256xi32> to vector<256x1xi32>
    %eq3A_985 = vector.broadcast %broadcast_in_dim3A_984 : vector<256x1xi32> to vector<256x1024xi32>
    %eq3A_986 = arith.cmpi eq, %iota3A_703, %eq3A_985 : vector<256x1024xi32>
    %convert_element_type3A_987 = arith.extui %eq3A_986 : vector<256x1024xi1> to vector<256x1024xi32>
    %convert_element_type3A_988 = arith.sitofp %convert_element_type3A_987 : vector<256x1024xi32> to vector<256x1024xf32>
    %jit3A_989 = arith.constant 0x7F800000 : f32
    %broadcast_in_dim3A_990 = vector.broadcast %jit3A_989 : f32 to vector<256x1024xf32>
    %select_n3A_991 = arith.select %eq3A_986, %broadcast_in_dim3A_990, %select_n3A_961 : vector<256x1024xi1>, vector<256x1024xf32>
    %dot_general3A_992 = arith.constant dense<0.000000e+00> : vector<256x3xf32>
    %dot_general3A_993 = tpu.matmul %convert_element_type3A_988, %get3A_685, %dot_general3A_992 {dimension_numbers = #tpu.dot_dimension_numbers<[1], [0], [0], [1], [0, 0, 1, 1], [], []>, transpose_lhs_hint = false} : vector<256x1024xf32>, vector<1024x3xf32>, vector<256x3xf32> -> vector<256x3xf32>
    %sub3A_994 = arith.subf %dot_general3A_993, %get3A_3 : vector<256x3xf32>
    %mul3A_995 = arith.mulf %sub3A_994, %sub3A_994 : vector<256x3xf32>
    %reduce_sum3A_996 = arith.constant dense<0.000000e+00> : vector<256xf32>
    %reduce_sum3A_997 = vector.multi_reduction <add>, %mul3A_995, %reduce_sum3A_996 [1] : vector<256x3xf32> to vector<256xf32>
    %broadcast_in_dim3A_998 = vector.shape_cast %reduce_sum3A_997 : vector<256xf32> to vector<256x1xf32>
    %add3A_999 = arith.constant 9.99999996E-13 : f32
    %add3A_1000 = vector.broadcast %add3A_999 : f32 to vector<256x1xf32>
    %add3A_1001 = arith.addf %broadcast_in_dim3A_998, %add3A_1000 : vector<256x1xf32>
    %sqrt3A_1002 = math.sqrt %add3A_1001 : vector<256x1xf32>
    %concatenate3A_1003 = tpu.concatenate %sub3A_994, %sqrt3A_1002, %get3A_3, %dot_general3A_993 in 1 : vector<256x3xf32>, vector<256x1xf32>, vector<256x3xf32>, vector<256x3xf32> -> vector<256x10xf32>
    %reduce_min3A_1004 = arith.constant dense<0x7F800000> : vector<256xf32>
    %reduce_min3A_1005 = vector.multi_reduction <minimumf>, %select_n3A_991, %reduce_min3A_1004 [1] : vector<256x1024xf32> to vector<256xf32>
    %broadcast_in_dim3A_1006 = vector.shape_cast %reduce_min3A_1005 : vector<256xf32> to vector<256x1xf32>
    %eq3A_1007 = vector.broadcast %broadcast_in_dim3A_1006 : vector<256x1xf32> to vector<256x1024xf32>
    %eq3A_1008 = arith.cmpf oeq, %select_n3A_991, %eq3A_1007 : vector<256x1024xf32>
    %jit3A_1009 = arith.constant 1024 : i32
    %broadcast_in_dim3A_1010 = vector.broadcast %jit3A_1009 : i32 to vector<256x1024xi32>
    %select_n3A_1011 = arith.select %eq3A_1008, %iota3A_703, %broadcast_in_dim3A_1010 : vector<256x1024xi1>, vector<256x1024xi32>
    %reduce_min3A_1012 = arith.constant dense<2147483647> : vector<256xi32>
    %reduce_min3A_1013 = vector.multi_reduction <minsi>, %select_n3A_1011, %reduce_min3A_1012 [1] : vector<256x1024xi32> to vector<256xi32>
    %broadcast_in_dim3A_1014 = vector.shape_cast %reduce_min3A_1013 : vector<256xi32> to vector<256x1xi32>
    %eq3A_1015 = vector.broadcast %broadcast_in_dim3A_1014 : vector<256x1xi32> to vector<256x1024xi32>
    %eq3A_1016 = arith.cmpi eq, %iota3A_703, %eq3A_1015 : vector<256x1024xi32>
    %convert_element_type3A_1017 = arith.extui %eq3A_1016 : vector<256x1024xi1> to vector<256x1024xi32>
    %convert_element_type3A_1018 = arith.sitofp %convert_element_type3A_1017 : vector<256x1024xi32> to vector<256x1024xf32>
    %jit3A_1019 = arith.constant 0x7F800000 : f32
    %broadcast_in_dim3A_1020 = vector.broadcast %jit3A_1019 : f32 to vector<256x1024xf32>
    %select_n3A_1021 = arith.select %eq3A_1016, %broadcast_in_dim3A_1020, %select_n3A_991 : vector<256x1024xi1>, vector<256x1024xf32>
    %dot_general3A_1022 = arith.constant dense<0.000000e+00> : vector<256x3xf32>
    %dot_general3A_1023 = tpu.matmul %convert_element_type3A_1018, %get3A_685, %dot_general3A_1022 {dimension_numbers = #tpu.dot_dimension_numbers<[1], [0], [0], [1], [0, 0, 1, 1], [], []>, transpose_lhs_hint = false} : vector<256x1024xf32>, vector<1024x3xf32>, vector<256x3xf32> -> vector<256x3xf32>
    %sub3A_1024 = arith.subf %dot_general3A_1023, %get3A_3 : vector<256x3xf32>
    %mul3A_1025 = arith.mulf %sub3A_1024, %sub3A_1024 : vector<256x3xf32>
    %reduce_sum3A_1026 = arith.constant dense<0.000000e+00> : vector<256xf32>
    %reduce_sum3A_1027 = vector.multi_reduction <add>, %mul3A_1025, %reduce_sum3A_1026 [1] : vector<256x3xf32> to vector<256xf32>
    %broadcast_in_dim3A_1028 = vector.shape_cast %reduce_sum3A_1027 : vector<256xf32> to vector<256x1xf32>
    %add3A_1029 = arith.constant 9.99999996E-13 : f32
    %add3A_1030 = vector.broadcast %add3A_1029 : f32 to vector<256x1xf32>
    %add3A_1031 = arith.addf %broadcast_in_dim3A_1028, %add3A_1030 : vector<256x1xf32>
    %sqrt3A_1032 = math.sqrt %add3A_1031 : vector<256x1xf32>
    %concatenate3A_1033 = tpu.concatenate %sub3A_1024, %sqrt3A_1032, %get3A_3, %dot_general3A_1023 in 1 : vector<256x3xf32>, vector<256x1xf32>, vector<256x3xf32>, vector<256x3xf32> -> vector<256x10xf32>
    %reduce_min3A_1034 = arith.constant dense<0x7F800000> : vector<256xf32>
    %reduce_min3A_1035 = vector.multi_reduction <minimumf>, %select_n3A_1021, %reduce_min3A_1034 [1] : vector<256x1024xf32> to vector<256xf32>
    %broadcast_in_dim3A_1036 = vector.shape_cast %reduce_min3A_1035 : vector<256xf32> to vector<256x1xf32>
    %eq3A_1037 = vector.broadcast %broadcast_in_dim3A_1036 : vector<256x1xf32> to vector<256x1024xf32>
    %eq3A_1038 = arith.cmpf oeq, %select_n3A_1021, %eq3A_1037 : vector<256x1024xf32>
    %jit3A_1039 = arith.constant 1024 : i32
    %broadcast_in_dim3A_1040 = vector.broadcast %jit3A_1039 : i32 to vector<256x1024xi32>
    %select_n3A_1041 = arith.select %eq3A_1038, %iota3A_703, %broadcast_in_dim3A_1040 : vector<256x1024xi1>, vector<256x1024xi32>
    %reduce_min3A_1042 = arith.constant dense<2147483647> : vector<256xi32>
    %reduce_min3A_1043 = vector.multi_reduction <minsi>, %select_n3A_1041, %reduce_min3A_1042 [1] : vector<256x1024xi32> to vector<256xi32>
    %broadcast_in_dim3A_1044 = vector.shape_cast %reduce_min3A_1043 : vector<256xi32> to vector<256x1xi32>
    %eq3A_1045 = vector.broadcast %broadcast_in_dim3A_1044 : vector<256x1xi32> to vector<256x1024xi32>
    %eq3A_1046 = arith.cmpi eq, %iota3A_703, %eq3A_1045 : vector<256x1024xi32>
    %convert_element_type3A_1047 = arith.extui %eq3A_1046 : vector<256x1024xi1> to vector<256x1024xi32>
    %convert_element_type3A_1048 = arith.sitofp %convert_element_type3A_1047 : vector<256x1024xi32> to vector<256x1024xf32>
    %jit3A_1049 = arith.constant 0x7F800000 : f32
    %broadcast_in_dim3A_1050 = vector.broadcast %jit3A_1049 : f32 to vector<256x1024xf32>
    %select_n3A_1051 = arith.select %eq3A_1046, %broadcast_in_dim3A_1050, %select_n3A_1021 : vector<256x1024xi1>, vector<256x1024xf32>
    %dot_general3A_1052 = arith.constant dense<0.000000e+00> : vector<256x3xf32>
    %dot_general3A_1053 = tpu.matmul %convert_element_type3A_1048, %get3A_685, %dot_general3A_1052 {dimension_numbers = #tpu.dot_dimension_numbers<[1], [0], [0], [1], [0, 0, 1, 1], [], []>, transpose_lhs_hint = false} : vector<256x1024xf32>, vector<1024x3xf32>, vector<256x3xf32> -> vector<256x3xf32>
    %sub3A_1054 = arith.subf %dot_general3A_1053, %get3A_3 : vector<256x3xf32>
    %mul3A_1055 = arith.mulf %sub3A_1054, %sub3A_1054 : vector<256x3xf32>
    %reduce_sum3A_1056 = arith.constant dense<0.000000e+00> : vector<256xf32>
    %reduce_sum3A_1057 = vector.multi_reduction <add>, %mul3A_1055, %reduce_sum3A_1056 [1] : vector<256x3xf32> to vector<256xf32>
    %broadcast_in_dim3A_1058 = vector.shape_cast %reduce_sum3A_1057 : vector<256xf32> to vector<256x1xf32>
    %add3A_1059 = arith.constant 9.99999996E-13 : f32
    %add3A_1060 = vector.broadcast %add3A_1059 : f32 to vector<256x1xf32>
    %add3A_1061 = arith.addf %broadcast_in_dim3A_1058, %add3A_1060 : vector<256x1xf32>
    %sqrt3A_1062 = math.sqrt %add3A_1061 : vector<256x1xf32>
    %concatenate3A_1063 = tpu.concatenate %sub3A_1054, %sqrt3A_1062, %get3A_3, %dot_general3A_1053 in 1 : vector<256x3xf32>, vector<256x1xf32>, vector<256x3xf32>, vector<256x3xf32> -> vector<256x10xf32>
    %reduce_min3A_1064 = arith.constant dense<0x7F800000> : vector<256xf32>
    %reduce_min3A_1065 = vector.multi_reduction <minimumf>, %select_n3A_1051, %reduce_min3A_1064 [1] : vector<256x1024xf32> to vector<256xf32>
    %broadcast_in_dim3A_1066 = vector.shape_cast %reduce_min3A_1065 : vector<256xf32> to vector<256x1xf32>
    %eq3A_1067 = vector.broadcast %broadcast_in_dim3A_1066 : vector<256x1xf32> to vector<256x1024xf32>
    %eq3A_1068 = arith.cmpf oeq, %select_n3A_1051, %eq3A_1067 : vector<256x1024xf32>
    %jit3A_1069 = arith.constant 1024 : i32
    %broadcast_in_dim3A_1070 = vector.broadcast %jit3A_1069 : i32 to vector<256x1024xi32>
    %select_n3A_1071 = arith.select %eq3A_1068, %iota3A_703, %broadcast_in_dim3A_1070 : vector<256x1024xi1>, vector<256x1024xi32>
    %reduce_min3A_1072 = arith.constant dense<2147483647> : vector<256xi32>
    %reduce_min3A_1073 = vector.multi_reduction <minsi>, %select_n3A_1071, %reduce_min3A_1072 [1] : vector<256x1024xi32> to vector<256xi32>
    %broadcast_in_dim3A_1074 = vector.shape_cast %reduce_min3A_1073 : vector<256xi32> to vector<256x1xi32>
    %eq3A_1075 = vector.broadcast %broadcast_in_dim3A_1074 : vector<256x1xi32> to vector<256x1024xi32>
    %eq3A_1076 = arith.cmpi eq, %iota3A_703, %eq3A_1075 : vector<256x1024xi32>
    %convert_element_type3A_1077 = arith.extui %eq3A_1076 : vector<256x1024xi1> to vector<256x1024xi32>
    %convert_element_type3A_1078 = arith.sitofp %convert_element_type3A_1077 : vector<256x1024xi32> to vector<256x1024xf32>
    %jit3A_1079 = arith.constant 0x7F800000 : f32
    %broadcast_in_dim3A_1080 = vector.broadcast %jit3A_1079 : f32 to vector<256x1024xf32>
    %select_n3A_1081 = arith.select %eq3A_1076, %broadcast_in_dim3A_1080, %select_n3A_1051 : vector<256x1024xi1>, vector<256x1024xf32>
    %dot_general3A_1082 = arith.constant dense<0.000000e+00> : vector<256x3xf32>
    %dot_general3A_1083 = tpu.matmul %convert_element_type3A_1078, %get3A_685, %dot_general3A_1082 {dimension_numbers = #tpu.dot_dimension_numbers<[1], [0], [0], [1], [0, 0, 1, 1], [], []>, transpose_lhs_hint = false} : vector<256x1024xf32>, vector<1024x3xf32>, vector<256x3xf32> -> vector<256x3xf32>
    %sub3A_1084 = arith.subf %dot_general3A_1083, %get3A_3 : vector<256x3xf32>
    %mul3A_1085 = arith.mulf %sub3A_1084, %sub3A_1084 : vector<256x3xf32>
    %reduce_sum3A_1086 = arith.constant dense<0.000000e+00> : vector<256xf32>
    %reduce_sum3A_1087 = vector.multi_reduction <add>, %mul3A_1085, %reduce_sum3A_1086 [1] : vector<256x3xf32> to vector<256xf32>
    %broadcast_in_dim3A_1088 = vector.shape_cast %reduce_sum3A_1087 : vector<256xf32> to vector<256x1xf32>
    %add3A_1089 = arith.constant 9.99999996E-13 : f32
    %add3A_1090 = vector.broadcast %add3A_1089 : f32 to vector<256x1xf32>
    %add3A_1091 = arith.addf %broadcast_in_dim3A_1088, %add3A_1090 : vector<256x1xf32>
    %sqrt3A_1092 = math.sqrt %add3A_1091 : vector<256x1xf32>
    %concatenate3A_1093 = tpu.concatenate %sub3A_1084, %sqrt3A_1092, %get3A_3, %dot_general3A_1083 in 1 : vector<256x3xf32>, vector<256x1xf32>, vector<256x3xf32>, vector<256x3xf32> -> vector<256x10xf32>
    %reduce_min3A_1094 = arith.constant dense<0x7F800000> : vector<256xf32>
    %reduce_min3A_1095 = vector.multi_reduction <minimumf>, %select_n3A_1081, %reduce_min3A_1094 [1] : vector<256x1024xf32> to vector<256xf32>
    %broadcast_in_dim3A_1096 = vector.shape_cast %reduce_min3A_1095 : vector<256xf32> to vector<256x1xf32>
    %eq3A_1097 = vector.broadcast %broadcast_in_dim3A_1096 : vector<256x1xf32> to vector<256x1024xf32>
    %eq3A_1098 = arith.cmpf oeq, %select_n3A_1081, %eq3A_1097 : vector<256x1024xf32>
    %jit3A_1099 = arith.constant 1024 : i32
    %broadcast_in_dim3A_1100 = vector.broadcast %jit3A_1099 : i32 to vector<256x1024xi32>
    %select_n3A_1101 = arith.select %eq3A_1098, %iota3A_703, %broadcast_in_dim3A_1100 : vector<256x1024xi1>, vector<256x1024xi32>
    %reduce_min3A_1102 = arith.constant dense<2147483647> : vector<256xi32>
    %reduce_min3A_1103 = vector.multi_reduction <minsi>, %select_n3A_1101, %reduce_min3A_1102 [1] : vector<256x1024xi32> to vector<256xi32>
    %broadcast_in_dim3A_1104 = vector.shape_cast %reduce_min3A_1103 : vector<256xi32> to vector<256x1xi32>
    %eq3A_1105 = vector.broadcast %broadcast_in_dim3A_1104 : vector<256x1xi32> to vector<256x1024xi32>
    %eq3A_1106 = arith.cmpi eq, %iota3A_703, %eq3A_1105 : vector<256x1024xi32>
    %convert_element_type3A_1107 = arith.extui %eq3A_1106 : vector<256x1024xi1> to vector<256x1024xi32>
    %convert_element_type3A_1108 = arith.sitofp %convert_element_type3A_1107 : vector<256x1024xi32> to vector<256x1024xf32>
    %jit3A_1109 = arith.constant 0x7F800000 : f32
    %broadcast_in_dim3A_1110 = vector.broadcast %jit3A_1109 : f32 to vector<256x1024xf32>
    %select_n3A_1111 = arith.select %eq3A_1106, %broadcast_in_dim3A_1110, %select_n3A_1081 : vector<256x1024xi1>, vector<256x1024xf32>
    %dot_general3A_1112 = arith.constant dense<0.000000e+00> : vector<256x3xf32>
    %dot_general3A_1113 = tpu.matmul %convert_element_type3A_1108, %get3A_685, %dot_general3A_1112 {dimension_numbers = #tpu.dot_dimension_numbers<[1], [0], [0], [1], [0, 0, 1, 1], [], []>, transpose_lhs_hint = false} : vector<256x1024xf32>, vector<1024x3xf32>, vector<256x3xf32> -> vector<256x3xf32>
    %sub3A_1114 = arith.subf %dot_general3A_1113, %get3A_3 : vector<256x3xf32>
    %mul3A_1115 = arith.mulf %sub3A_1114, %sub3A_1114 : vector<256x3xf32>
    %reduce_sum3A_1116 = arith.constant dense<0.000000e+00> : vector<256xf32>
    %reduce_sum3A_1117 = vector.multi_reduction <add>, %mul3A_1115, %reduce_sum3A_1116 [1] : vector<256x3xf32> to vector<256xf32>
    %broadcast_in_dim3A_1118 = vector.shape_cast %reduce_sum3A_1117 : vector<256xf32> to vector<256x1xf32>
    %add3A_1119 = arith.constant 9.99999996E-13 : f32
    %add3A_1120 = vector.broadcast %add3A_1119 : f32 to vector<256x1xf32>
    %add3A_1121 = arith.addf %broadcast_in_dim3A_1118, %add3A_1120 : vector<256x1xf32>
    %sqrt3A_1122 = math.sqrt %add3A_1121 : vector<256x1xf32>
    %concatenate3A_1123 = tpu.concatenate %sub3A_1114, %sqrt3A_1122, %get3A_3, %dot_general3A_1113 in 1 : vector<256x3xf32>, vector<256x1xf32>, vector<256x3xf32>, vector<256x3xf32> -> vector<256x10xf32>
    %reduce_min3A_1124 = arith.constant dense<0x7F800000> : vector<256xf32>
    %reduce_min3A_1125 = vector.multi_reduction <minimumf>, %select_n3A_1111, %reduce_min3A_1124 [1] : vector<256x1024xf32> to vector<256xf32>
    %broadcast_in_dim3A_1126 = vector.shape_cast %reduce_min3A_1125 : vector<256xf32> to vector<256x1xf32>
    %eq3A_1127 = vector.broadcast %broadcast_in_dim3A_1126 : vector<256x1xf32> to vector<256x1024xf32>
    %eq3A_1128 = arith.cmpf oeq, %select_n3A_1111, %eq3A_1127 : vector<256x1024xf32>
    %jit3A_1129 = arith.constant 1024 : i32
    %broadcast_in_dim3A_1130 = vector.broadcast %jit3A_1129 : i32 to vector<256x1024xi32>
    %select_n3A_1131 = arith.select %eq3A_1128, %iota3A_703, %broadcast_in_dim3A_1130 : vector<256x1024xi1>, vector<256x1024xi32>
    %reduce_min3A_1132 = arith.constant dense<2147483647> : vector<256xi32>
    %reduce_min3A_1133 = vector.multi_reduction <minsi>, %select_n3A_1131, %reduce_min3A_1132 [1] : vector<256x1024xi32> to vector<256xi32>
    %broadcast_in_dim3A_1134 = vector.shape_cast %reduce_min3A_1133 : vector<256xi32> to vector<256x1xi32>
    %eq3A_1135 = vector.broadcast %broadcast_in_dim3A_1134 : vector<256x1xi32> to vector<256x1024xi32>
    %eq3A_1136 = arith.cmpi eq, %iota3A_703, %eq3A_1135 : vector<256x1024xi32>
    %convert_element_type3A_1137 = arith.extui %eq3A_1136 : vector<256x1024xi1> to vector<256x1024xi32>
    %convert_element_type3A_1138 = arith.sitofp %convert_element_type3A_1137 : vector<256x1024xi32> to vector<256x1024xf32>
    %jit3A_1139 = arith.constant 0x7F800000 : f32
    %broadcast_in_dim3A_1140 = vector.broadcast %jit3A_1139 : f32 to vector<256x1024xf32>
    %select_n3A_1141 = arith.select %eq3A_1136, %broadcast_in_dim3A_1140, %select_n3A_1111 : vector<256x1024xi1>, vector<256x1024xf32>
    %dot_general3A_1142 = arith.constant dense<0.000000e+00> : vector<256x3xf32>
    %dot_general3A_1143 = tpu.matmul %convert_element_type3A_1138, %get3A_685, %dot_general3A_1142 {dimension_numbers = #tpu.dot_dimension_numbers<[1], [0], [0], [1], [0, 0, 1, 1], [], []>, transpose_lhs_hint = false} : vector<256x1024xf32>, vector<1024x3xf32>, vector<256x3xf32> -> vector<256x3xf32>
    %sub3A_1144 = arith.subf %dot_general3A_1143, %get3A_3 : vector<256x3xf32>
    %mul3A_1145 = arith.mulf %sub3A_1144, %sub3A_1144 : vector<256x3xf32>
    %reduce_sum3A_1146 = arith.constant dense<0.000000e+00> : vector<256xf32>
    %reduce_sum3A_1147 = vector.multi_reduction <add>, %mul3A_1145, %reduce_sum3A_1146 [1] : vector<256x3xf32> to vector<256xf32>
    %broadcast_in_dim3A_1148 = vector.shape_cast %reduce_sum3A_1147 : vector<256xf32> to vector<256x1xf32>
    %add3A_1149 = arith.constant 9.99999996E-13 : f32
    %add3A_1150 = vector.broadcast %add3A_1149 : f32 to vector<256x1xf32>
    %add3A_1151 = arith.addf %broadcast_in_dim3A_1148, %add3A_1150 : vector<256x1xf32>
    %sqrt3A_1152 = math.sqrt %add3A_1151 : vector<256x1xf32>
    %concatenate3A_1153 = tpu.concatenate %sub3A_1144, %sqrt3A_1152, %get3A_3, %dot_general3A_1143 in 1 : vector<256x3xf32>, vector<256x1xf32>, vector<256x3xf32>, vector<256x3xf32> -> vector<256x10xf32>
    %reduce_min3A_1154 = arith.constant dense<0x7F800000> : vector<256xf32>
    %reduce_min3A_1155 = vector.multi_reduction <minimumf>, %select_n3A_1141, %reduce_min3A_1154 [1] : vector<256x1024xf32> to vector<256xf32>
    %broadcast_in_dim3A_1156 = vector.shape_cast %reduce_min3A_1155 : vector<256xf32> to vector<256x1xf32>
    %eq3A_1157 = vector.broadcast %broadcast_in_dim3A_1156 : vector<256x1xf32> to vector<256x1024xf32>
    %eq3A_1158 = arith.cmpf oeq, %select_n3A_1141, %eq3A_1157 : vector<256x1024xf32>
    %jit3A_1159 = arith.constant 1024 : i32
    %broadcast_in_dim3A_1160 = vector.broadcast %jit3A_1159 : i32 to vector<256x1024xi32>
    %select_n3A_1161 = arith.select %eq3A_1158, %iota3A_703, %broadcast_in_dim3A_1160 : vector<256x1024xi1>, vector<256x1024xi32>
    %reduce_min3A_1162 = arith.constant dense<2147483647> : vector<256xi32>
    %reduce_min3A_1163 = vector.multi_reduction <minsi>, %select_n3A_1161, %reduce_min3A_1162 [1] : vector<256x1024xi32> to vector<256xi32>
    %broadcast_in_dim3A_1164 = vector.shape_cast %reduce_min3A_1163 : vector<256xi32> to vector<256x1xi32>
    %eq3A_1165 = vector.broadcast %broadcast_in_dim3A_1164 : vector<256x1xi32> to vector<256x1024xi32>
    %eq3A_1166 = arith.cmpi eq, %iota3A_703, %eq3A_1165 : vector<256x1024xi32>
    %convert_element_type3A_1167 = arith.extui %eq3A_1166 : vector<256x1024xi1> to vector<256x1024xi32>
    %convert_element_type3A_1168 = arith.sitofp %convert_element_type3A_1167 : vector<256x1024xi32> to vector<256x1024xf32>
    %dot_general3A_1169 = arith.constant dense<0.000000e+00> : vector<256x3xf32>
    %dot_general3A_1170 = tpu.matmul %convert_element_type3A_1168, %get3A_685, %dot_general3A_1169 {dimension_numbers = #tpu.dot_dimension_numbers<[1], [0], [0], [1], [0, 0, 1, 1], [], []>, transpose_lhs_hint = false} : vector<256x1024xf32>, vector<1024x3xf32>, vector<256x3xf32> -> vector<256x3xf32>
    %sub3A_1171 = arith.subf %dot_general3A_1170, %get3A_3 : vector<256x3xf32>
    %mul3A_1172 = arith.mulf %sub3A_1171, %sub3A_1171 : vector<256x3xf32>
    %reduce_sum3A_1173 = arith.constant dense<0.000000e+00> : vector<256xf32>
    %reduce_sum3A_1174 = vector.multi_reduction <add>, %mul3A_1172, %reduce_sum3A_1173 [1] : vector<256x3xf32> to vector<256xf32>
    %broadcast_in_dim3A_1175 = vector.shape_cast %reduce_sum3A_1174 : vector<256xf32> to vector<256x1xf32>
    %add3A_1176 = arith.constant 9.99999996E-13 : f32
    %add3A_1177 = vector.broadcast %add3A_1176 : f32 to vector<256x1xf32>
    %add3A_1178 = arith.addf %broadcast_in_dim3A_1175, %add3A_1177 : vector<256x1xf32>
    %sqrt3A_1179 = math.sqrt %add3A_1178 : vector<256x1xf32>
    %concatenate3A_1180 = tpu.concatenate %sub3A_1171, %sqrt3A_1179, %get3A_3, %dot_general3A_1170 in 1 : vector<256x3xf32>, vector<256x1xf32>, vector<256x3xf32>, vector<256x3xf32> -> vector<256x10xf32>
    %concatenate3A_1181 = tpu.concatenate %concatenate3A_733, %concatenate3A_763, %concatenate3A_793, %concatenate3A_823, %concatenate3A_853, %concatenate3A_883, %concatenate3A_913, %concatenate3A_943, %concatenate3A_973, %concatenate3A_1003, %concatenate3A_1033, %concatenate3A_1063, %concatenate3A_1093, %concatenate3A_1123, %concatenate3A_1153, %concatenate3A_1180 in 0 : vector<256x10xf32>, vector<256x10xf32>, vector<256x10xf32>, vector<256x10xf32>, vector<256x10xf32>, vector<256x10xf32>, vector<256x10xf32>, vector<256x10xf32>, vector<256x10xf32>, vector<256x10xf32>, vector<256x10xf32>, vector<256x10xf32>, vector<256x10xf32>, vector<256x10xf32>, vector<256x10xf32>, vector<256x10xf32> -> vector<4096x10xf32>
    %get3A_1182 = arith.constant 0 : index
    %get3A_1183 = arith.constant 0 : index
    %get3A_1184 = vector.load %arg26[%get3A_1182, %get3A_1183] : memref<10x32xf32, #tpu.memory_space<vmem>>, vector<10x32xf32>
    %dot_general3A_1185 = arith.constant dense<0.000000e+00> : vector<4096x32xf32>
    %dot_general3A_1186 = tpu.matmul %concatenate3A_1181, %get3A_1184, %dot_general3A_1185 {dimension_numbers = #tpu.dot_dimension_numbers<[1], [0], [0], [1], [0, 0, 1, 1], [], []>, transpose_lhs_hint = false} : vector<4096x10xf32>, vector<10x32xf32>, vector<4096x32xf32> -> vector<4096x32xf32>
    %get3A_1187 = arith.constant 0 : index
    %get3A_1188 = arith.constant 0 : index
    %get3A_1189 = vector.load %arg27[%get3A_1187, %get3A_1188] : memref<1x32xf32, #tpu.memory_space<vmem>>, vector<1x32xf32>
    %add3A_1190 = vector.broadcast %get3A_1189 : vector<1x32xf32> to vector<4096x32xf32>
    %add3A_1191 = arith.addf %dot_general3A_1186, %add3A_1190 : vector<4096x32xf32>
    %mul3A_1192 = arith.constant 0.999994993 : f32
    %mul3A_1193 = vector.broadcast %mul3A_1192 : f32 to vector<4096x32xf32>
    %mul3A_1194 = arith.mulf %add3A_1191, %mul3A_1193 : vector<4096x32xf32>
    %max3A_1195 = arith.constant 0.000000e+00 : f32
    %max3A_1196 = vector.broadcast %max3A_1195 : f32 to vector<4096x32xf32>
    %max3A_1197 = arith.maximumf %mul3A_1194, %max3A_1196 : vector<4096x32xf32>
    %get3A_1198 = arith.constant 0 : index
    %get3A_1199 = arith.constant 0 : index
    %get3A_1200 = vector.load %arg28[%get3A_1198, %get3A_1199] : memref<32x64xf32, #tpu.memory_space<vmem>>, vector<32x64xf32>
    %dot_general3A_1201 = arith.constant dense<0.000000e+00> : vector<4096x64xf32>
    %dot_general3A_1202 = tpu.matmul %max3A_1197, %get3A_1200, %dot_general3A_1201 {dimension_numbers = #tpu.dot_dimension_numbers<[1], [0], [0], [1], [0, 0, 1, 1], [], []>, transpose_lhs_hint = false} : vector<4096x32xf32>, vector<32x64xf32>, vector<4096x64xf32> -> vector<4096x64xf32>
    %get3A_1203 = arith.constant 0 : index
    %get3A_1204 = arith.constant 0 : index
    %get3A_1205 = vector.load %arg29[%get3A_1203, %get3A_1204] : memref<1x64xf32, #tpu.memory_space<vmem>>, vector<1x64xf32>
    %add3A_1206 = vector.broadcast %get3A_1205 : vector<1x64xf32> to vector<4096x64xf32>
    %add3A_1207 = arith.addf %dot_general3A_1202, %add3A_1206 : vector<4096x64xf32>
    %mul3A_1208 = arith.constant 0.999994993 : f32
    %mul3A_1209 = vector.broadcast %mul3A_1208 : f32 to vector<4096x64xf32>
    %mul3A_1210 = arith.mulf %add3A_1207, %mul3A_1209 : vector<4096x64xf32>
    %max3A_1211 = arith.constant 0.000000e+00 : f32
    %max3A_1212 = vector.broadcast %max3A_1211 : f32 to vector<4096x64xf32>
    %max3A_1213 = arith.maximumf %mul3A_1210, %max3A_1212 : vector<4096x64xf32>
    %slice3A_1214 = vector.extract_strided_slice %max3A_1213 {offsets = [0, 0], sizes = [256, 64], strides = [1, 1]} : vector<4096x64xf32> to vector<256x64xf32>
    %slice3A_1215 = vector.extract_strided_slice %max3A_1213 {offsets = [256, 0], sizes = [256, 64], strides = [1, 1]} : vector<4096x64xf32> to vector<256x64xf32>
    %max3A_1216 = arith.maximumf %slice3A_1214, %slice3A_1215 : vector<256x64xf32>
    %slice3A_1217 = vector.extract_strided_slice %max3A_1213 {offsets = [512, 0], sizes = [256, 64], strides = [1, 1]} : vector<4096x64xf32> to vector<256x64xf32>
    %max3A_1218 = arith.maximumf %max3A_1216, %slice3A_1217 : vector<256x64xf32>
    %slice3A_1219 = vector.extract_strided_slice %max3A_1213 {offsets = [768, 0], sizes = [256, 64], strides = [1, 1]} : vector<4096x64xf32> to vector<256x64xf32>
    %max3A_1220 = arith.maximumf %max3A_1218, %slice3A_1219 : vector<256x64xf32>
    %slice3A_1221 = vector.extract_strided_slice %max3A_1213 {offsets = [1024, 0], sizes = [256, 64], strides = [1, 1]} : vector<4096x64xf32> to vector<256x64xf32>
    %max3A_1222 = arith.maximumf %max3A_1220, %slice3A_1221 : vector<256x64xf32>
    %slice3A_1223 = vector.extract_strided_slice %max3A_1213 {offsets = [1280, 0], sizes = [256, 64], strides = [1, 1]} : vector<4096x64xf32> to vector<256x64xf32>
    %max3A_1224 = arith.maximumf %max3A_1222, %slice3A_1223 : vector<256x64xf32>
    %slice3A_1225 = vector.extract_strided_slice %max3A_1213 {offsets = [1536, 0], sizes = [256, 64], strides = [1, 1]} : vector<4096x64xf32> to vector<256x64xf32>
    %max3A_1226 = arith.maximumf %max3A_1224, %slice3A_1225 : vector<256x64xf32>
    %slice3A_1227 = vector.extract_strided_slice %max3A_1213 {offsets = [1792, 0], sizes = [256, 64], strides = [1, 1]} : vector<4096x64xf32> to vector<256x64xf32>
    %max3A_1228 = arith.maximumf %max3A_1226, %slice3A_1227 : vector<256x64xf32>
    %slice3A_1229 = vector.extract_strided_slice %max3A_1213 {offsets = [2048, 0], sizes = [256, 64], strides = [1, 1]} : vector<4096x64xf32> to vector<256x64xf32>
    %max3A_1230 = arith.maximumf %max3A_1228, %slice3A_1229 : vector<256x64xf32>
    %slice3A_1231 = vector.extract_strided_slice %max3A_1213 {offsets = [2304, 0], sizes = [256, 64], strides = [1, 1]} : vector<4096x64xf32> to vector<256x64xf32>
    %max3A_1232 = arith.maximumf %max3A_1230, %slice3A_1231 : vector<256x64xf32>
    %slice3A_1233 = vector.extract_strided_slice %max3A_1213 {offsets = [2560, 0], sizes = [256, 64], strides = [1, 1]} : vector<4096x64xf32> to vector<256x64xf32>
    %max3A_1234 = arith.maximumf %max3A_1232, %slice3A_1233 : vector<256x64xf32>
    %slice3A_1235 = vector.extract_strided_slice %max3A_1213 {offsets = [2816, 0], sizes = [256, 64], strides = [1, 1]} : vector<4096x64xf32> to vector<256x64xf32>
    %max3A_1236 = arith.maximumf %max3A_1234, %slice3A_1235 : vector<256x64xf32>
    %slice3A_1237 = vector.extract_strided_slice %max3A_1213 {offsets = [3072, 0], sizes = [256, 64], strides = [1, 1]} : vector<4096x64xf32> to vector<256x64xf32>
    %max3A_1238 = arith.maximumf %max3A_1236, %slice3A_1237 : vector<256x64xf32>
    %slice3A_1239 = vector.extract_strided_slice %max3A_1213 {offsets = [3328, 0], sizes = [256, 64], strides = [1, 1]} : vector<4096x64xf32> to vector<256x64xf32>
    %max3A_1240 = arith.maximumf %max3A_1238, %slice3A_1239 : vector<256x64xf32>
    %slice3A_1241 = vector.extract_strided_slice %max3A_1213 {offsets = [3584, 0], sizes = [256, 64], strides = [1, 1]} : vector<4096x64xf32> to vector<256x64xf32>
    %max3A_1242 = arith.maximumf %max3A_1240, %slice3A_1241 : vector<256x64xf32>
    %slice3A_1243 = vector.extract_strided_slice %max3A_1213 {offsets = [3840, 0], sizes = [256, 64], strides = [1, 1]} : vector<4096x64xf32> to vector<256x64xf32>
    %max3A_1244 = arith.maximumf %max3A_1242, %slice3A_1243 : vector<256x64xf32>
    %concatenate3A_1245 = tpu.concatenate %max3A_675, %max3A_1244 in 1 : vector<256x64xf32>, vector<256x64xf32> -> vector<256x128xf32>
    %get3A_1246 = arith.constant 0 : index
    %get3A_1247 = arith.constant 0 : index
    %get3A_1248 = vector.load %arg30[%get3A_1246, %get3A_1247] : memref<128x64xf32, #tpu.memory_space<vmem>>, vector<128x64xf32>
    %dot_general3A_1249 = arith.constant dense<0.000000e+00> : vector<256x64xf32>
    %dot_general3A_1250 = tpu.matmul %concatenate3A_1245, %get3A_1248, %dot_general3A_1249 {dimension_numbers = #tpu.dot_dimension_numbers<[1], [0], [0], [1], [0, 0, 1, 1], [], []>, transpose_lhs_hint = false} : vector<256x128xf32>, vector<128x64xf32>, vector<256x64xf32> -> vector<256x64xf32>
    %get3A_1251 = arith.constant 0 : index
    %get3A_1252 = arith.constant 0 : index
    %get3A_1253 = vector.load %arg31[%get3A_1251, %get3A_1252] : memref<1x64xf32, #tpu.memory_space<vmem>>, vector<1x64xf32>
    %add3A_1254 = vector.broadcast %get3A_1253 : vector<1x64xf32> to vector<256x64xf32>
    %add3A_1255 = arith.addf %dot_general3A_1250, %add3A_1254 : vector<256x64xf32>
    %mul3A_1256 = arith.constant 0.999994993 : f32
    %mul3A_1257 = vector.broadcast %mul3A_1256 : f32 to vector<256x64xf32>
    %mul3A_1258 = arith.mulf %add3A_1255, %mul3A_1257 : vector<256x64xf32>
    %max3A_1259 = arith.constant 0.000000e+00 : f32
    %max3A_1260 = vector.broadcast %max3A_1259 : f32 to vector<256x64xf32>
    %max3A_1261 = arith.maximumf %mul3A_1258, %max3A_1260 : vector<256x64xf32>
    %get3A_1262 = arith.constant 0 : index
    %get3A_1263 = arith.constant 0 : index
    %get3A_1264 = vector.load %arg32[%get3A_1262, %get3A_1263] : memref<64x64xf32, #tpu.memory_space<vmem>>, vector<64x64xf32>
    %dot_general3A_1265 = arith.constant dense<0.000000e+00> : vector<256x64xf32>
    %dot_general3A_1266 = tpu.matmul %max3A_1261, %get3A_1264, %dot_general3A_1265 {dimension_numbers = #tpu.dot_dimension_numbers<[1], [0], [0], [1], [0, 0, 1, 1], [], []>, transpose_lhs_hint = false} : vector<256x64xf32>, vector<64x64xf32>, vector<256x64xf32> -> vector<256x64xf32>
    %get3A_1267 = arith.constant 0 : index
    %get3A_1268 = arith.constant 0 : index
    %get3A_1269 = vector.load %arg33[%get3A_1267, %get3A_1268] : memref<1x64xf32, #tpu.memory_space<vmem>>, vector<1x64xf32>
    %add3A_1270 = vector.broadcast %get3A_1269 : vector<1x64xf32> to vector<256x64xf32>
    %add3A_1271 = arith.addf %dot_general3A_1266, %add3A_1270 : vector<256x64xf32>
    %mul3A_1272 = arith.constant 0.999994993 : f32
    %mul3A_1273 = vector.broadcast %mul3A_1272 : f32 to vector<256x64xf32>
    %mul3A_1274 = arith.mulf %add3A_1271, %mul3A_1273 : vector<256x64xf32>
    %max3A_1275 = arith.constant 0.000000e+00 : f32
    %max3A_1276 = vector.broadcast %max3A_1275 : f32 to vector<256x64xf32>
    %max3A_1277 = arith.maximumf %mul3A_1274, %max3A_1276 : vector<256x64xf32>
    %get3A_1278 = arith.constant 0 : index
    %get3A_1279 = arith.constant 0 : index
    %get3A_1280 = vector.load %arg34[%get3A_1278, %get3A_1279] : memref<64x64xf32, #tpu.memory_space<vmem>>, vector<64x64xf32>
    %dot_general3A_1281 = arith.constant dense<0.000000e+00> : vector<256x64xf32>
    %dot_general3A_1282 = tpu.matmul %max3A_1277, %get3A_1280, %dot_general3A_1281 {dimension_numbers = #tpu.dot_dimension_numbers<[1], [0], [0], [1], [0, 0, 1, 1], [], []>, transpose_lhs_hint = false} : vector<256x64xf32>, vector<64x64xf32>, vector<256x64xf32> -> vector<256x64xf32>
    %get3A_1283 = arith.constant 0 : index
    %get3A_1284 = arith.constant 0 : index
    %get3A_1285 = vector.load %arg35[%get3A_1283, %get3A_1284] : memref<1x64xf32, #tpu.memory_space<vmem>>, vector<1x64xf32>
    %add3A_1286 = vector.broadcast %get3A_1285 : vector<1x64xf32> to vector<256x64xf32>
    %add3A_1287 = arith.addf %dot_general3A_1282, %add3A_1286 : vector<256x64xf32>
    %logistic3A_1288 = arith.negf %add3A_1287 : vector<256x64xf32>
    %logistic3A_1289 = math.exp %logistic3A_1288 : vector<256x64xf32>
    %logistic3A_1290 = arith.constant 1.000000e+00 : f32
    %logistic3A_1291 = vector.broadcast %logistic3A_1290 : f32 to vector<256x64xf32>
    %logistic3A_1292 = arith.addf %logistic3A_1291, %logistic3A_1289 : vector<256x64xf32>
    %logistic3A_1293 = arith.divf %logistic3A_1291, %logistic3A_1292 : vector<256x64xf32>
    %mul3A_1294 = arith.mulf %max3A_675, %logistic3A_1293 : vector<256x64xf32>
    %get3A_1295 = arith.constant 0 : index
    %get3A_1296 = arith.constant 0 : index
    %get3A_1297 = vector.load %arg36[%get3A_1295, %get3A_1296] : memref<64x64xf32, #tpu.memory_space<vmem>>, vector<64x64xf32>
    %dot_general3A_1298 = arith.constant dense<0.000000e+00> : vector<256x64xf32>
    %dot_general3A_1299 = tpu.matmul %mul3A_1294, %get3A_1297, %dot_general3A_1298 {dimension_numbers = #tpu.dot_dimension_numbers<[1], [0], [0], [1], [0, 0, 1, 1], [], []>, transpose_lhs_hint = false} : vector<256x64xf32>, vector<64x64xf32>, vector<256x64xf32> -> vector<256x64xf32>
    %get3A_1300 = arith.constant 0 : index
    %get3A_1301 = arith.constant 0 : index
    %get3A_1302 = vector.load %arg37[%get3A_1300, %get3A_1301] : memref<1x64xf32, #tpu.memory_space<vmem>>, vector<1x64xf32>
    %add3A_1303 = vector.broadcast %get3A_1302 : vector<1x64xf32> to vector<256x64xf32>
    %add3A_1304 = arith.addf %dot_general3A_1299, %add3A_1303 : vector<256x64xf32>
    %mul3A_1305 = arith.constant 0.999994993 : f32
    %mul3A_1306 = vector.broadcast %mul3A_1305 : f32 to vector<256x64xf32>
    %mul3A_1307 = arith.mulf %add3A_1304, %mul3A_1306 : vector<256x64xf32>
    %max3A_1308 = arith.constant 0.000000e+00 : f32
    %max3A_1309 = vector.broadcast %max3A_1308 : f32 to vector<256x64xf32>
    %max3A_1310 = arith.maximumf %mul3A_1307, %max3A_1309 : vector<256x64xf32>
    %get3A_1311 = arith.constant 0 : index
    %get3A_1312 = arith.constant 0 : index
    %get3A_1313 = vector.load %arg38[%get3A_1311, %get3A_1312] : memref<64x128xf32, #tpu.memory_space<vmem>>, vector<64x128xf32>
    %dot_general3A_1314 = arith.constant dense<0.000000e+00> : vector<256x128xf32>
    %dot_general3A_1315 = tpu.matmul %max3A_1310, %get3A_1313, %dot_general3A_1314 {dimension_numbers = #tpu.dot_dimension_numbers<[1], [0], [0], [1], [0, 0, 1, 1], [], []>, transpose_lhs_hint = false} : vector<256x64xf32>, vector<64x128xf32>, vector<256x128xf32> -> vector<256x128xf32>
    %get3A_1316 = arith.constant 0 : index
    %get3A_1317 = arith.constant 0 : index
    %get3A_1318 = vector.load %arg39[%get3A_1316, %get3A_1317] : memref<1x128xf32, #tpu.memory_space<vmem>>, vector<1x128xf32>
    %add3A_1319 = vector.broadcast %get3A_1318 : vector<1x128xf32> to vector<256x128xf32>
    %add3A_1320 = arith.addf %dot_general3A_1315, %add3A_1319 : vector<256x128xf32>
    %mul3A_1321 = arith.constant 0.999994993 : f32
    %mul3A_1322 = vector.broadcast %mul3A_1321 : f32 to vector<256x128xf32>
    %mul3A_1323 = arith.mulf %add3A_1320, %mul3A_1322 : vector<256x128xf32>
    %max3A_1324 = arith.constant 0.000000e+00 : f32
    %max3A_1325 = vector.broadcast %max3A_1324 : f32 to vector<256x128xf32>
    %max3A_1326 = arith.maximumf %mul3A_1323, %max3A_1325 : vector<256x128xf32>
    %get3A_1327 = arith.constant 0 : index
    %get3A_1328 = arith.constant 0 : index
    %get3A_1329 = vector.load %arg40[%get3A_1327, %get3A_1328] : memref<64x128xf32, #tpu.memory_space<vmem>>, vector<64x128xf32>
    %dot_general3A_1330 = arith.constant dense<0.000000e+00> : vector<256x128xf32>
    %dot_general3A_1331 = tpu.matmul %max3A_675, %get3A_1329, %dot_general3A_1330 {dimension_numbers = #tpu.dot_dimension_numbers<[1], [0], [0], [1], [0, 0, 1, 1], [], []>, transpose_lhs_hint = false} : vector<256x64xf32>, vector<64x128xf32>, vector<256x128xf32> -> vector<256x128xf32>
    %get3A_1332 = arith.constant 0 : index
    %get3A_1333 = arith.constant 0 : index
    %get3A_1334 = vector.load %arg41[%get3A_1332, %get3A_1333] : memref<1x128xf32, #tpu.memory_space<vmem>>, vector<1x128xf32>
    %add3A_1335 = vector.broadcast %get3A_1334 : vector<1x128xf32> to vector<256x128xf32>
    %add3A_1336 = arith.addf %dot_general3A_1331, %add3A_1335 : vector<256x128xf32>
    %mul3A_1337 = arith.constant 0.999994993 : f32
    %mul3A_1338 = vector.broadcast %mul3A_1337 : f32 to vector<256x128xf32>
    %mul3A_1339 = arith.mulf %add3A_1336, %mul3A_1338 : vector<256x128xf32>
    %add3A_1340 = arith.addf %max3A_1326, %mul3A_1339 : vector<256x128xf32>
    %max3A_1341 = arith.constant 0.000000e+00 : f32
    %max3A_1342 = vector.broadcast %max3A_1341 : f32 to vector<256x128xf32>
    %max3A_1343 = arith.maximumf %add3A_1340, %max3A_1342 : vector<256x128xf32>
    %get3A_1344 = arith.constant 0 : index
    %get3A_1345 = arith.constant 0 : index
    %get3A_1346 = arith.constant 0 : index
    %get3A_1347 = vector.load %arg5[%get3A_1344, %get3A_1345, %get3A_1346] : memref<1x3x256xf32, #tpu.memory_space<vmem>>, vector<1x3x256xf32>
    %get3A_1348 = vector.shape_cast %get3A_1347 : vector<1x3x256xf32> to vector<3x256xf32>
    %get3A_1349 = arith.constant 0 : index
    %get3A_1350 = arith.constant 0 : index
    %get3A_1351 = arith.constant 0 : index
    %get3A_1352 = vector.load %arg6[%get3A_1349, %get3A_1350, %get3A_1351] : memref<1x256x3xf32, #tpu.memory_space<vmem>>, vector<1x256x3xf32>
    %get3A_1353 = vector.shape_cast %get3A_1352 : vector<1x256x3xf32> to vector<256x3xf32>
    %mul3A_1354 = arith.mulf %get3A_1348, %get3A_1348 : vector<3x256xf32>
    %reduce_sum3A_1355 = arith.constant dense<0.000000e+00> : vector<256xf32>
    %reduce_sum3A_1356 = vector.multi_reduction <add>, %mul3A_1354, %reduce_sum3A_1355 [0] : vector<3x256xf32> to vector<256xf32>
    %broadcast_in_dim3A_1357 = vector.shape_cast %reduce_sum3A_1356 : vector<256xf32> to vector<1x256xf32>
    %mul3A_1358 = arith.mulf %get3A_3, %get3A_3 : vector<256x3xf32>
    %reduce_sum3A_1359 = arith.constant dense<0.000000e+00> : vector<256xf32>
    %reduce_sum3A_1360 = vector.multi_reduction <add>, %mul3A_1358, %reduce_sum3A_1359 [1] : vector<256x3xf32> to vector<256xf32>
    %broadcast_in_dim3A_1361 = vector.shape_cast %reduce_sum3A_1360 : vector<256xf32> to vector<256x1xf32>
    %add3A_1362 = vector.broadcast %broadcast_in_dim3A_1361 : vector<256x1xf32> to vector<256x256xf32>
    %add3A_1363 = vector.broadcast %broadcast_in_dim3A_1357 : vector<1x256xf32> to vector<256x256xf32>
    %add3A_1364 = arith.addf %add3A_1362, %add3A_1363 : vector<256x256xf32>
    %dot_general3A_1365 = arith.constant dense<0.000000e+00> : vector<256x256xf32>
    %dot_general3A_1366 = tpu.matmul %get3A_3, %get3A_1348, %dot_general3A_1365 {dimension_numbers = #tpu.dot_dimension_numbers<[1], [0], [0], [1], [0, 0, 1, 1], [], []>, transpose_lhs_hint = false} : vector<256x3xf32>, vector<3x256xf32>, vector<256x256xf32> -> vector<256x256xf32>
    %mul3A_1367 = arith.constant 2.000000e+00 : f32
    %mul3A_1368 = vector.broadcast %mul3A_1367 : f32 to vector<256x256xf32>
    %mul3A_1369 = arith.mulf %mul3A_1368, %dot_general3A_1366 : vector<256x256xf32>
    %sub3A_1370 = arith.subf %add3A_1364, %mul3A_1369 : vector<256x256xf32>
    %iota3A_1371 = tpu.iota {dimensions = array<i32: 1>} : vector<256x256xi32>
    %reduce_min3A_1372 = arith.constant dense<0x7F800000> : vector<256xf32>
    %reduce_min3A_1373 = vector.multi_reduction <minimumf>, %sub3A_1370, %reduce_min3A_1372 [1] : vector<256x256xf32> to vector<256xf32>
    %broadcast_in_dim3A_1374 = vector.shape_cast %reduce_min3A_1373 : vector<256xf32> to vector<256x1xf32>
    %eq3A_1375 = vector.broadcast %broadcast_in_dim3A_1374 : vector<256x1xf32> to vector<256x256xf32>
    %eq3A_1376 = arith.cmpf oeq, %sub3A_1370, %eq3A_1375 : vector<256x256xf32>
    %jit3A_1377 = arith.constant 256 : i32
    %broadcast_in_dim3A_1378 = vector.broadcast %jit3A_1377 : i32 to vector<256x256xi32>
    %select_n3A_1379 = arith.select %eq3A_1376, %iota3A_1371, %broadcast_in_dim3A_1378 : vector<256x256xi1>, vector<256x256xi32>
    %reduce_min3A_1380 = arith.constant dense<2147483647> : vector<256xi32>
    %reduce_min3A_1381 = vector.multi_reduction <minsi>, %select_n3A_1379, %reduce_min3A_1380 [1] : vector<256x256xi32> to vector<256xi32>
    %broadcast_in_dim3A_1382 = vector.shape_cast %reduce_min3A_1381 : vector<256xi32> to vector<256x1xi32>
    %eq3A_1383 = vector.broadcast %broadcast_in_dim3A_1382 : vector<256x1xi32> to vector<256x256xi32>
    %eq3A_1384 = arith.cmpi eq, %iota3A_1371, %eq3A_1383 : vector<256x256xi32>
    %convert_element_type3A_1385 = arith.extui %eq3A_1384 : vector<256x256xi1> to vector<256x256xi32>
    %convert_element_type3A_1386 = arith.sitofp %convert_element_type3A_1385 : vector<256x256xi32> to vector<256x256xf32>
    %jit3A_1387 = arith.constant 0x7F800000 : f32
    %broadcast_in_dim3A_1388 = vector.broadcast %jit3A_1387 : f32 to vector<256x256xf32>
    %select_n3A_1389 = arith.select %eq3A_1384, %broadcast_in_dim3A_1388, %sub3A_1370 : vector<256x256xi1>, vector<256x256xf32>
    %dot_general3A_1390 = arith.constant dense<0.000000e+00> : vector<256x3xf32>
    %dot_general3A_1391 = tpu.matmul %convert_element_type3A_1386, %get3A_1353, %dot_general3A_1390 {dimension_numbers = #tpu.dot_dimension_numbers<[1], [0], [0], [1], [0, 0, 1, 1], [], []>, transpose_lhs_hint = false} : vector<256x256xf32>, vector<256x3xf32>, vector<256x3xf32> -> vector<256x3xf32>
    %sub3A_1392 = arith.subf %dot_general3A_1391, %get3A_3 : vector<256x3xf32>
    %mul3A_1393 = arith.mulf %sub3A_1392, %sub3A_1392 : vector<256x3xf32>
    %reduce_sum3A_1394 = arith.constant dense<0.000000e+00> : vector<256xf32>
    %reduce_sum3A_1395 = vector.multi_reduction <add>, %mul3A_1393, %reduce_sum3A_1394 [1] : vector<256x3xf32> to vector<256xf32>
    %broadcast_in_dim3A_1396 = vector.shape_cast %reduce_sum3A_1395 : vector<256xf32> to vector<256x1xf32>
    %add3A_1397 = arith.constant 9.99999996E-13 : f32
    %add3A_1398 = vector.broadcast %add3A_1397 : f32 to vector<256x1xf32>
    %add3A_1399 = arith.addf %broadcast_in_dim3A_1396, %add3A_1398 : vector<256x1xf32>
    %sqrt3A_1400 = math.sqrt %add3A_1399 : vector<256x1xf32>
    %concatenate3A_1401 = tpu.concatenate %sub3A_1392, %sqrt3A_1400, %get3A_3, %dot_general3A_1391 in 1 : vector<256x3xf32>, vector<256x1xf32>, vector<256x3xf32>, vector<256x3xf32> -> vector<256x10xf32>
    %reduce_min3A_1402 = arith.constant dense<0x7F800000> : vector<256xf32>
    %reduce_min3A_1403 = vector.multi_reduction <minimumf>, %select_n3A_1389, %reduce_min3A_1402 [1] : vector<256x256xf32> to vector<256xf32>
    %broadcast_in_dim3A_1404 = vector.shape_cast %reduce_min3A_1403 : vector<256xf32> to vector<256x1xf32>
    %eq3A_1405 = vector.broadcast %broadcast_in_dim3A_1404 : vector<256x1xf32> to vector<256x256xf32>
    %eq3A_1406 = arith.cmpf oeq, %select_n3A_1389, %eq3A_1405 : vector<256x256xf32>
    %jit3A_1407 = arith.constant 256 : i32
    %broadcast_in_dim3A_1408 = vector.broadcast %jit3A_1407 : i32 to vector<256x256xi32>
    %select_n3A_1409 = arith.select %eq3A_1406, %iota3A_1371, %broadcast_in_dim3A_1408 : vector<256x256xi1>, vector<256x256xi32>
    %reduce_min3A_1410 = arith.constant dense<2147483647> : vector<256xi32>
    %reduce_min3A_1411 = vector.multi_reduction <minsi>, %select_n3A_1409, %reduce_min3A_1410 [1] : vector<256x256xi32> to vector<256xi32>
    %broadcast_in_dim3A_1412 = vector.shape_cast %reduce_min3A_1411 : vector<256xi32> to vector<256x1xi32>
    %eq3A_1413 = vector.broadcast %broadcast_in_dim3A_1412 : vector<256x1xi32> to vector<256x256xi32>
    %eq3A_1414 = arith.cmpi eq, %iota3A_1371, %eq3A_1413 : vector<256x256xi32>
    %convert_element_type3A_1415 = arith.extui %eq3A_1414 : vector<256x256xi1> to vector<256x256xi32>
    %convert_element_type3A_1416 = arith.sitofp %convert_element_type3A_1415 : vector<256x256xi32> to vector<256x256xf32>
    %jit3A_1417 = arith.constant 0x7F800000 : f32
    %broadcast_in_dim3A_1418 = vector.broadcast %jit3A_1417 : f32 to vector<256x256xf32>
    %select_n3A_1419 = arith.select %eq3A_1414, %broadcast_in_dim3A_1418, %select_n3A_1389 : vector<256x256xi1>, vector<256x256xf32>
    %dot_general3A_1420 = arith.constant dense<0.000000e+00> : vector<256x3xf32>
    %dot_general3A_1421 = tpu.matmul %convert_element_type3A_1416, %get3A_1353, %dot_general3A_1420 {dimension_numbers = #tpu.dot_dimension_numbers<[1], [0], [0], [1], [0, 0, 1, 1], [], []>, transpose_lhs_hint = false} : vector<256x256xf32>, vector<256x3xf32>, vector<256x3xf32> -> vector<256x3xf32>
    %sub3A_1422 = arith.subf %dot_general3A_1421, %get3A_3 : vector<256x3xf32>
    %mul3A_1423 = arith.mulf %sub3A_1422, %sub3A_1422 : vector<256x3xf32>
    %reduce_sum3A_1424 = arith.constant dense<0.000000e+00> : vector<256xf32>
    %reduce_sum3A_1425 = vector.multi_reduction <add>, %mul3A_1423, %reduce_sum3A_1424 [1] : vector<256x3xf32> to vector<256xf32>
    %broadcast_in_dim3A_1426 = vector.shape_cast %reduce_sum3A_1425 : vector<256xf32> to vector<256x1xf32>
    %add3A_1427 = arith.constant 9.99999996E-13 : f32
    %add3A_1428 = vector.broadcast %add3A_1427 : f32 to vector<256x1xf32>
    %add3A_1429 = arith.addf %broadcast_in_dim3A_1426, %add3A_1428 : vector<256x1xf32>
    %sqrt3A_1430 = math.sqrt %add3A_1429 : vector<256x1xf32>
    %concatenate3A_1431 = tpu.concatenate %sub3A_1422, %sqrt3A_1430, %get3A_3, %dot_general3A_1421 in 1 : vector<256x3xf32>, vector<256x1xf32>, vector<256x3xf32>, vector<256x3xf32> -> vector<256x10xf32>
    %reduce_min3A_1432 = arith.constant dense<0x7F800000> : vector<256xf32>
    %reduce_min3A_1433 = vector.multi_reduction <minimumf>, %select_n3A_1419, %reduce_min3A_1432 [1] : vector<256x256xf32> to vector<256xf32>
    %broadcast_in_dim3A_1434 = vector.shape_cast %reduce_min3A_1433 : vector<256xf32> to vector<256x1xf32>
    %eq3A_1435 = vector.broadcast %broadcast_in_dim3A_1434 : vector<256x1xf32> to vector<256x256xf32>
    %eq3A_1436 = arith.cmpf oeq, %select_n3A_1419, %eq3A_1435 : vector<256x256xf32>
    %jit3A_1437 = arith.constant 256 : i32
    %broadcast_in_dim3A_1438 = vector.broadcast %jit3A_1437 : i32 to vector<256x256xi32>
    %select_n3A_1439 = arith.select %eq3A_1436, %iota3A_1371, %broadcast_in_dim3A_1438 : vector<256x256xi1>, vector<256x256xi32>
    %reduce_min3A_1440 = arith.constant dense<2147483647> : vector<256xi32>
    %reduce_min3A_1441 = vector.multi_reduction <minsi>, %select_n3A_1439, %reduce_min3A_1440 [1] : vector<256x256xi32> to vector<256xi32>
    %broadcast_in_dim3A_1442 = vector.shape_cast %reduce_min3A_1441 : vector<256xi32> to vector<256x1xi32>
    %eq3A_1443 = vector.broadcast %broadcast_in_dim3A_1442 : vector<256x1xi32> to vector<256x256xi32>
    %eq3A_1444 = arith.cmpi eq, %iota3A_1371, %eq3A_1443 : vector<256x256xi32>
    %convert_element_type3A_1445 = arith.extui %eq3A_1444 : vector<256x256xi1> to vector<256x256xi32>
    %convert_element_type3A_1446 = arith.sitofp %convert_element_type3A_1445 : vector<256x256xi32> to vector<256x256xf32>
    %jit3A_1447 = arith.constant 0x7F800000 : f32
    %broadcast_in_dim3A_1448 = vector.broadcast %jit3A_1447 : f32 to vector<256x256xf32>
    %select_n3A_1449 = arith.select %eq3A_1444, %broadcast_in_dim3A_1448, %select_n3A_1419 : vector<256x256xi1>, vector<256x256xf32>
    %dot_general3A_1450 = arith.constant dense<0.000000e+00> : vector<256x3xf32>
    %dot_general3A_1451 = tpu.matmul %convert_element_type3A_1446, %get3A_1353, %dot_general3A_1450 {dimension_numbers = #tpu.dot_dimension_numbers<[1], [0], [0], [1], [0, 0, 1, 1], [], []>, transpose_lhs_hint = false} : vector<256x256xf32>, vector<256x3xf32>, vector<256x3xf32> -> vector<256x3xf32>
    %sub3A_1452 = arith.subf %dot_general3A_1451, %get3A_3 : vector<256x3xf32>
    %mul3A_1453 = arith.mulf %sub3A_1452, %sub3A_1452 : vector<256x3xf32>
    %reduce_sum3A_1454 = arith.constant dense<0.000000e+00> : vector<256xf32>
    %reduce_sum3A_1455 = vector.multi_reduction <add>, %mul3A_1453, %reduce_sum3A_1454 [1] : vector<256x3xf32> to vector<256xf32>
    %broadcast_in_dim3A_1456 = vector.shape_cast %reduce_sum3A_1455 : vector<256xf32> to vector<256x1xf32>
    %add3A_1457 = arith.constant 9.99999996E-13 : f32
    %add3A_1458 = vector.broadcast %add3A_1457 : f32 to vector<256x1xf32>
    %add3A_1459 = arith.addf %broadcast_in_dim3A_1456, %add3A_1458 : vector<256x1xf32>
    %sqrt3A_1460 = math.sqrt %add3A_1459 : vector<256x1xf32>
    %concatenate3A_1461 = tpu.concatenate %sub3A_1452, %sqrt3A_1460, %get3A_3, %dot_general3A_1451 in 1 : vector<256x3xf32>, vector<256x1xf32>, vector<256x3xf32>, vector<256x3xf32> -> vector<256x10xf32>
    %reduce_min3A_1462 = arith.constant dense<0x7F800000> : vector<256xf32>
    %reduce_min3A_1463 = vector.multi_reduction <minimumf>, %select_n3A_1449, %reduce_min3A_1462 [1] : vector<256x256xf32> to vector<256xf32>
    %broadcast_in_dim3A_1464 = vector.shape_cast %reduce_min3A_1463 : vector<256xf32> to vector<256x1xf32>
    %eq3A_1465 = vector.broadcast %broadcast_in_dim3A_1464 : vector<256x1xf32> to vector<256x256xf32>
    %eq3A_1466 = arith.cmpf oeq, %select_n3A_1449, %eq3A_1465 : vector<256x256xf32>
    %jit3A_1467 = arith.constant 256 : i32
    %broadcast_in_dim3A_1468 = vector.broadcast %jit3A_1467 : i32 to vector<256x256xi32>
    %select_n3A_1469 = arith.select %eq3A_1466, %iota3A_1371, %broadcast_in_dim3A_1468 : vector<256x256xi1>, vector<256x256xi32>
    %reduce_min3A_1470 = arith.constant dense<2147483647> : vector<256xi32>
    %reduce_min3A_1471 = vector.multi_reduction <minsi>, %select_n3A_1469, %reduce_min3A_1470 [1] : vector<256x256xi32> to vector<256xi32>
    %broadcast_in_dim3A_1472 = vector.shape_cast %reduce_min3A_1471 : vector<256xi32> to vector<256x1xi32>
    %eq3A_1473 = vector.broadcast %broadcast_in_dim3A_1472 : vector<256x1xi32> to vector<256x256xi32>
    %eq3A_1474 = arith.cmpi eq, %iota3A_1371, %eq3A_1473 : vector<256x256xi32>
    %convert_element_type3A_1475 = arith.extui %eq3A_1474 : vector<256x256xi1> to vector<256x256xi32>
    %convert_element_type3A_1476 = arith.sitofp %convert_element_type3A_1475 : vector<256x256xi32> to vector<256x256xf32>
    %jit3A_1477 = arith.constant 0x7F800000 : f32
    %broadcast_in_dim3A_1478 = vector.broadcast %jit3A_1477 : f32 to vector<256x256xf32>
    %select_n3A_1479 = arith.select %eq3A_1474, %broadcast_in_dim3A_1478, %select_n3A_1449 : vector<256x256xi1>, vector<256x256xf32>
    %dot_general3A_1480 = arith.constant dense<0.000000e+00> : vector<256x3xf32>
    %dot_general3A_1481 = tpu.matmul %convert_element_type3A_1476, %get3A_1353, %dot_general3A_1480 {dimension_numbers = #tpu.dot_dimension_numbers<[1], [0], [0], [1], [0, 0, 1, 1], [], []>, transpose_lhs_hint = false} : vector<256x256xf32>, vector<256x3xf32>, vector<256x3xf32> -> vector<256x3xf32>
    %sub3A_1482 = arith.subf %dot_general3A_1481, %get3A_3 : vector<256x3xf32>
    %mul3A_1483 = arith.mulf %sub3A_1482, %sub3A_1482 : vector<256x3xf32>
    %reduce_sum3A_1484 = arith.constant dense<0.000000e+00> : vector<256xf32>
    %reduce_sum3A_1485 = vector.multi_reduction <add>, %mul3A_1483, %reduce_sum3A_1484 [1] : vector<256x3xf32> to vector<256xf32>
    %broadcast_in_dim3A_1486 = vector.shape_cast %reduce_sum3A_1485 : vector<256xf32> to vector<256x1xf32>
    %add3A_1487 = arith.constant 9.99999996E-13 : f32
    %add3A_1488 = vector.broadcast %add3A_1487 : f32 to vector<256x1xf32>
    %add3A_1489 = arith.addf %broadcast_in_dim3A_1486, %add3A_1488 : vector<256x1xf32>
    %sqrt3A_1490 = math.sqrt %add3A_1489 : vector<256x1xf32>
    %concatenate3A_1491 = tpu.concatenate %sub3A_1482, %sqrt3A_1490, %get3A_3, %dot_general3A_1481 in 1 : vector<256x3xf32>, vector<256x1xf32>, vector<256x3xf32>, vector<256x3xf32> -> vector<256x10xf32>
    %reduce_min3A_1492 = arith.constant dense<0x7F800000> : vector<256xf32>
    %reduce_min3A_1493 = vector.multi_reduction <minimumf>, %select_n3A_1479, %reduce_min3A_1492 [1] : vector<256x256xf32> to vector<256xf32>
    %broadcast_in_dim3A_1494 = vector.shape_cast %reduce_min3A_1493 : vector<256xf32> to vector<256x1xf32>
    %eq3A_1495 = vector.broadcast %broadcast_in_dim3A_1494 : vector<256x1xf32> to vector<256x256xf32>
    %eq3A_1496 = arith.cmpf oeq, %select_n3A_1479, %eq3A_1495 : vector<256x256xf32>
    %jit3A_1497 = arith.constant 256 : i32
    %broadcast_in_dim3A_1498 = vector.broadcast %jit3A_1497 : i32 to vector<256x256xi32>
    %select_n3A_1499 = arith.select %eq3A_1496, %iota3A_1371, %broadcast_in_dim3A_1498 : vector<256x256xi1>, vector<256x256xi32>
    %reduce_min3A_1500 = arith.constant dense<2147483647> : vector<256xi32>
    %reduce_min3A_1501 = vector.multi_reduction <minsi>, %select_n3A_1499, %reduce_min3A_1500 [1] : vector<256x256xi32> to vector<256xi32>
    %broadcast_in_dim3A_1502 = vector.shape_cast %reduce_min3A_1501 : vector<256xi32> to vector<256x1xi32>
    %eq3A_1503 = vector.broadcast %broadcast_in_dim3A_1502 : vector<256x1xi32> to vector<256x256xi32>
    %eq3A_1504 = arith.cmpi eq, %iota3A_1371, %eq3A_1503 : vector<256x256xi32>
    %convert_element_type3A_1505 = arith.extui %eq3A_1504 : vector<256x256xi1> to vector<256x256xi32>
    %convert_element_type3A_1506 = arith.sitofp %convert_element_type3A_1505 : vector<256x256xi32> to vector<256x256xf32>
    %jit3A_1507 = arith.constant 0x7F800000 : f32
    %broadcast_in_dim3A_1508 = vector.broadcast %jit3A_1507 : f32 to vector<256x256xf32>
    %select_n3A_1509 = arith.select %eq3A_1504, %broadcast_in_dim3A_1508, %select_n3A_1479 : vector<256x256xi1>, vector<256x256xf32>
    %dot_general3A_1510 = arith.constant dense<0.000000e+00> : vector<256x3xf32>
    %dot_general3A_1511 = tpu.matmul %convert_element_type3A_1506, %get3A_1353, %dot_general3A_1510 {dimension_numbers = #tpu.dot_dimension_numbers<[1], [0], [0], [1], [0, 0, 1, 1], [], []>, transpose_lhs_hint = false} : vector<256x256xf32>, vector<256x3xf32>, vector<256x3xf32> -> vector<256x3xf32>
    %sub3A_1512 = arith.subf %dot_general3A_1511, %get3A_3 : vector<256x3xf32>
    %mul3A_1513 = arith.mulf %sub3A_1512, %sub3A_1512 : vector<256x3xf32>
    %reduce_sum3A_1514 = arith.constant dense<0.000000e+00> : vector<256xf32>
    %reduce_sum3A_1515 = vector.multi_reduction <add>, %mul3A_1513, %reduce_sum3A_1514 [1] : vector<256x3xf32> to vector<256xf32>
    %broadcast_in_dim3A_1516 = vector.shape_cast %reduce_sum3A_1515 : vector<256xf32> to vector<256x1xf32>
    %add3A_1517 = arith.constant 9.99999996E-13 : f32
    %add3A_1518 = vector.broadcast %add3A_1517 : f32 to vector<256x1xf32>
    %add3A_1519 = arith.addf %broadcast_in_dim3A_1516, %add3A_1518 : vector<256x1xf32>
    %sqrt3A_1520 = math.sqrt %add3A_1519 : vector<256x1xf32>
    %concatenate3A_1521 = tpu.concatenate %sub3A_1512, %sqrt3A_1520, %get3A_3, %dot_general3A_1511 in 1 : vector<256x3xf32>, vector<256x1xf32>, vector<256x3xf32>, vector<256x3xf32> -> vector<256x10xf32>
    %reduce_min3A_1522 = arith.constant dense<0x7F800000> : vector<256xf32>
    %reduce_min3A_1523 = vector.multi_reduction <minimumf>, %select_n3A_1509, %reduce_min3A_1522 [1] : vector<256x256xf32> to vector<256xf32>
    %broadcast_in_dim3A_1524 = vector.shape_cast %reduce_min3A_1523 : vector<256xf32> to vector<256x1xf32>
    %eq3A_1525 = vector.broadcast %broadcast_in_dim3A_1524 : vector<256x1xf32> to vector<256x256xf32>
    %eq3A_1526 = arith.cmpf oeq, %select_n3A_1509, %eq3A_1525 : vector<256x256xf32>
    %jit3A_1527 = arith.constant 256 : i32
    %broadcast_in_dim3A_1528 = vector.broadcast %jit3A_1527 : i32 to vector<256x256xi32>
    %select_n3A_1529 = arith.select %eq3A_1526, %iota3A_1371, %broadcast_in_dim3A_1528 : vector<256x256xi1>, vector<256x256xi32>
    %reduce_min3A_1530 = arith.constant dense<2147483647> : vector<256xi32>
    %reduce_min3A_1531 = vector.multi_reduction <minsi>, %select_n3A_1529, %reduce_min3A_1530 [1] : vector<256x256xi32> to vector<256xi32>
    %broadcast_in_dim3A_1532 = vector.shape_cast %reduce_min3A_1531 : vector<256xi32> to vector<256x1xi32>
    %eq3A_1533 = vector.broadcast %broadcast_in_dim3A_1532 : vector<256x1xi32> to vector<256x256xi32>
    %eq3A_1534 = arith.cmpi eq, %iota3A_1371, %eq3A_1533 : vector<256x256xi32>
    %convert_element_type3A_1535 = arith.extui %eq3A_1534 : vector<256x256xi1> to vector<256x256xi32>
    %convert_element_type3A_1536 = arith.sitofp %convert_element_type3A_1535 : vector<256x256xi32> to vector<256x256xf32>
    %jit3A_1537 = arith.constant 0x7F800000 : f32
    %broadcast_in_dim3A_1538 = vector.broadcast %jit3A_1537 : f32 to vector<256x256xf32>
    %select_n3A_1539 = arith.select %eq3A_1534, %broadcast_in_dim3A_1538, %select_n3A_1509 : vector<256x256xi1>, vector<256x256xf32>
    %dot_general3A_1540 = arith.constant dense<0.000000e+00> : vector<256x3xf32>
    %dot_general3A_1541 = tpu.matmul %convert_element_type3A_1536, %get3A_1353, %dot_general3A_1540 {dimension_numbers = #tpu.dot_dimension_numbers<[1], [0], [0], [1], [0, 0, 1, 1], [], []>, transpose_lhs_hint = false} : vector<256x256xf32>, vector<256x3xf32>, vector<256x3xf32> -> vector<256x3xf32>
    %sub3A_1542 = arith.subf %dot_general3A_1541, %get3A_3 : vector<256x3xf32>
    %mul3A_1543 = arith.mulf %sub3A_1542, %sub3A_1542 : vector<256x3xf32>
    %reduce_sum3A_1544 = arith.constant dense<0.000000e+00> : vector<256xf32>
    %reduce_sum3A_1545 = vector.multi_reduction <add>, %mul3A_1543, %reduce_sum3A_1544 [1] : vector<256x3xf32> to vector<256xf32>
    %broadcast_in_dim3A_1546 = vector.shape_cast %reduce_sum3A_1545 : vector<256xf32> to vector<256x1xf32>
    %add3A_1547 = arith.constant 9.99999996E-13 : f32
    %add3A_1548 = vector.broadcast %add3A_1547 : f32 to vector<256x1xf32>
    %add3A_1549 = arith.addf %broadcast_in_dim3A_1546, %add3A_1548 : vector<256x1xf32>
    %sqrt3A_1550 = math.sqrt %add3A_1549 : vector<256x1xf32>
    %concatenate3A_1551 = tpu.concatenate %sub3A_1542, %sqrt3A_1550, %get3A_3, %dot_general3A_1541 in 1 : vector<256x3xf32>, vector<256x1xf32>, vector<256x3xf32>, vector<256x3xf32> -> vector<256x10xf32>
    %reduce_min3A_1552 = arith.constant dense<0x7F800000> : vector<256xf32>
    %reduce_min3A_1553 = vector.multi_reduction <minimumf>, %select_n3A_1539, %reduce_min3A_1552 [1] : vector<256x256xf32> to vector<256xf32>
    %broadcast_in_dim3A_1554 = vector.shape_cast %reduce_min3A_1553 : vector<256xf32> to vector<256x1xf32>
    %eq3A_1555 = vector.broadcast %broadcast_in_dim3A_1554 : vector<256x1xf32> to vector<256x256xf32>
    %eq3A_1556 = arith.cmpf oeq, %select_n3A_1539, %eq3A_1555 : vector<256x256xf32>
    %jit3A_1557 = arith.constant 256 : i32
    %broadcast_in_dim3A_1558 = vector.broadcast %jit3A_1557 : i32 to vector<256x256xi32>
    %select_n3A_1559 = arith.select %eq3A_1556, %iota3A_1371, %broadcast_in_dim3A_1558 : vector<256x256xi1>, vector<256x256xi32>
    %reduce_min3A_1560 = arith.constant dense<2147483647> : vector<256xi32>
    %reduce_min3A_1561 = vector.multi_reduction <minsi>, %select_n3A_1559, %reduce_min3A_1560 [1] : vector<256x256xi32> to vector<256xi32>
    %broadcast_in_dim3A_1562 = vector.shape_cast %reduce_min3A_1561 : vector<256xi32> to vector<256x1xi32>
    %eq3A_1563 = vector.broadcast %broadcast_in_dim3A_1562 : vector<256x1xi32> to vector<256x256xi32>
    %eq3A_1564 = arith.cmpi eq, %iota3A_1371, %eq3A_1563 : vector<256x256xi32>
    %convert_element_type3A_1565 = arith.extui %eq3A_1564 : vector<256x256xi1> to vector<256x256xi32>
    %convert_element_type3A_1566 = arith.sitofp %convert_element_type3A_1565 : vector<256x256xi32> to vector<256x256xf32>
    %jit3A_1567 = arith.constant 0x7F800000 : f32
    %broadcast_in_dim3A_1568 = vector.broadcast %jit3A_1567 : f32 to vector<256x256xf32>
    %select_n3A_1569 = arith.select %eq3A_1564, %broadcast_in_dim3A_1568, %select_n3A_1539 : vector<256x256xi1>, vector<256x256xf32>
    %dot_general3A_1570 = arith.constant dense<0.000000e+00> : vector<256x3xf32>
    %dot_general3A_1571 = tpu.matmul %convert_element_type3A_1566, %get3A_1353, %dot_general3A_1570 {dimension_numbers = #tpu.dot_dimension_numbers<[1], [0], [0], [1], [0, 0, 1, 1], [], []>, transpose_lhs_hint = false} : vector<256x256xf32>, vector<256x3xf32>, vector<256x3xf32> -> vector<256x3xf32>
    %sub3A_1572 = arith.subf %dot_general3A_1571, %get3A_3 : vector<256x3xf32>
    %mul3A_1573 = arith.mulf %sub3A_1572, %sub3A_1572 : vector<256x3xf32>
    %reduce_sum3A_1574 = arith.constant dense<0.000000e+00> : vector<256xf32>
    %reduce_sum3A_1575 = vector.multi_reduction <add>, %mul3A_1573, %reduce_sum3A_1574 [1] : vector<256x3xf32> to vector<256xf32>
    %broadcast_in_dim3A_1576 = vector.shape_cast %reduce_sum3A_1575 : vector<256xf32> to vector<256x1xf32>
    %add3A_1577 = arith.constant 9.99999996E-13 : f32
    %add3A_1578 = vector.broadcast %add3A_1577 : f32 to vector<256x1xf32>
    %add3A_1579 = arith.addf %broadcast_in_dim3A_1576, %add3A_1578 : vector<256x1xf32>
    %sqrt3A_1580 = math.sqrt %add3A_1579 : vector<256x1xf32>
    %concatenate3A_1581 = tpu.concatenate %sub3A_1572, %sqrt3A_1580, %get3A_3, %dot_general3A_1571 in 1 : vector<256x3xf32>, vector<256x1xf32>, vector<256x3xf32>, vector<256x3xf32> -> vector<256x10xf32>
    %reduce_min3A_1582 = arith.constant dense<0x7F800000> : vector<256xf32>
    %reduce_min3A_1583 = vector.multi_reduction <minimumf>, %select_n3A_1569, %reduce_min3A_1582 [1] : vector<256x256xf32> to vector<256xf32>
    %broadcast_in_dim3A_1584 = vector.shape_cast %reduce_min3A_1583 : vector<256xf32> to vector<256x1xf32>
    %eq3A_1585 = vector.broadcast %broadcast_in_dim3A_1584 : vector<256x1xf32> to vector<256x256xf32>
    %eq3A_1586 = arith.cmpf oeq, %select_n3A_1569, %eq3A_1585 : vector<256x256xf32>
    %jit3A_1587 = arith.constant 256 : i32
    %broadcast_in_dim3A_1588 = vector.broadcast %jit3A_1587 : i32 to vector<256x256xi32>
    %select_n3A_1589 = arith.select %eq3A_1586, %iota3A_1371, %broadcast_in_dim3A_1588 : vector<256x256xi1>, vector<256x256xi32>
    %reduce_min3A_1590 = arith.constant dense<2147483647> : vector<256xi32>
    %reduce_min3A_1591 = vector.multi_reduction <minsi>, %select_n3A_1589, %reduce_min3A_1590 [1] : vector<256x256xi32> to vector<256xi32>
    %broadcast_in_dim3A_1592 = vector.shape_cast %reduce_min3A_1591 : vector<256xi32> to vector<256x1xi32>
    %eq3A_1593 = vector.broadcast %broadcast_in_dim3A_1592 : vector<256x1xi32> to vector<256x256xi32>
    %eq3A_1594 = arith.cmpi eq, %iota3A_1371, %eq3A_1593 : vector<256x256xi32>
    %convert_element_type3A_1595 = arith.extui %eq3A_1594 : vector<256x256xi1> to vector<256x256xi32>
    %convert_element_type3A_1596 = arith.sitofp %convert_element_type3A_1595 : vector<256x256xi32> to vector<256x256xf32>
    %jit3A_1597 = arith.constant 0x7F800000 : f32
    %broadcast_in_dim3A_1598 = vector.broadcast %jit3A_1597 : f32 to vector<256x256xf32>
    %select_n3A_1599 = arith.select %eq3A_1594, %broadcast_in_dim3A_1598, %select_n3A_1569 : vector<256x256xi1>, vector<256x256xf32>
    %dot_general3A_1600 = arith.constant dense<0.000000e+00> : vector<256x3xf32>
    %dot_general3A_1601 = tpu.matmul %convert_element_type3A_1596, %get3A_1353, %dot_general3A_1600 {dimension_numbers = #tpu.dot_dimension_numbers<[1], [0], [0], [1], [0, 0, 1, 1], [], []>, transpose_lhs_hint = false} : vector<256x256xf32>, vector<256x3xf32>, vector<256x3xf32> -> vector<256x3xf32>
    %sub3A_1602 = arith.subf %dot_general3A_1601, %get3A_3 : vector<256x3xf32>
    %mul3A_1603 = arith.mulf %sub3A_1602, %sub3A_1602 : vector<256x3xf32>
    %reduce_sum3A_1604 = arith.constant dense<0.000000e+00> : vector<256xf32>
    %reduce_sum3A_1605 = vector.multi_reduction <add>, %mul3A_1603, %reduce_sum3A_1604 [1] : vector<256x3xf32> to vector<256xf32>
    %broadcast_in_dim3A_1606 = vector.shape_cast %reduce_sum3A_1605 : vector<256xf32> to vector<256x1xf32>
    %add3A_1607 = arith.constant 9.99999996E-13 : f32
    %add3A_1608 = vector.broadcast %add3A_1607 : f32 to vector<256x1xf32>
    %add3A_1609 = arith.addf %broadcast_in_dim3A_1606, %add3A_1608 : vector<256x1xf32>
    %sqrt3A_1610 = math.sqrt %add3A_1609 : vector<256x1xf32>
    %concatenate3A_1611 = tpu.concatenate %sub3A_1602, %sqrt3A_1610, %get3A_3, %dot_general3A_1601 in 1 : vector<256x3xf32>, vector<256x1xf32>, vector<256x3xf32>, vector<256x3xf32> -> vector<256x10xf32>
    %reduce_min3A_1612 = arith.constant dense<0x7F800000> : vector<256xf32>
    %reduce_min3A_1613 = vector.multi_reduction <minimumf>, %select_n3A_1599, %reduce_min3A_1612 [1] : vector<256x256xf32> to vector<256xf32>
    %broadcast_in_dim3A_1614 = vector.shape_cast %reduce_min3A_1613 : vector<256xf32> to vector<256x1xf32>
    %eq3A_1615 = vector.broadcast %broadcast_in_dim3A_1614 : vector<256x1xf32> to vector<256x256xf32>
    %eq3A_1616 = arith.cmpf oeq, %select_n3A_1599, %eq3A_1615 : vector<256x256xf32>
    %jit3A_1617 = arith.constant 256 : i32
    %broadcast_in_dim3A_1618 = vector.broadcast %jit3A_1617 : i32 to vector<256x256xi32>
    %select_n3A_1619 = arith.select %eq3A_1616, %iota3A_1371, %broadcast_in_dim3A_1618 : vector<256x256xi1>, vector<256x256xi32>
    %reduce_min3A_1620 = arith.constant dense<2147483647> : vector<256xi32>
    %reduce_min3A_1621 = vector.multi_reduction <minsi>, %select_n3A_1619, %reduce_min3A_1620 [1] : vector<256x256xi32> to vector<256xi32>
    %broadcast_in_dim3A_1622 = vector.shape_cast %reduce_min3A_1621 : vector<256xi32> to vector<256x1xi32>
    %eq3A_1623 = vector.broadcast %broadcast_in_dim3A_1622 : vector<256x1xi32> to vector<256x256xi32>
    %eq3A_1624 = arith.cmpi eq, %iota3A_1371, %eq3A_1623 : vector<256x256xi32>
    %convert_element_type3A_1625 = arith.extui %eq3A_1624 : vector<256x256xi1> to vector<256x256xi32>
    %convert_element_type3A_1626 = arith.sitofp %convert_element_type3A_1625 : vector<256x256xi32> to vector<256x256xf32>
    %jit3A_1627 = arith.constant 0x7F800000 : f32
    %broadcast_in_dim3A_1628 = vector.broadcast %jit3A_1627 : f32 to vector<256x256xf32>
    %select_n3A_1629 = arith.select %eq3A_1624, %broadcast_in_dim3A_1628, %select_n3A_1599 : vector<256x256xi1>, vector<256x256xf32>
    %dot_general3A_1630 = arith.constant dense<0.000000e+00> : vector<256x3xf32>
    %dot_general3A_1631 = tpu.matmul %convert_element_type3A_1626, %get3A_1353, %dot_general3A_1630 {dimension_numbers = #tpu.dot_dimension_numbers<[1], [0], [0], [1], [0, 0, 1, 1], [], []>, transpose_lhs_hint = false} : vector<256x256xf32>, vector<256x3xf32>, vector<256x3xf32> -> vector<256x3xf32>
    %sub3A_1632 = arith.subf %dot_general3A_1631, %get3A_3 : vector<256x3xf32>
    %mul3A_1633 = arith.mulf %sub3A_1632, %sub3A_1632 : vector<256x3xf32>
    %reduce_sum3A_1634 = arith.constant dense<0.000000e+00> : vector<256xf32>
    %reduce_sum3A_1635 = vector.multi_reduction <add>, %mul3A_1633, %reduce_sum3A_1634 [1] : vector<256x3xf32> to vector<256xf32>
    %broadcast_in_dim3A_1636 = vector.shape_cast %reduce_sum3A_1635 : vector<256xf32> to vector<256x1xf32>
    %add3A_1637 = arith.constant 9.99999996E-13 : f32
    %add3A_1638 = vector.broadcast %add3A_1637 : f32 to vector<256x1xf32>
    %add3A_1639 = arith.addf %broadcast_in_dim3A_1636, %add3A_1638 : vector<256x1xf32>
    %sqrt3A_1640 = math.sqrt %add3A_1639 : vector<256x1xf32>
    %concatenate3A_1641 = tpu.concatenate %sub3A_1632, %sqrt3A_1640, %get3A_3, %dot_general3A_1631 in 1 : vector<256x3xf32>, vector<256x1xf32>, vector<256x3xf32>, vector<256x3xf32> -> vector<256x10xf32>
    %reduce_min3A_1642 = arith.constant dense<0x7F800000> : vector<256xf32>
    %reduce_min3A_1643 = vector.multi_reduction <minimumf>, %select_n3A_1629, %reduce_min3A_1642 [1] : vector<256x256xf32> to vector<256xf32>
    %broadcast_in_dim3A_1644 = vector.shape_cast %reduce_min3A_1643 : vector<256xf32> to vector<256x1xf32>
    %eq3A_1645 = vector.broadcast %broadcast_in_dim3A_1644 : vector<256x1xf32> to vector<256x256xf32>
    %eq3A_1646 = arith.cmpf oeq, %select_n3A_1629, %eq3A_1645 : vector<256x256xf32>
    %jit3A_1647 = arith.constant 256 : i32
    %broadcast_in_dim3A_1648 = vector.broadcast %jit3A_1647 : i32 to vector<256x256xi32>
    %select_n3A_1649 = arith.select %eq3A_1646, %iota3A_1371, %broadcast_in_dim3A_1648 : vector<256x256xi1>, vector<256x256xi32>
    %reduce_min3A_1650 = arith.constant dense<2147483647> : vector<256xi32>
    %reduce_min3A_1651 = vector.multi_reduction <minsi>, %select_n3A_1649, %reduce_min3A_1650 [1] : vector<256x256xi32> to vector<256xi32>
    %broadcast_in_dim3A_1652 = vector.shape_cast %reduce_min3A_1651 : vector<256xi32> to vector<256x1xi32>
    %eq3A_1653 = vector.broadcast %broadcast_in_dim3A_1652 : vector<256x1xi32> to vector<256x256xi32>
    %eq3A_1654 = arith.cmpi eq, %iota3A_1371, %eq3A_1653 : vector<256x256xi32>
    %convert_element_type3A_1655 = arith.extui %eq3A_1654 : vector<256x256xi1> to vector<256x256xi32>
    %convert_element_type3A_1656 = arith.sitofp %convert_element_type3A_1655 : vector<256x256xi32> to vector<256x256xf32>
    %jit3A_1657 = arith.constant 0x7F800000 : f32
    %broadcast_in_dim3A_1658 = vector.broadcast %jit3A_1657 : f32 to vector<256x256xf32>
    %select_n3A_1659 = arith.select %eq3A_1654, %broadcast_in_dim3A_1658, %select_n3A_1629 : vector<256x256xi1>, vector<256x256xf32>
    %dot_general3A_1660 = arith.constant dense<0.000000e+00> : vector<256x3xf32>
    %dot_general3A_1661 = tpu.matmul %convert_element_type3A_1656, %get3A_1353, %dot_general3A_1660 {dimension_numbers = #tpu.dot_dimension_numbers<[1], [0], [0], [1], [0, 0, 1, 1], [], []>, transpose_lhs_hint = false} : vector<256x256xf32>, vector<256x3xf32>, vector<256x3xf32> -> vector<256x3xf32>
    %sub3A_1662 = arith.subf %dot_general3A_1661, %get3A_3 : vector<256x3xf32>
    %mul3A_1663 = arith.mulf %sub3A_1662, %sub3A_1662 : vector<256x3xf32>
    %reduce_sum3A_1664 = arith.constant dense<0.000000e+00> : vector<256xf32>
    %reduce_sum3A_1665 = vector.multi_reduction <add>, %mul3A_1663, %reduce_sum3A_1664 [1] : vector<256x3xf32> to vector<256xf32>
    %broadcast_in_dim3A_1666 = vector.shape_cast %reduce_sum3A_1665 : vector<256xf32> to vector<256x1xf32>
    %add3A_1667 = arith.constant 9.99999996E-13 : f32
    %add3A_1668 = vector.broadcast %add3A_1667 : f32 to vector<256x1xf32>
    %add3A_1669 = arith.addf %broadcast_in_dim3A_1666, %add3A_1668 : vector<256x1xf32>
    %sqrt3A_1670 = math.sqrt %add3A_1669 : vector<256x1xf32>
    %concatenate3A_1671 = tpu.concatenate %sub3A_1662, %sqrt3A_1670, %get3A_3, %dot_general3A_1661 in 1 : vector<256x3xf32>, vector<256x1xf32>, vector<256x3xf32>, vector<256x3xf32> -> vector<256x10xf32>
    %reduce_min3A_1672 = arith.constant dense<0x7F800000> : vector<256xf32>
    %reduce_min3A_1673 = vector.multi_reduction <minimumf>, %select_n3A_1659, %reduce_min3A_1672 [1] : vector<256x256xf32> to vector<256xf32>
    %broadcast_in_dim3A_1674 = vector.shape_cast %reduce_min3A_1673 : vector<256xf32> to vector<256x1xf32>
    %eq3A_1675 = vector.broadcast %broadcast_in_dim3A_1674 : vector<256x1xf32> to vector<256x256xf32>
    %eq3A_1676 = arith.cmpf oeq, %select_n3A_1659, %eq3A_1675 : vector<256x256xf32>
    %jit3A_1677 = arith.constant 256 : i32
    %broadcast_in_dim3A_1678 = vector.broadcast %jit3A_1677 : i32 to vector<256x256xi32>
    %select_n3A_1679 = arith.select %eq3A_1676, %iota3A_1371, %broadcast_in_dim3A_1678 : vector<256x256xi1>, vector<256x256xi32>
    %reduce_min3A_1680 = arith.constant dense<2147483647> : vector<256xi32>
    %reduce_min3A_1681 = vector.multi_reduction <minsi>, %select_n3A_1679, %reduce_min3A_1680 [1] : vector<256x256xi32> to vector<256xi32>
    %broadcast_in_dim3A_1682 = vector.shape_cast %reduce_min3A_1681 : vector<256xi32> to vector<256x1xi32>
    %eq3A_1683 = vector.broadcast %broadcast_in_dim3A_1682 : vector<256x1xi32> to vector<256x256xi32>
    %eq3A_1684 = arith.cmpi eq, %iota3A_1371, %eq3A_1683 : vector<256x256xi32>
    %convert_element_type3A_1685 = arith.extui %eq3A_1684 : vector<256x256xi1> to vector<256x256xi32>
    %convert_element_type3A_1686 = arith.sitofp %convert_element_type3A_1685 : vector<256x256xi32> to vector<256x256xf32>
    %jit3A_1687 = arith.constant 0x7F800000 : f32
    %broadcast_in_dim3A_1688 = vector.broadcast %jit3A_1687 : f32 to vector<256x256xf32>
    %select_n3A_1689 = arith.select %eq3A_1684, %broadcast_in_dim3A_1688, %select_n3A_1659 : vector<256x256xi1>, vector<256x256xf32>
    %dot_general3A_1690 = arith.constant dense<0.000000e+00> : vector<256x3xf32>
    %dot_general3A_1691 = tpu.matmul %convert_element_type3A_1686, %get3A_1353, %dot_general3A_1690 {dimension_numbers = #tpu.dot_dimension_numbers<[1], [0], [0], [1], [0, 0, 1, 1], [], []>, transpose_lhs_hint = false} : vector<256x256xf32>, vector<256x3xf32>, vector<256x3xf32> -> vector<256x3xf32>
    %sub3A_1692 = arith.subf %dot_general3A_1691, %get3A_3 : vector<256x3xf32>
    %mul3A_1693 = arith.mulf %sub3A_1692, %sub3A_1692 : vector<256x3xf32>
    %reduce_sum3A_1694 = arith.constant dense<0.000000e+00> : vector<256xf32>
    %reduce_sum3A_1695 = vector.multi_reduction <add>, %mul3A_1693, %reduce_sum3A_1694 [1] : vector<256x3xf32> to vector<256xf32>
    %broadcast_in_dim3A_1696 = vector.shape_cast %reduce_sum3A_1695 : vector<256xf32> to vector<256x1xf32>
    %add3A_1697 = arith.constant 9.99999996E-13 : f32
    %add3A_1698 = vector.broadcast %add3A_1697 : f32 to vector<256x1xf32>
    %add3A_1699 = arith.addf %broadcast_in_dim3A_1696, %add3A_1698 : vector<256x1xf32>
    %sqrt3A_1700 = math.sqrt %add3A_1699 : vector<256x1xf32>
    %concatenate3A_1701 = tpu.concatenate %sub3A_1692, %sqrt3A_1700, %get3A_3, %dot_general3A_1691 in 1 : vector<256x3xf32>, vector<256x1xf32>, vector<256x3xf32>, vector<256x3xf32> -> vector<256x10xf32>
    %reduce_min3A_1702 = arith.constant dense<0x7F800000> : vector<256xf32>
    %reduce_min3A_1703 = vector.multi_reduction <minimumf>, %select_n3A_1689, %reduce_min3A_1702 [1] : vector<256x256xf32> to vector<256xf32>
    %broadcast_in_dim3A_1704 = vector.shape_cast %reduce_min3A_1703 : vector<256xf32> to vector<256x1xf32>
    %eq3A_1705 = vector.broadcast %broadcast_in_dim3A_1704 : vector<256x1xf32> to vector<256x256xf32>
    %eq3A_1706 = arith.cmpf oeq, %select_n3A_1689, %eq3A_1705 : vector<256x256xf32>
    %jit3A_1707 = arith.constant 256 : i32
    %broadcast_in_dim3A_1708 = vector.broadcast %jit3A_1707 : i32 to vector<256x256xi32>
    %select_n3A_1709 = arith.select %eq3A_1706, %iota3A_1371, %broadcast_in_dim3A_1708 : vector<256x256xi1>, vector<256x256xi32>
    %reduce_min3A_1710 = arith.constant dense<2147483647> : vector<256xi32>
    %reduce_min3A_1711 = vector.multi_reduction <minsi>, %select_n3A_1709, %reduce_min3A_1710 [1] : vector<256x256xi32> to vector<256xi32>
    %broadcast_in_dim3A_1712 = vector.shape_cast %reduce_min3A_1711 : vector<256xi32> to vector<256x1xi32>
    %eq3A_1713 = vector.broadcast %broadcast_in_dim3A_1712 : vector<256x1xi32> to vector<256x256xi32>
    %eq3A_1714 = arith.cmpi eq, %iota3A_1371, %eq3A_1713 : vector<256x256xi32>
    %convert_element_type3A_1715 = arith.extui %eq3A_1714 : vector<256x256xi1> to vector<256x256xi32>
    %convert_element_type3A_1716 = arith.sitofp %convert_element_type3A_1715 : vector<256x256xi32> to vector<256x256xf32>
    %jit3A_1717 = arith.constant 0x7F800000 : f32
    %broadcast_in_dim3A_1718 = vector.broadcast %jit3A_1717 : f32 to vector<256x256xf32>
    %select_n3A_1719 = arith.select %eq3A_1714, %broadcast_in_dim3A_1718, %select_n3A_1689 : vector<256x256xi1>, vector<256x256xf32>
    %dot_general3A_1720 = arith.constant dense<0.000000e+00> : vector<256x3xf32>
    %dot_general3A_1721 = tpu.matmul %convert_element_type3A_1716, %get3A_1353, %dot_general3A_1720 {dimension_numbers = #tpu.dot_dimension_numbers<[1], [0], [0], [1], [0, 0, 1, 1], [], []>, transpose_lhs_hint = false} : vector<256x256xf32>, vector<256x3xf32>, vector<256x3xf32> -> vector<256x3xf32>
    %sub3A_1722 = arith.subf %dot_general3A_1721, %get3A_3 : vector<256x3xf32>
    %mul3A_1723 = arith.mulf %sub3A_1722, %sub3A_1722 : vector<256x3xf32>
    %reduce_sum3A_1724 = arith.constant dense<0.000000e+00> : vector<256xf32>
    %reduce_sum3A_1725 = vector.multi_reduction <add>, %mul3A_1723, %reduce_sum3A_1724 [1] : vector<256x3xf32> to vector<256xf32>
    %broadcast_in_dim3A_1726 = vector.shape_cast %reduce_sum3A_1725 : vector<256xf32> to vector<256x1xf32>
    %add3A_1727 = arith.constant 9.99999996E-13 : f32
    %add3A_1728 = vector.broadcast %add3A_1727 : f32 to vector<256x1xf32>
    %add3A_1729 = arith.addf %broadcast_in_dim3A_1726, %add3A_1728 : vector<256x1xf32>
    %sqrt3A_1730 = math.sqrt %add3A_1729 : vector<256x1xf32>
    %concatenate3A_1731 = tpu.concatenate %sub3A_1722, %sqrt3A_1730, %get3A_3, %dot_general3A_1721 in 1 : vector<256x3xf32>, vector<256x1xf32>, vector<256x3xf32>, vector<256x3xf32> -> vector<256x10xf32>
    %reduce_min3A_1732 = arith.constant dense<0x7F800000> : vector<256xf32>
    %reduce_min3A_1733 = vector.multi_reduction <minimumf>, %select_n3A_1719, %reduce_min3A_1732 [1] : vector<256x256xf32> to vector<256xf32>
    %broadcast_in_dim3A_1734 = vector.shape_cast %reduce_min3A_1733 : vector<256xf32> to vector<256x1xf32>
    %eq3A_1735 = vector.broadcast %broadcast_in_dim3A_1734 : vector<256x1xf32> to vector<256x256xf32>
    %eq3A_1736 = arith.cmpf oeq, %select_n3A_1719, %eq3A_1735 : vector<256x256xf32>
    %jit3A_1737 = arith.constant 256 : i32
    %broadcast_in_dim3A_1738 = vector.broadcast %jit3A_1737 : i32 to vector<256x256xi32>
    %select_n3A_1739 = arith.select %eq3A_1736, %iota3A_1371, %broadcast_in_dim3A_1738 : vector<256x256xi1>, vector<256x256xi32>
    %reduce_min3A_1740 = arith.constant dense<2147483647> : vector<256xi32>
    %reduce_min3A_1741 = vector.multi_reduction <minsi>, %select_n3A_1739, %reduce_min3A_1740 [1] : vector<256x256xi32> to vector<256xi32>
    %broadcast_in_dim3A_1742 = vector.shape_cast %reduce_min3A_1741 : vector<256xi32> to vector<256x1xi32>
    %eq3A_1743 = vector.broadcast %broadcast_in_dim3A_1742 : vector<256x1xi32> to vector<256x256xi32>
    %eq3A_1744 = arith.cmpi eq, %iota3A_1371, %eq3A_1743 : vector<256x256xi32>
    %convert_element_type3A_1745 = arith.extui %eq3A_1744 : vector<256x256xi1> to vector<256x256xi32>
    %convert_element_type3A_1746 = arith.sitofp %convert_element_type3A_1745 : vector<256x256xi32> to vector<256x256xf32>
    %jit3A_1747 = arith.constant 0x7F800000 : f32
    %broadcast_in_dim3A_1748 = vector.broadcast %jit3A_1747 : f32 to vector<256x256xf32>
    %select_n3A_1749 = arith.select %eq3A_1744, %broadcast_in_dim3A_1748, %select_n3A_1719 : vector<256x256xi1>, vector<256x256xf32>
    %dot_general3A_1750 = arith.constant dense<0.000000e+00> : vector<256x3xf32>
    %dot_general3A_1751 = tpu.matmul %convert_element_type3A_1746, %get3A_1353, %dot_general3A_1750 {dimension_numbers = #tpu.dot_dimension_numbers<[1], [0], [0], [1], [0, 0, 1, 1], [], []>, transpose_lhs_hint = false} : vector<256x256xf32>, vector<256x3xf32>, vector<256x3xf32> -> vector<256x3xf32>
    %sub3A_1752 = arith.subf %dot_general3A_1751, %get3A_3 : vector<256x3xf32>
    %mul3A_1753 = arith.mulf %sub3A_1752, %sub3A_1752 : vector<256x3xf32>
    %reduce_sum3A_1754 = arith.constant dense<0.000000e+00> : vector<256xf32>
    %reduce_sum3A_1755 = vector.multi_reduction <add>, %mul3A_1753, %reduce_sum3A_1754 [1] : vector<256x3xf32> to vector<256xf32>
    %broadcast_in_dim3A_1756 = vector.shape_cast %reduce_sum3A_1755 : vector<256xf32> to vector<256x1xf32>
    %add3A_1757 = arith.constant 9.99999996E-13 : f32
    %add3A_1758 = vector.broadcast %add3A_1757 : f32 to vector<256x1xf32>
    %add3A_1759 = arith.addf %broadcast_in_dim3A_1756, %add3A_1758 : vector<256x1xf32>
    %sqrt3A_1760 = math.sqrt %add3A_1759 : vector<256x1xf32>
    %concatenate3A_1761 = tpu.concatenate %sub3A_1752, %sqrt3A_1760, %get3A_3, %dot_general3A_1751 in 1 : vector<256x3xf32>, vector<256x1xf32>, vector<256x3xf32>, vector<256x3xf32> -> vector<256x10xf32>
    %reduce_min3A_1762 = arith.constant dense<0x7F800000> : vector<256xf32>
    %reduce_min3A_1763 = vector.multi_reduction <minimumf>, %select_n3A_1749, %reduce_min3A_1762 [1] : vector<256x256xf32> to vector<256xf32>
    %broadcast_in_dim3A_1764 = vector.shape_cast %reduce_min3A_1763 : vector<256xf32> to vector<256x1xf32>
    %eq3A_1765 = vector.broadcast %broadcast_in_dim3A_1764 : vector<256x1xf32> to vector<256x256xf32>
    %eq3A_1766 = arith.cmpf oeq, %select_n3A_1749, %eq3A_1765 : vector<256x256xf32>
    %jit3A_1767 = arith.constant 256 : i32
    %broadcast_in_dim3A_1768 = vector.broadcast %jit3A_1767 : i32 to vector<256x256xi32>
    %select_n3A_1769 = arith.select %eq3A_1766, %iota3A_1371, %broadcast_in_dim3A_1768 : vector<256x256xi1>, vector<256x256xi32>
    %reduce_min3A_1770 = arith.constant dense<2147483647> : vector<256xi32>
    %reduce_min3A_1771 = vector.multi_reduction <minsi>, %select_n3A_1769, %reduce_min3A_1770 [1] : vector<256x256xi32> to vector<256xi32>
    %broadcast_in_dim3A_1772 = vector.shape_cast %reduce_min3A_1771 : vector<256xi32> to vector<256x1xi32>
    %eq3A_1773 = vector.broadcast %broadcast_in_dim3A_1772 : vector<256x1xi32> to vector<256x256xi32>
    %eq3A_1774 = arith.cmpi eq, %iota3A_1371, %eq3A_1773 : vector<256x256xi32>
    %convert_element_type3A_1775 = arith.extui %eq3A_1774 : vector<256x256xi1> to vector<256x256xi32>
    %convert_element_type3A_1776 = arith.sitofp %convert_element_type3A_1775 : vector<256x256xi32> to vector<256x256xf32>
    %jit3A_1777 = arith.constant 0x7F800000 : f32
    %broadcast_in_dim3A_1778 = vector.broadcast %jit3A_1777 : f32 to vector<256x256xf32>
    %select_n3A_1779 = arith.select %eq3A_1774, %broadcast_in_dim3A_1778, %select_n3A_1749 : vector<256x256xi1>, vector<256x256xf32>
    %dot_general3A_1780 = arith.constant dense<0.000000e+00> : vector<256x3xf32>
    %dot_general3A_1781 = tpu.matmul %convert_element_type3A_1776, %get3A_1353, %dot_general3A_1780 {dimension_numbers = #tpu.dot_dimension_numbers<[1], [0], [0], [1], [0, 0, 1, 1], [], []>, transpose_lhs_hint = false} : vector<256x256xf32>, vector<256x3xf32>, vector<256x3xf32> -> vector<256x3xf32>
    %sub3A_1782 = arith.subf %dot_general3A_1781, %get3A_3 : vector<256x3xf32>
    %mul3A_1783 = arith.mulf %sub3A_1782, %sub3A_1782 : vector<256x3xf32>
    %reduce_sum3A_1784 = arith.constant dense<0.000000e+00> : vector<256xf32>
    %reduce_sum3A_1785 = vector.multi_reduction <add>, %mul3A_1783, %reduce_sum3A_1784 [1] : vector<256x3xf32> to vector<256xf32>
    %broadcast_in_dim3A_1786 = vector.shape_cast %reduce_sum3A_1785 : vector<256xf32> to vector<256x1xf32>
    %add3A_1787 = arith.constant 9.99999996E-13 : f32
    %add3A_1788 = vector.broadcast %add3A_1787 : f32 to vector<256x1xf32>
    %add3A_1789 = arith.addf %broadcast_in_dim3A_1786, %add3A_1788 : vector<256x1xf32>
    %sqrt3A_1790 = math.sqrt %add3A_1789 : vector<256x1xf32>
    %concatenate3A_1791 = tpu.concatenate %sub3A_1782, %sqrt3A_1790, %get3A_3, %dot_general3A_1781 in 1 : vector<256x3xf32>, vector<256x1xf32>, vector<256x3xf32>, vector<256x3xf32> -> vector<256x10xf32>
    %reduce_min3A_1792 = arith.constant dense<0x7F800000> : vector<256xf32>
    %reduce_min3A_1793 = vector.multi_reduction <minimumf>, %select_n3A_1779, %reduce_min3A_1792 [1] : vector<256x256xf32> to vector<256xf32>
    %broadcast_in_dim3A_1794 = vector.shape_cast %reduce_min3A_1793 : vector<256xf32> to vector<256x1xf32>
    %eq3A_1795 = vector.broadcast %broadcast_in_dim3A_1794 : vector<256x1xf32> to vector<256x256xf32>
    %eq3A_1796 = arith.cmpf oeq, %select_n3A_1779, %eq3A_1795 : vector<256x256xf32>
    %jit3A_1797 = arith.constant 256 : i32
    %broadcast_in_dim3A_1798 = vector.broadcast %jit3A_1797 : i32 to vector<256x256xi32>
    %select_n3A_1799 = arith.select %eq3A_1796, %iota3A_1371, %broadcast_in_dim3A_1798 : vector<256x256xi1>, vector<256x256xi32>
    %reduce_min3A_1800 = arith.constant dense<2147483647> : vector<256xi32>
    %reduce_min3A_1801 = vector.multi_reduction <minsi>, %select_n3A_1799, %reduce_min3A_1800 [1] : vector<256x256xi32> to vector<256xi32>
    %broadcast_in_dim3A_1802 = vector.shape_cast %reduce_min3A_1801 : vector<256xi32> to vector<256x1xi32>
    %eq3A_1803 = vector.broadcast %broadcast_in_dim3A_1802 : vector<256x1xi32> to vector<256x256xi32>
    %eq3A_1804 = arith.cmpi eq, %iota3A_1371, %eq3A_1803 : vector<256x256xi32>
    %convert_element_type3A_1805 = arith.extui %eq3A_1804 : vector<256x256xi1> to vector<256x256xi32>
    %convert_element_type3A_1806 = arith.sitofp %convert_element_type3A_1805 : vector<256x256xi32> to vector<256x256xf32>
    %jit3A_1807 = arith.constant 0x7F800000 : f32
    %broadcast_in_dim3A_1808 = vector.broadcast %jit3A_1807 : f32 to vector<256x256xf32>
    %select_n3A_1809 = arith.select %eq3A_1804, %broadcast_in_dim3A_1808, %select_n3A_1779 : vector<256x256xi1>, vector<256x256xf32>
    %dot_general3A_1810 = arith.constant dense<0.000000e+00> : vector<256x3xf32>
    %dot_general3A_1811 = tpu.matmul %convert_element_type3A_1806, %get3A_1353, %dot_general3A_1810 {dimension_numbers = #tpu.dot_dimension_numbers<[1], [0], [0], [1], [0, 0, 1, 1], [], []>, transpose_lhs_hint = false} : vector<256x256xf32>, vector<256x3xf32>, vector<256x3xf32> -> vector<256x3xf32>
    %sub3A_1812 = arith.subf %dot_general3A_1811, %get3A_3 : vector<256x3xf32>
    %mul3A_1813 = arith.mulf %sub3A_1812, %sub3A_1812 : vector<256x3xf32>
    %reduce_sum3A_1814 = arith.constant dense<0.000000e+00> : vector<256xf32>
    %reduce_sum3A_1815 = vector.multi_reduction <add>, %mul3A_1813, %reduce_sum3A_1814 [1] : vector<256x3xf32> to vector<256xf32>
    %broadcast_in_dim3A_1816 = vector.shape_cast %reduce_sum3A_1815 : vector<256xf32> to vector<256x1xf32>
    %add3A_1817 = arith.constant 9.99999996E-13 : f32
    %add3A_1818 = vector.broadcast %add3A_1817 : f32 to vector<256x1xf32>
    %add3A_1819 = arith.addf %broadcast_in_dim3A_1816, %add3A_1818 : vector<256x1xf32>
    %sqrt3A_1820 = math.sqrt %add3A_1819 : vector<256x1xf32>
    %concatenate3A_1821 = tpu.concatenate %sub3A_1812, %sqrt3A_1820, %get3A_3, %dot_general3A_1811 in 1 : vector<256x3xf32>, vector<256x1xf32>, vector<256x3xf32>, vector<256x3xf32> -> vector<256x10xf32>
    %reduce_min3A_1822 = arith.constant dense<0x7F800000> : vector<256xf32>
    %reduce_min3A_1823 = vector.multi_reduction <minimumf>, %select_n3A_1809, %reduce_min3A_1822 [1] : vector<256x256xf32> to vector<256xf32>
    %broadcast_in_dim3A_1824 = vector.shape_cast %reduce_min3A_1823 : vector<256xf32> to vector<256x1xf32>
    %eq3A_1825 = vector.broadcast %broadcast_in_dim3A_1824 : vector<256x1xf32> to vector<256x256xf32>
    %eq3A_1826 = arith.cmpf oeq, %select_n3A_1809, %eq3A_1825 : vector<256x256xf32>
    %jit3A_1827 = arith.constant 256 : i32
    %broadcast_in_dim3A_1828 = vector.broadcast %jit3A_1827 : i32 to vector<256x256xi32>
    %select_n3A_1829 = arith.select %eq3A_1826, %iota3A_1371, %broadcast_in_dim3A_1828 : vector<256x256xi1>, vector<256x256xi32>
    %reduce_min3A_1830 = arith.constant dense<2147483647> : vector<256xi32>
    %reduce_min3A_1831 = vector.multi_reduction <minsi>, %select_n3A_1829, %reduce_min3A_1830 [1] : vector<256x256xi32> to vector<256xi32>
    %broadcast_in_dim3A_1832 = vector.shape_cast %reduce_min3A_1831 : vector<256xi32> to vector<256x1xi32>
    %eq3A_1833 = vector.broadcast %broadcast_in_dim3A_1832 : vector<256x1xi32> to vector<256x256xi32>
    %eq3A_1834 = arith.cmpi eq, %iota3A_1371, %eq3A_1833 : vector<256x256xi32>
    %convert_element_type3A_1835 = arith.extui %eq3A_1834 : vector<256x256xi1> to vector<256x256xi32>
    %convert_element_type3A_1836 = arith.sitofp %convert_element_type3A_1835 : vector<256x256xi32> to vector<256x256xf32>
    %dot_general3A_1837 = arith.constant dense<0.000000e+00> : vector<256x3xf32>
    %dot_general3A_1838 = tpu.matmul %convert_element_type3A_1836, %get3A_1353, %dot_general3A_1837 {dimension_numbers = #tpu.dot_dimension_numbers<[1], [0], [0], [1], [0, 0, 1, 1], [], []>, transpose_lhs_hint = false} : vector<256x256xf32>, vector<256x3xf32>, vector<256x3xf32> -> vector<256x3xf32>
    %sub3A_1839 = arith.subf %dot_general3A_1838, %get3A_3 : vector<256x3xf32>
    %mul3A_1840 = arith.mulf %sub3A_1839, %sub3A_1839 : vector<256x3xf32>
    %reduce_sum3A_1841 = arith.constant dense<0.000000e+00> : vector<256xf32>
    %reduce_sum3A_1842 = vector.multi_reduction <add>, %mul3A_1840, %reduce_sum3A_1841 [1] : vector<256x3xf32> to vector<256xf32>
    %broadcast_in_dim3A_1843 = vector.shape_cast %reduce_sum3A_1842 : vector<256xf32> to vector<256x1xf32>
    %add3A_1844 = arith.constant 9.99999996E-13 : f32
    %add3A_1845 = vector.broadcast %add3A_1844 : f32 to vector<256x1xf32>
    %add3A_1846 = arith.addf %broadcast_in_dim3A_1843, %add3A_1845 : vector<256x1xf32>
    %sqrt3A_1847 = math.sqrt %add3A_1846 : vector<256x1xf32>
    %concatenate3A_1848 = tpu.concatenate %sub3A_1839, %sqrt3A_1847, %get3A_3, %dot_general3A_1838 in 1 : vector<256x3xf32>, vector<256x1xf32>, vector<256x3xf32>, vector<256x3xf32> -> vector<256x10xf32>
    %concatenate3A_1849 = tpu.concatenate %concatenate3A_1401, %concatenate3A_1431, %concatenate3A_1461, %concatenate3A_1491, %concatenate3A_1521, %concatenate3A_1551, %concatenate3A_1581, %concatenate3A_1611, %concatenate3A_1641, %concatenate3A_1671, %concatenate3A_1701, %concatenate3A_1731, %concatenate3A_1761, %concatenate3A_1791, %concatenate3A_1821, %concatenate3A_1848 in 0 : vector<256x10xf32>, vector<256x10xf32>, vector<256x10xf32>, vector<256x10xf32>, vector<256x10xf32>, vector<256x10xf32>, vector<256x10xf32>, vector<256x10xf32>, vector<256x10xf32>, vector<256x10xf32>, vector<256x10xf32>, vector<256x10xf32>, vector<256x10xf32>, vector<256x10xf32>, vector<256x10xf32>, vector<256x10xf32> -> vector<4096x10xf32>
    %get3A_1850 = arith.constant 0 : index
    %get3A_1851 = arith.constant 0 : index
    %get3A_1852 = vector.load %arg42[%get3A_1850, %get3A_1851] : memref<10x64xf32, #tpu.memory_space<vmem>>, vector<10x64xf32>
    %dot_general3A_1853 = arith.constant dense<0.000000e+00> : vector<4096x64xf32>
    %dot_general3A_1854 = tpu.matmul %concatenate3A_1849, %get3A_1852, %dot_general3A_1853 {dimension_numbers = #tpu.dot_dimension_numbers<[1], [0], [0], [1], [0, 0, 1, 1], [], []>, transpose_lhs_hint = false} : vector<4096x10xf32>, vector<10x64xf32>, vector<4096x64xf32> -> vector<4096x64xf32>
    %get3A_1855 = arith.constant 0 : index
    %get3A_1856 = arith.constant 0 : index
    %get3A_1857 = vector.load %arg43[%get3A_1855, %get3A_1856] : memref<1x64xf32, #tpu.memory_space<vmem>>, vector<1x64xf32>
    %add3A_1858 = vector.broadcast %get3A_1857 : vector<1x64xf32> to vector<4096x64xf32>
    %add3A_1859 = arith.addf %dot_general3A_1854, %add3A_1858 : vector<4096x64xf32>
    %mul3A_1860 = arith.constant 0.999994993 : f32
    %mul3A_1861 = vector.broadcast %mul3A_1860 : f32 to vector<4096x64xf32>
    %mul3A_1862 = arith.mulf %add3A_1859, %mul3A_1861 : vector<4096x64xf32>
    %max3A_1863 = arith.constant 0.000000e+00 : f32
    %max3A_1864 = vector.broadcast %max3A_1863 : f32 to vector<4096x64xf32>
    %max3A_1865 = arith.maximumf %mul3A_1862, %max3A_1864 : vector<4096x64xf32>
    %get3A_1866 = arith.constant 0 : index
    %get3A_1867 = arith.constant 0 : index
    %get3A_1868 = vector.load %arg44[%get3A_1866, %get3A_1867] : memref<64x128xf32, #tpu.memory_space<vmem>>, vector<64x128xf32>
    %dot_general3A_1869 = arith.constant dense<0.000000e+00> : vector<4096x128xf32>
    %dot_general3A_1870 = tpu.matmul %max3A_1865, %get3A_1868, %dot_general3A_1869 {dimension_numbers = #tpu.dot_dimension_numbers<[1], [0], [0], [1], [0, 0, 1, 1], [], []>, transpose_lhs_hint = false} : vector<4096x64xf32>, vector<64x128xf32>, vector<4096x128xf32> -> vector<4096x128xf32>
    %get3A_1871 = arith.constant 0 : index
    %get3A_1872 = arith.constant 0 : index
    %get3A_1873 = vector.load %arg45[%get3A_1871, %get3A_1872] : memref<1x128xf32, #tpu.memory_space<vmem>>, vector<1x128xf32>
    %add3A_1874 = vector.broadcast %get3A_1873 : vector<1x128xf32> to vector<4096x128xf32>
    %add3A_1875 = arith.addf %dot_general3A_1870, %add3A_1874 : vector<4096x128xf32>
    %mul3A_1876 = arith.constant 0.999994993 : f32
    %mul3A_1877 = vector.broadcast %mul3A_1876 : f32 to vector<4096x128xf32>
    %mul3A_1878 = arith.mulf %add3A_1875, %mul3A_1877 : vector<4096x128xf32>
    %max3A_1879 = arith.constant 0.000000e+00 : f32
    %max3A_1880 = vector.broadcast %max3A_1879 : f32 to vector<4096x128xf32>
    %max3A_1881 = arith.maximumf %mul3A_1878, %max3A_1880 : vector<4096x128xf32>
    %slice3A_1882 = vector.extract_strided_slice %max3A_1881 {offsets = [0, 0], sizes = [256, 128], strides = [1, 1]} : vector<4096x128xf32> to vector<256x128xf32>
    %slice3A_1883 = vector.extract_strided_slice %max3A_1881 {offsets = [256, 0], sizes = [256, 128], strides = [1, 1]} : vector<4096x128xf32> to vector<256x128xf32>
    %max3A_1884 = arith.maximumf %slice3A_1882, %slice3A_1883 : vector<256x128xf32>
    %slice3A_1885 = vector.extract_strided_slice %max3A_1881 {offsets = [512, 0], sizes = [256, 128], strides = [1, 1]} : vector<4096x128xf32> to vector<256x128xf32>
    %max3A_1886 = arith.maximumf %max3A_1884, %slice3A_1885 : vector<256x128xf32>
    %slice3A_1887 = vector.extract_strided_slice %max3A_1881 {offsets = [768, 0], sizes = [256, 128], strides = [1, 1]} : vector<4096x128xf32> to vector<256x128xf32>
    %max3A_1888 = arith.maximumf %max3A_1886, %slice3A_1887 : vector<256x128xf32>
    %slice3A_1889 = vector.extract_strided_slice %max3A_1881 {offsets = [1024, 0], sizes = [256, 128], strides = [1, 1]} : vector<4096x128xf32> to vector<256x128xf32>
    %max3A_1890 = arith.maximumf %max3A_1888, %slice3A_1889 : vector<256x128xf32>
    %slice3A_1891 = vector.extract_strided_slice %max3A_1881 {offsets = [1280, 0], sizes = [256, 128], strides = [1, 1]} : vector<4096x128xf32> to vector<256x128xf32>
    %max3A_1892 = arith.maximumf %max3A_1890, %slice3A_1891 : vector<256x128xf32>
    %slice3A_1893 = vector.extract_strided_slice %max3A_1881 {offsets = [1536, 0], sizes = [256, 128], strides = [1, 1]} : vector<4096x128xf32> to vector<256x128xf32>
    %max3A_1894 = arith.maximumf %max3A_1892, %slice3A_1893 : vector<256x128xf32>
    %slice3A_1895 = vector.extract_strided_slice %max3A_1881 {offsets = [1792, 0], sizes = [256, 128], strides = [1, 1]} : vector<4096x128xf32> to vector<256x128xf32>
    %max3A_1896 = arith.maximumf %max3A_1894, %slice3A_1895 : vector<256x128xf32>
    %slice3A_1897 = vector.extract_strided_slice %max3A_1881 {offsets = [2048, 0], sizes = [256, 128], strides = [1, 1]} : vector<4096x128xf32> to vector<256x128xf32>
    %max3A_1898 = arith.maximumf %max3A_1896, %slice3A_1897 : vector<256x128xf32>
    %slice3A_1899 = vector.extract_strided_slice %max3A_1881 {offsets = [2304, 0], sizes = [256, 128], strides = [1, 1]} : vector<4096x128xf32> to vector<256x128xf32>
    %max3A_1900 = arith.maximumf %max3A_1898, %slice3A_1899 : vector<256x128xf32>
    %slice3A_1901 = vector.extract_strided_slice %max3A_1881 {offsets = [2560, 0], sizes = [256, 128], strides = [1, 1]} : vector<4096x128xf32> to vector<256x128xf32>
    %max3A_1902 = arith.maximumf %max3A_1900, %slice3A_1901 : vector<256x128xf32>
    %slice3A_1903 = vector.extract_strided_slice %max3A_1881 {offsets = [2816, 0], sizes = [256, 128], strides = [1, 1]} : vector<4096x128xf32> to vector<256x128xf32>
    %max3A_1904 = arith.maximumf %max3A_1902, %slice3A_1903 : vector<256x128xf32>
    %slice3A_1905 = vector.extract_strided_slice %max3A_1881 {offsets = [3072, 0], sizes = [256, 128], strides = [1, 1]} : vector<4096x128xf32> to vector<256x128xf32>
    %max3A_1906 = arith.maximumf %max3A_1904, %slice3A_1905 : vector<256x128xf32>
    %slice3A_1907 = vector.extract_strided_slice %max3A_1881 {offsets = [3328, 0], sizes = [256, 128], strides = [1, 1]} : vector<4096x128xf32> to vector<256x128xf32>
    %max3A_1908 = arith.maximumf %max3A_1906, %slice3A_1907 : vector<256x128xf32>
    %slice3A_1909 = vector.extract_strided_slice %max3A_1881 {offsets = [3584, 0], sizes = [256, 128], strides = [1, 1]} : vector<4096x128xf32> to vector<256x128xf32>
    %max3A_1910 = arith.maximumf %max3A_1908, %slice3A_1909 : vector<256x128xf32>
    %slice3A_1911 = vector.extract_strided_slice %max3A_1881 {offsets = [3840, 0], sizes = [256, 128], strides = [1, 1]} : vector<4096x128xf32> to vector<256x128xf32>
    %max3A_1912 = arith.maximumf %max3A_1910, %slice3A_1911 : vector<256x128xf32>
    %concatenate3A_1913 = tpu.concatenate %max3A_1343, %max3A_1912 in 1 : vector<256x128xf32>, vector<256x128xf32> -> vector<256x256xf32>
    %get3A_1914 = arith.constant 0 : index
    %get3A_1915 = arith.constant 0 : index
    %get3A_1916 = vector.load %arg46[%get3A_1914, %get3A_1915] : memref<256x128xf32, #tpu.memory_space<vmem>>, vector<256x128xf32>
    %dot_general3A_1917 = arith.constant dense<0.000000e+00> : vector<256x128xf32>
    %dot_general3A_1918 = tpu.matmul %concatenate3A_1913, %get3A_1916, %dot_general3A_1917 {dimension_numbers = #tpu.dot_dimension_numbers<[1], [0], [0], [1], [0, 0, 1, 1], [], []>, transpose_lhs_hint = false} : vector<256x256xf32>, vector<256x128xf32>, vector<256x128xf32> -> vector<256x128xf32>
    %get3A_1919 = arith.constant 0 : index
    %get3A_1920 = arith.constant 0 : index
    %get3A_1921 = vector.load %arg47[%get3A_1919, %get3A_1920] : memref<1x128xf32, #tpu.memory_space<vmem>>, vector<1x128xf32>
    %add3A_1922 = vector.broadcast %get3A_1921 : vector<1x128xf32> to vector<256x128xf32>
    %add3A_1923 = arith.addf %dot_general3A_1918, %add3A_1922 : vector<256x128xf32>
    %mul3A_1924 = arith.constant 0.999994993 : f32
    %mul3A_1925 = vector.broadcast %mul3A_1924 : f32 to vector<256x128xf32>
    %mul3A_1926 = arith.mulf %add3A_1923, %mul3A_1925 : vector<256x128xf32>
    %max3A_1927 = arith.constant 0.000000e+00 : f32
    %max3A_1928 = vector.broadcast %max3A_1927 : f32 to vector<256x128xf32>
    %max3A_1929 = arith.maximumf %mul3A_1926, %max3A_1928 : vector<256x128xf32>
    %get3A_1930 = arith.constant 0 : index
    %get3A_1931 = arith.constant 0 : index
    %get3A_1932 = vector.load %arg48[%get3A_1930, %get3A_1931] : memref<128x128xf32, #tpu.memory_space<vmem>>, vector<128x128xf32>
    %dot_general3A_1933 = arith.constant dense<0.000000e+00> : vector<256x128xf32>
    %dot_general3A_1934 = tpu.matmul %max3A_1929, %get3A_1932, %dot_general3A_1933 {dimension_numbers = #tpu.dot_dimension_numbers<[1], [0], [0], [1], [0, 0, 1, 1], [], []>, transpose_lhs_hint = false} : vector<256x128xf32>, vector<128x128xf32>, vector<256x128xf32> -> vector<256x128xf32>
    %get3A_1935 = arith.constant 0 : index
    %get3A_1936 = arith.constant 0 : index
    %get3A_1937 = vector.load %arg49[%get3A_1935, %get3A_1936] : memref<1x128xf32, #tpu.memory_space<vmem>>, vector<1x128xf32>
    %add3A_1938 = vector.broadcast %get3A_1937 : vector<1x128xf32> to vector<256x128xf32>
    %add3A_1939 = arith.addf %dot_general3A_1934, %add3A_1938 : vector<256x128xf32>
    %mul3A_1940 = arith.constant 0.999994993 : f32
    %mul3A_1941 = vector.broadcast %mul3A_1940 : f32 to vector<256x128xf32>
    %mul3A_1942 = arith.mulf %add3A_1939, %mul3A_1941 : vector<256x128xf32>
    %max3A_1943 = arith.constant 0.000000e+00 : f32
    %max3A_1944 = vector.broadcast %max3A_1943 : f32 to vector<256x128xf32>
    %max3A_1945 = arith.maximumf %mul3A_1942, %max3A_1944 : vector<256x128xf32>
    %get3A_1946 = arith.constant 0 : index
    %get3A_1947 = arith.constant 0 : index
    %get3A_1948 = vector.load %arg50[%get3A_1946, %get3A_1947] : memref<128x128xf32, #tpu.memory_space<vmem>>, vector<128x128xf32>
    %dot_general3A_1949 = arith.constant dense<0.000000e+00> : vector<256x128xf32>
    %dot_general3A_1950 = tpu.matmul %max3A_1945, %get3A_1948, %dot_general3A_1949 {dimension_numbers = #tpu.dot_dimension_numbers<[1], [0], [0], [1], [0, 0, 1, 1], [], []>, transpose_lhs_hint = false} : vector<256x128xf32>, vector<128x128xf32>, vector<256x128xf32> -> vector<256x128xf32>
    %get3A_1951 = arith.constant 0 : index
    %get3A_1952 = arith.constant 0 : index
    %get3A_1953 = vector.load %arg51[%get3A_1951, %get3A_1952] : memref<1x128xf32, #tpu.memory_space<vmem>>, vector<1x128xf32>
    %add3A_1954 = vector.broadcast %get3A_1953 : vector<1x128xf32> to vector<256x128xf32>
    %add3A_1955 = arith.addf %dot_general3A_1950, %add3A_1954 : vector<256x128xf32>
    %logistic3A_1956 = arith.negf %add3A_1955 : vector<256x128xf32>
    %logistic3A_1957 = math.exp %logistic3A_1956 : vector<256x128xf32>
    %logistic3A_1958 = arith.constant 1.000000e+00 : f32
    %logistic3A_1959 = vector.broadcast %logistic3A_1958 : f32 to vector<256x128xf32>
    %logistic3A_1960 = arith.addf %logistic3A_1959, %logistic3A_1957 : vector<256x128xf32>
    %logistic3A_1961 = arith.divf %logistic3A_1959, %logistic3A_1960 : vector<256x128xf32>
    %mul3A_1962 = arith.mulf %max3A_1343, %logistic3A_1961 : vector<256x128xf32>
    %get3A_1963 = arith.constant 0 : index
    %get3A_1964 = arith.constant 0 : index
    %get3A_1965 = vector.load %arg52[%get3A_1963, %get3A_1964] : memref<128x128xf32, #tpu.memory_space<vmem>>, vector<128x128xf32>
    %dot_general3A_1966 = arith.constant dense<0.000000e+00> : vector<256x128xf32>
    %dot_general3A_1967 = tpu.matmul %mul3A_1962, %get3A_1965, %dot_general3A_1966 {dimension_numbers = #tpu.dot_dimension_numbers<[1], [0], [0], [1], [0, 0, 1, 1], [], []>, transpose_lhs_hint = false} : vector<256x128xf32>, vector<128x128xf32>, vector<256x128xf32> -> vector<256x128xf32>
    %get3A_1968 = arith.constant 0 : index
    %get3A_1969 = arith.constant 0 : index
    %get3A_1970 = vector.load %arg53[%get3A_1968, %get3A_1969] : memref<1x128xf32, #tpu.memory_space<vmem>>, vector<1x128xf32>
    %add3A_1971 = vector.broadcast %get3A_1970 : vector<1x128xf32> to vector<256x128xf32>
    %add3A_1972 = arith.addf %dot_general3A_1967, %add3A_1971 : vector<256x128xf32>
    %mul3A_1973 = arith.constant 0.999994993 : f32
    %mul3A_1974 = vector.broadcast %mul3A_1973 : f32 to vector<256x128xf32>
    %mul3A_1975 = arith.mulf %add3A_1972, %mul3A_1974 : vector<256x128xf32>
    %max3A_1976 = arith.constant 0.000000e+00 : f32
    %max3A_1977 = vector.broadcast %max3A_1976 : f32 to vector<256x128xf32>
    %max3A_1978 = arith.maximumf %mul3A_1975, %max3A_1977 : vector<256x128xf32>
    %get3A_1979 = arith.constant 0 : index
    %get3A_1980 = arith.constant 0 : index
    %get3A_1981 = vector.load %arg54[%get3A_1979, %get3A_1980] : memref<128x256xf32, #tpu.memory_space<vmem>>, vector<128x256xf32>
    %dot_general3A_1982 = arith.constant dense<0.000000e+00> : vector<256x256xf32>
    %dot_general3A_1983 = tpu.matmul %max3A_1978, %get3A_1981, %dot_general3A_1982 {dimension_numbers = #tpu.dot_dimension_numbers<[1], [0], [0], [1], [0, 0, 1, 1], [], []>, transpose_lhs_hint = false} : vector<256x128xf32>, vector<128x256xf32>, vector<256x256xf32> -> vector<256x256xf32>
    %get3A_1984 = arith.constant 0 : index
    %get3A_1985 = arith.constant 0 : index
    %get3A_1986 = vector.load %arg55[%get3A_1984, %get3A_1985] : memref<1x256xf32, #tpu.memory_space<vmem>>, vector<1x256xf32>
    %add3A_1987 = vector.broadcast %get3A_1986 : vector<1x256xf32> to vector<256x256xf32>
    %add3A_1988 = arith.addf %dot_general3A_1983, %add3A_1987 : vector<256x256xf32>
    %mul3A_1989 = arith.constant 0.999994993 : f32
    %mul3A_1990 = vector.broadcast %mul3A_1989 : f32 to vector<256x256xf32>
    %mul3A_1991 = arith.mulf %add3A_1988, %mul3A_1990 : vector<256x256xf32>
    %max3A_1992 = arith.constant 0.000000e+00 : f32
    %max3A_1993 = vector.broadcast %max3A_1992 : f32 to vector<256x256xf32>
    %max3A_1994 = arith.maximumf %mul3A_1991, %max3A_1993 : vector<256x256xf32>
    %get3A_1995 = arith.constant 0 : index
    %get3A_1996 = arith.constant 0 : index
    %get3A_1997 = vector.load %arg56[%get3A_1995, %get3A_1996] : memref<128x256xf32, #tpu.memory_space<vmem>>, vector<128x256xf32>
    %dot_general3A_1998 = arith.constant dense<0.000000e+00> : vector<256x256xf32>
    %dot_general3A_1999 = tpu.matmul %max3A_1343, %get3A_1997, %dot_general3A_1998 {dimension_numbers = #tpu.dot_dimension_numbers<[1], [0], [0], [1], [0, 0, 1, 1], [], []>, transpose_lhs_hint = false} : vector<256x128xf32>, vector<128x256xf32>, vector<256x256xf32> -> vector<256x256xf32>
    %get3A_2000 = arith.constant 0 : index
    %get3A_2001 = arith.constant 0 : index
    %get3A_2002 = vector.load %arg57[%get3A_2000, %get3A_2001] : memref<1x256xf32, #tpu.memory_space<vmem>>, vector<1x256xf32>
    %add3A_2003 = vector.broadcast %get3A_2002 : vector<1x256xf32> to vector<256x256xf32>
    %add3A_2004 = arith.addf %dot_general3A_1999, %add3A_2003 : vector<256x256xf32>
    %mul3A_2005 = arith.constant 0.999994993 : f32
    %mul3A_2006 = vector.broadcast %mul3A_2005 : f32 to vector<256x256xf32>
    %mul3A_2007 = arith.mulf %add3A_2004, %mul3A_2006 : vector<256x256xf32>
    %add3A_2008 = arith.addf %max3A_1994, %mul3A_2007 : vector<256x256xf32>
    %max3A_2009 = arith.constant 0.000000e+00 : f32
    %max3A_2010 = vector.broadcast %max3A_2009 : f32 to vector<256x256xf32>
    %max3A_2011 = arith.maximumf %add3A_2008, %max3A_2010 : vector<256x256xf32>
    %transpose3A = tpu.transpose %max3A_2011, [1, 0] : vector<256x256xf32> -> vector<256x256xf32>
    %swap3A = arith.constant 0 : index
    %swap3A_2012 = arith.constant 0 : index
    %swap3A_2013 = arith.constant 0 : index
    %swap3A_2014 = vector.load %arg58[%swap3A, %swap3A_2012, %swap3A_2013] : memref<1x256x256xf32, #tpu.memory_space<vmem>>, vector<1x256x256xf32>
    %swap3A_2015 = vector.shape_cast %swap3A_2014 : vector<1x256x256xf32> to vector<256x256xf32>
    %swap3A_2016 = vector.shape_cast %transpose3A : vector<256x256xf32> to vector<1x256x256xf32>
    tpu.vector_store %arg58[%swap3A, %swap3A_2012, %swap3A_2013], %swap3A_2016 {strides = array<i32>} : memref<1x256x256xf32, #tpu.memory_space<vmem>>, vector<1x256x256xf32>,
    return
  }
  func.func @transform_0(%arg0: i32) -> (i32, i32, i32) {
    %c0_i32 = arith.constant 0 : i32
    %c0_i32_0 = arith.constant 0 : i32
    %c0_i32_1 = arith.constant 0 : i32
    return %arg0, %c0_i32, %c0_i32_0 : i32, i32, i32
  }
  func.func @transform_1(%arg0: i32) -> (i32, i32, i32) {
    %c0_i32 = arith.constant 0 : i32
    %c0_i32_0 = arith.constant 0 : i32
    %c0_i32_1 = arith.constant 0 : i32
    return %arg0, %c0_i32, %c0_i32_0 : i32, i32, i32
  }
  func.func @transform_2(%arg0: i32) -> (i32, i32, i32) {
    %c0_i32 = arith.constant 0 : i32
    %c0_i32_0 = arith.constant 0 : i32
    %c0_i32_1 = arith.constant 0 : i32
    return %arg0, %c0_i32, %c0_i32_0 : i32, i32, i32
  }
  func.func @transform_3(%arg0: i32) -> (i32, i32, i32) {
    %c0_i32 = arith.constant 0 : i32
    %c0_i32_0 = arith.constant 0 : i32
    %c0_i32_1 = arith.constant 0 : i32
    return %arg0, %c0_i32, %c0_i32_0 : i32, i32, i32
  }
  func.func @transform_4(%arg0: i32) -> (i32, i32, i32) {
    %c0_i32 = arith.constant 0 : i32
    %c0_i32_0 = arith.constant 0 : i32
    %c0_i32_1 = arith.constant 0 : i32
    return %arg0, %c0_i32, %c0_i32_0 : i32, i32, i32
  }
  func.func @transform_5(%arg0: i32) -> (i32, i32, i32) {
    %c0_i32 = arith.constant 0 : i32
    %c0_i32_0 = arith.constant 0 : i32
    %c0_i32_1 = arith.constant 0 : i32
    return %arg0, %c0_i32, %c0_i32_0 : i32, i32, i32
  }
  func.func @transform_6(%arg0: i32) -> (i32, i32, i32) {
    %c0_i32 = arith.constant 0 : i32
    %c0_i32_0 = arith.constant 0 : i32
    %c0_i32_1 = arith.constant 0 : i32
    return %arg0, %c0_i32, %c0_i32_0 : i32, i32, i32
  }
  func.func @transform_7(%arg0: i32) -> (i32, i32) {
    %c0_i32 = arith.constant 0 : i32
    %c0_i32_0 = arith.constant 0 : i32
    %c0_i32_1 = arith.constant 0 : i32
    return %c0_i32, %c0_i32_0 : i32, i32
  }
  func.func @transform_8(%arg0: i32) -> (i32, i32) {
    %c0_i32 = arith.constant 0 : i32
    %c0_i32_0 = arith.constant 0 : i32
    %c0_i32_1 = arith.constant 0 : i32
    return %c0_i32, %c0_i32_0 : i32, i32
  }
  func.func @transform_9(%arg0: i32) -> (i32, i32) {
    %c0_i32 = arith.constant 0 : i32
    %c0_i32_0 = arith.constant 0 : i32
    %c0_i32_1 = arith.constant 0 : i32
    return %c0_i32, %c0_i32_0 : i32, i32
  }
  func.func @transform_10(%arg0: i32) -> (i32, i32) {
    %c0_i32 = arith.constant 0 : i32
    %c0_i32_0 = arith.constant 0 : i32
    %c0_i32_1 = arith.constant 0 : i32
    return %c0_i32, %c0_i32_0 : i32, i32
  }
  func.func @transform_11(%arg0: i32) -> (i32, i32) {
    %c0_i32 = arith.constant 0 : i32
    %c0_i32_0 = arith.constant 0 : i32
    %c0_i32_1 = arith.constant 0 : i32
    return %c0_i32, %c0_i32_0 : i32, i32
  }
  func.func @transform_12(%arg0: i32) -> (i32, i32) {
    %c0_i32 = arith.constant 0 : i32
    %c0_i32_0 = arith.constant 0 : i32
    %c0_i32_1 = arith.constant 0 : i32
    return %c0_i32, %c0_i32_0 : i32, i32
  }
  func.func @transform_13(%arg0: i32) -> (i32, i32) {
    %c0_i32 = arith.constant 0 : i32
    %c0_i32_0 = arith.constant 0 : i32
    %c0_i32_1 = arith.constant 0 : i32
    return %c0_i32, %c0_i32_0 : i32, i32
  }
  func.func @transform_14(%arg0: i32) -> (i32, i32) {
    %c0_i32 = arith.constant 0 : i32
    %c0_i32_0 = arith.constant 0 : i32
    %c0_i32_1 = arith.constant 0 : i32
    return %c0_i32, %c0_i32_0 : i32, i32
  }
  func.func @transform_15(%arg0: i32) -> (i32, i32) {
    %c0_i32 = arith.constant 0 : i32
    %c0_i32_0 = arith.constant 0 : i32
    %c0_i32_1 = arith.constant 0 : i32
    return %c0_i32, %c0_i32_0 : i32, i32
  }
  func.func @transform_16(%arg0: i32) -> (i32, i32) {
    %c0_i32 = arith.constant 0 : i32
    %c0_i32_0 = arith.constant 0 : i32
    %c0_i32_1 = arith.constant 0 : i32
    return %c0_i32, %c0_i32_0 : i32, i32
  }
  func.func @transform_17(%arg0: i32) -> (i32, i32) {
    %c0_i32 = arith.constant 0 : i32
    %c0_i32_0 = arith.constant 0 : i32
    %c0_i32_1 = arith.constant 0 : i32
    return %c0_i32, %c0_i32_0 : i32, i32
  }
  func.func @transform_18(%arg0: i32) -> (i32, i32) {
    %c0_i32 = arith.constant 0 : i32
    %c0_i32_0 = arith.constant 0 : i32
    %c0_i32_1 = arith.constant 0 : i32
    return %c0_i32, %c0_i32_0 : i32, i32
  }
  func.func @transform_19(%arg0: i32) -> (i32, i32) {
    %c0_i32 = arith.constant 0 : i32
    %c0_i32_0 = arith.constant 0 : i32
    %c0_i32_1 = arith.constant 0 : i32
    return %c0_i32, %c0_i32_0 : i32, i32
  }
  func.func @transform_20(%arg0: i32) -> (i32, i32) {
    %c0_i32 = arith.constant 0 : i32
    %c0_i32_0 = arith.constant 0 : i32
    %c0_i32_1 = arith.constant 0 : i32
    return %c0_i32, %c0_i32_0 : i32, i32
  }
  func.func @transform_21(%arg0: i32) -> (i32, i32) {
    %c0_i32 = arith.constant 0 : i32
    %c0_i32_0 = arith.constant 0 : i32
    %c0_i32_1 = arith.constant 0 : i32
    return %c0_i32, %c0_i32_0 : i32, i32
  }
  func.func @transform_22(%arg0: i32) -> (i32, i32) {
    %c0_i32 = arith.constant 0 : i32
    %c0_i32_0 = arith.constant 0 : i32
    %c0_i32_1 = arith.constant 0 : i32
    return %c0_i32, %c0_i32_0 : i32, i32
  }
  func.func @transform_23(%arg0: i32) -> (i32, i32) {
    %c0_i32 = arith.constant 0 : i32
    %c0_i32_0 = arith.constant 0 : i32
    %c0_i32_1 = arith.constant 0 : i32
    return %c0_i32, %c0_i32_0 : i32, i32
  }
  func.func @transform_24(%arg0: i32) -> (i32, i32) {
    %c0_i32 = arith.constant 0 : i32
    %c0_i32_0 = arith.constant 0 : i32
    %c0_i32_1 = arith.constant 0 : i32
    return %c0_i32, %c0_i32_0 : i32, i32
  }
  func.func @transform_25(%arg0: i32) -> (i32, i32) {
    %c0_i32 = arith.constant 0 : i32
    %c0_i32_0 = arith.constant 0 : i32
    %c0_i32_1 = arith.constant 0 : i32
    return %c0_i32, %c0_i32_0 : i32, i32
  }
  func.func @transform_26(%arg0: i32) -> (i32, i32) {
    %c0_i32 = arith.constant 0 : i32
    %c0_i32_0 = arith.constant 0 : i32
    %c0_i32_1 = arith.constant 0 : i32
    return %c0_i32, %c0_i32_0 : i32, i32
  }
  func.func @transform_27(%arg0: i32) -> (i32, i32) {
    %c0_i32 = arith.constant 0 : i32
    %c0_i32_0 = arith.constant 0 : i32
    %c0_i32_1 = arith.constant 0 : i32
    return %c0_i32, %c0_i32_0 : i32, i32
  }
  func.func @transform_28(%arg0: i32) -> (i32, i32) {
    %c0_i32 = arith.constant 0 : i32
    %c0_i32_0 = arith.constant 0 : i32
    %c0_i32_1 = arith.constant 0 : i32
    return %c0_i32, %c0_i32_0 : i32, i32
  }
  func.func @transform_29(%arg0: i32) -> (i32, i32) {
    %c0_i32 = arith.constant 0 : i32
    %c0_i32_0 = arith.constant 0 : i32
    %c0_i32_1 = arith.constant 0 : i32
    return %c0_i32, %c0_i32_0 : i32, i32
  }
  func.func @transform_30(%arg0: i32) -> (i32, i32) {
    %c0_i32 = arith.constant 0 : i32
    %c0_i32_0 = arith.constant 0 : i32
    %c0_i32_1 = arith.constant 0 : i32
    return %c0_i32, %c0_i32_0 : i32, i32
  }
  func.func @transform_31(%arg0: i32) -> (i32, i32) {
    %c0_i32 = arith.constant 0 : i32
    %c0_i32_0 = arith.constant 0 : i32
    %c0_i32_1 = arith.constant 0 : i32
    return %c0_i32, %c0_i32_0 : i32, i32
  }
  func.func @transform_32(%arg0: i32) -> (i32, i32) {
    %c0_i32 = arith.constant 0 : i32
    %c0_i32_0 = arith.constant 0 : i32
    %c0_i32_1 = arith.constant 0 : i32
    return %c0_i32, %c0_i32_0 : i32, i32
  }
  func.func @transform_33(%arg0: i32) -> (i32, i32) {
    %c0_i32 = arith.constant 0 : i32
    %c0_i32_0 = arith.constant 0 : i32
    %c0_i32_1 = arith.constant 0 : i32
    return %c0_i32, %c0_i32_0 : i32, i32
  }
  func.func @transform_34(%arg0: i32) -> (i32, i32) {
    %c0_i32 = arith.constant 0 : i32
    %c0_i32_0 = arith.constant 0 : i32
    %c0_i32_1 = arith.constant 0 : i32
    return %c0_i32, %c0_i32_0 : i32, i32
  }
  func.func @transform_35(%arg0: i32) -> (i32, i32) {
    %c0_i32 = arith.constant 0 : i32
    %c0_i32_0 = arith.constant 0 : i32
    %c0_i32_1 = arith.constant 0 : i32
    return %c0_i32, %c0_i32_0 : i32, i32
  }
  func.func @transform_36(%arg0: i32) -> (i32, i32) {
    %c0_i32 = arith.constant 0 : i32
    %c0_i32_0 = arith.constant 0 : i32
    %c0_i32_1 = arith.constant 0 : i32
    return %c0_i32, %c0_i32_0 : i32, i32
  }
  func.func @transform_37(%arg0: i32) -> (i32, i32) {
    %c0_i32 = arith.constant 0 : i32
    %c0_i32_0 = arith.constant 0 : i32
    %c0_i32_1 = arith.constant 0 : i32
    return %c0_i32, %c0_i32_0 : i32, i32
  }
  func.func @transform_38(%arg0: i32) -> (i32, i32) {
    %c0_i32 = arith.constant 0 : i32
    %c0_i32_0 = arith.constant 0 : i32
    %c0_i32_1 = arith.constant 0 : i32
    return %c0_i32, %c0_i32_0 : i32, i32
  }
  func.func @transform_39(%arg0: i32) -> (i32, i32) {
    %c0_i32 = arith.constant 0 : i32
    %c0_i32_0 = arith.constant 0 : i32
    %c0_i32_1 = arith.constant 0 : i32
    return %c0_i32, %c0_i32_0 : i32, i32
  }
  func.func @transform_40(%arg0: i32) -> (i32, i32) {
    %c0_i32 = arith.constant 0 : i32
    %c0_i32_0 = arith.constant 0 : i32
    %c0_i32_1 = arith.constant 0 : i32
    return %c0_i32, %c0_i32_0 : i32, i32
  }
  func.func @transform_41(%arg0: i32) -> (i32, i32) {
    %c0_i32 = arith.constant 0 : i32
    %c0_i32_0 = arith.constant 0 : i32
    %c0_i32_1 = arith.constant 0 : i32
    return %c0_i32, %c0_i32_0 : i32, i32
  }
  func.func @transform_42(%arg0: i32) -> (i32, i32) {
    %c0_i32 = arith.constant 0 : i32
    %c0_i32_0 = arith.constant 0 : i32
    %c0_i32_1 = arith.constant 0 : i32
    return %c0_i32, %c0_i32_0 : i32, i32
  }
  func.func @transform_43(%arg0: i32) -> (i32, i32) {
    %c0_i32 = arith.constant 0 : i32
    %c0_i32_0 = arith.constant 0 : i32
    %c0_i32_1 = arith.constant 0 : i32
    return %c0_i32, %c0_i32_0 : i32, i32
  }
  func.func @transform_44(%arg0: i32) -> (i32, i32) {
    %c0_i32 = arith.constant 0 : i32
    %c0_i32_0 = arith.constant 0 : i32
    %c0_i32_1 = arith.constant 0 : i32
    return %c0_i32, %c0_i32_0 : i32, i32
  }
  func.func @transform_45(%arg0: i32) -> (i32, i32) {
    %c0_i32 = arith.constant 0 : i32
    %c0_i32_0 = arith.constant 0 : i32
    %c0_i32_1 = arith.constant 0 : i32
    return %c0_i32, %c0_i32_0 : i32, i32
  }
  func.func @transform_46(%arg0: i32) -> (i32, i32) {
    %c0_i32 = arith.constant 0 : i32
    %c0_i32_0 = arith.constant 0 : i32
    %c0_i32_1 = arith.constant 0 : i32
    return %c0_i32, %c0_i32_0 : i32, i32
  }
  func.func @transform_47(%arg0: i32) -> (i32, i32) {
    %c0_i32 = arith.constant 0 : i32
    %c0_i32_0 = arith.constant 0 : i32
    %c0_i32_1 = arith.constant 0 : i32
    return %c0_i32, %c0_i32_0 : i32, i32
  }
  func.func @transform_48(%arg0: i32) -> (i32, i32) {
    %c0_i32 = arith.constant 0 : i32
    %c0_i32_0 = arith.constant 0 : i32
    %c0_i32_1 = arith.constant 0 : i32
    return %c0_i32, %c0_i32_0 : i32, i32
  }
  func.func @transform_49(%arg0: i32) -> (i32, i32) {
    %c0_i32 = arith.constant 0 : i32
    %c0_i32_0 = arith.constant 0 : i32
    %c0_i32_1 = arith.constant 0 : i32
    return %c0_i32, %c0_i32_0 : i32, i32
  }
  func.func @transform_50(%arg0: i32) -> (i32, i32) {
    %c0_i32 = arith.constant 0 : i32
    %c0_i32_0 = arith.constant 0 : i32
    %c0_i32_1 = arith.constant 0 : i32
    return %c0_i32, %c0_i32_0 : i32, i32
  }
  func.func @transform_51(%arg0: i32) -> (i32, i32) {
    %c0_i32 = arith.constant 0 : i32
    %c0_i32_0 = arith.constant 0 : i32
    %c0_i32_1 = arith.constant 0 : i32
    return %c0_i32, %c0_i32_0 : i32, i32
  }
  func.func @transform_52(%arg0: i32) -> (i32, i32) {
    %c0_i32 = arith.constant 0 : i32
    %c0_i32_0 = arith.constant 0 : i32
    %c0_i32_1 = arith.constant 0 : i32
    return %c0_i32, %c0_i32_0 : i32, i32
  }
  func.func @transform_53(%arg0: i32) -> (i32, i32) {
    %c0_i32 = arith.constant 0 : i32
    %c0_i32_0 = arith.constant 0 : i32
    %c0_i32_1 = arith.constant 0 : i32
    return %c0_i32, %c0_i32_0 : i32, i32
  }
  func.func @transform_54(%arg0: i32) -> (i32, i32) {
    %c0_i32 = arith.constant 0 : i32
    %c0_i32_0 = arith.constant 0 : i32
    %c0_i32_1 = arith.constant 0 : i32
    return %c0_i32, %c0_i32_0 : i32, i32
  }
  func.func @transform_55(%arg0: i32) -> (i32, i32) {
    %c0_i32 = arith.constant 0 : i32
    %c0_i32_0 = arith.constant 0 : i32
    %c0_i32_1 = arith.constant 0 : i32
    return %c0_i32, %c0_i32_0 : i32, i32
  }
  func.func @transform_56(%arg0: i32) -> (i32, i32) {
    %c0_i32 = arith.constant 0 : i32
    %c0_i32_0 = arith.constant 0 : i32
    %c0_i32_1 = arith.constant 0 : i32
    return %c0_i32, %c0_i32_0 : i32, i32
  }
  func.func @transform_57(%arg0: i32) -> (i32, i32, i32) {
    %c0_i32 = arith.constant 0 : i32
    %c0_i32_0 = arith.constant 0 : i32
    %c0_i32_1 = arith.constant 0 : i32
    return %arg0, %c0_i32, %c0_i32_0 : i32, i32, i32
  }
}

</mosaic_0001>

<sc_bundles>
// kernel: gather_offload_async_start
scs
__scs_entry_jumppad:
0x0: {  	(pc) =	sbr.rel $0x88, $3  }
0x1: {  	(tag) =	ssettag $0x0;
	lr =	simm.s32 $0x1  }
0x2: {  	[smem:$0x3F6D] =	sst lr;
	_ =	strace $0xD0000000  }
0x3: {  	_ = 	snop  }
0x4: {  	_ = 	snop  }
0x5: {  	_ = 	snop  }
0x6: {  	_ = 	snop  }
0x7: {  	_ = 	snop  }
__scs_overlays_trampoline_lowered:
0x8: {  	[smem:$0x3F7C] =	sst s0  }
0x9: {  	[smem:$0x3F7D] =	sst s1  }
0xa: {  	[smem:$0x3F7E] =	sst s2  }
0xb: {  	[smem:$0x3F7F] =	sst s3  }
0xc: {  	[smem:$0x3F80] =	sst s4  }
0xd: {  	[smem:$0x3F81] =	sst s5  }
0xe: {  	[smem:$0x3F82] =	sst s6  }
0xf: {  	[smem:$0x3F83] =	sst s7  }
0x10: {  	[smem:$0x3F84] =	sst s8  }
0x11: {  	[smem:$0x3F85] =	sst s9;
	s0 =	simm.s32 @!p0 $0x0  }
0x12: {  	s1 =	sld [smem:$0x3F6B];
	s0 =	simm.s32 @p0 $0x1  }
0x13: {  	[smem:$0x3F86] =	sst s0;
	s0 =	simm.s32 @!p1 $0x0  }
0x14: {  	s2 =	sld [smem:$0x3F6A];
	s0 =	simm.s32 @p1 $0x1  }
0x15: {  	[smem:$0x3F87] =	sst s0;
	s0 =	simm.s32 @!p2 $0x0  }
0x16: {  	s3 =	sld [smem:$0x3FDB];
	s0 =	simm.s32 @p2 $0x1  }
0x17: {  	s4 =	simm.s32 $0x1BF5;
	[smem:$0x3F89] =	sst s0  }
0x18: {  	s0 =	sld [smem:$0x3F6C];
	_ =	swait.ge [sflag:s4], $0x0  }
0x19: {  	s7 =	sld [smem:$0x3F6D]  }
0x1a: {  	s8 =	sadd.s32 $0xFFFFE003, lr  }
0x1b: {  	s9 =	sadd.s32 $0xFFFFFEF7, lr;
	s5 =	simm.s32 $0xFFFFFFFF;
	p2 =	slt.u32 s8, $0xFFFFF086  }
0x1c: {  	p1 =	slt.u32 s9, $0xF7A;
	s5 =	simm.s32 @!p2 $0x0  }
0x1d: {  	s5 =	simm.s32 @p1 $0x1;
	p0 =	seq.s32 s7, s2  }
0x1e: {  	s7 =	smul.u32 @!p0 $0xF7A, s2;
	p2 =	seq.s32 @!p0 s5, $0x0  }
0x1f: {  	s9 =	smul.u32 $0xF7A, s1;
	s8 =	simm.s32 @!p0 $0x1BF5;
	p2 =	por !p2, p0  }
0x20: {  	[sflag:s8] =	ssyncset.s32 @!p0 $0xFFFFF086;
	s6 =	sadd.s32 @!p0 s3, s7;
	s7 =	simm.s32 @!p0 $0x108  }
0x21: {  	s3 =	sadd.s32 s3, s9;
	s6 =	sadd.s32 @!p0 $0x88, s6;
	s7 =	simm.s32 @p2 $0x1082  }
0x22: {  	[simem:s7], [sflag:s8] =	dma.local @!p0 [hbm:s6], $0xF7A  }
0x23: {  	s9 =	sor.u32 $0xD0000000, s2;
	s6 =	simm.s32 $0x108;
	_ =	swait.ge @!p0 [sflag:s8], $0x0  }
0x24: {  	s3 =	sadd.s32 $0x88, s3;
	s6 =	simm.s32 @!p1 $0x1082;
	[sflag:s4] =	ssyncset.s32 $0xFFFFF086  }
0x25: {  	[simem:s6], [sflag:s4] =	dma.local [hbm:s3], $0xF7A  }
0x26: {  	[smem:$0x3F6D] =	sst s1;
	(tag) =	ssettag s2;
	_ =	strace s9  }
0x27: {  	s1 =	sld [smem:$0x3F7D]  }
0x28: {  	s2 =	sld [smem:$0x3F7E]  }
0x29: {  	s4 =	sld [smem:$0x3F80]  }
0x2a: {  	p0 =	seq.s32 s5, $0x0;
	s5 =	sld [smem:$0x3F81]  }
0x2b: {  	s6 =	sld [smem:$0x3F82]  }
0x2c: {  	s7 =	sld [smem:$0x3F83]  }
0x2d: {  	s3 =	simm.s32 $0x108;
	s8 =	sld [smem:$0x3F84]  }
0x2e: {  	s3 =	simm.s32 @!p0 $0x1082;
	s9 =	sld [smem:$0x3F85]  }
0x2f: {  	lr =	sadd.s32 s0, s3;
	s0 =	sld [smem:$0x3F7C]  }
0x30: {  	s3 =	sld [smem:$0x3F7F]  }
0x31: {  	[smem:$0x3F88] =	sst s10  }
0x32: {  	s10 =	sld [smem:$0x3F86];
	_ =	sdelay $0x3  }
0x33: {  	p0 =	seq.s32 s10, $0x1;
	s10 =	sld [smem:$0x3F88];
	_ =	sdelay $0x3  }
0x34: {  	[smem:$0x3F88] =	sst s10  }
0x35: {  	s10 =	sld [smem:$0x3F87];
	_ =	sdelay $0x3  }
0x36: {  	p1 =	seq.s32 s10, $0x1;
	s10 =	sld [smem:$0x3F88];
	_ =	sdelay $0x3  }
0x37: {  	[smem:$0x3F88] =	sst s10  }
0x38: {  	s10 =	sld [smem:$0x3F89]  }
0x39: {  	_ = 	snop;
	(pc) =	sbr.ind lr, $3  }
0x3a: {  	_ = 	snop  }
0x3b: {  	_ = 	snop  }
0x3c: {  	p2 =	seq.s32 s10, $0x1;
	s10 =	sld [smem:$0x3F88]  }
0x3d: {  	_ =	shalt  }
0x3e: {  	_ =	shalt  }
0x3f: {  	_ =	shalt  }
0x40: {  	_ =	shalt  }
0x41: {  	_ =	shalt  }
0x42: {  	_ =	shalt  }
0x43: {  	_ =	shalt  }
0x44: {  	_ =	shalt  }
0x45: {  	_ =	shalt  }
0x46: {  	_ =	shalt  }
0x47: {  	_ =	shalt  }
0x48: {  	_ =	shalt  }
0x49: {  	_ =	shalt  }
0x4a: {  	_ =	shalt  }
0x4b: {  	_ =	shalt  }
0x4c: {  	_ =	shalt  }
0x4d: {  	_ =	shalt  }
0x4e: {  	_ =	shalt  }
0x4f: {  	_ =	shalt  }
0x50: {  	_ =	shalt  }
0x51: {  	_ =	shalt  }
0x52: {  	_ =	shalt  }
0x53: {  	_ =	shalt  }
0x54: {  	_ =	shalt  }
0x55: {  	_ =	shalt  }
0x56: {  	_ =	shalt  }
0x57: {  	_ =	shalt  }
0x58: {  	_ =	shalt  }
0x59: {  	_ =	shalt  }
0x5a: {  	_ =	shalt  }
0x5b: {  	_ =	shalt  }
0x5c: {  	_ =	shalt  }
0x5d: {  	_ =	shalt  }
0x5e: {  	_ =	shalt  }
0x5f: {  	_ =	shalt  }
0x60: {  	_ =	shalt  }
0x61: {  	_ =	shalt  }
0x62: {  	_ =	shalt  }
0x63: {  	_ =	shalt  }
0x64: {  	_ =	shalt  }
0x65: {  	_ =	shalt  }
0x66: {  	_ =	shalt  }
0x67: {  	_ =	shalt  }
0x68: {  	_ =	shalt  }
0x69: {  	_ =	shalt  }
0x6a: {  	_ =	shalt  }
0x6b: {  	_ =	shalt  }
0x6c: {  	_ =	shalt  }
0x6d: {  	_ =	shalt  }
0x6e: {  	_ =	shalt  }
0x6f: {  	_ =	shalt  }
0x70: {  	_ =	shalt  }
0x71: {  	_ =	shalt  }
0x72: {  	_ =	shalt  }
0x73: {  	_ =	shalt  }
0x74: {  	_ =	shalt  }
0x75: {  	_ =	shalt  }
0x76: {  	_ =	shalt  }
0x77: {  	_ =	shalt  }
0x78: {  	_ =	shalt  }
0x79: {  	_ =	shalt  }
0x7a: {  	_ =	shalt  }
0x7b: {  	_ =	shalt  }
0x7c: {  	_ =	shalt  }
0x7d: {  	_ =	shalt  }
0x7e: {  	_ =	shalt  }
0x7f: {  	_ =	shalt  }
0x80: {  	_ =	shalt  }
0x81: {  	_ =	shalt  }
0x82: {  	_ =	shalt  }
0x83: {  	_ =	shalt  }
0x84: {  	_ =	shalt  }
0x85: {  	_ =	shalt  }
0x86: {  	_ =	shalt  }
0x87: {  	_ =	shalt  }
.Lfunc_end0:
.L_simem_size_0:
called_computation_lowered:
.L_overlay_start_0:
0x88: {  	s2 =	sld [smem:$0x3FD9]  }
0x89: {  	s3 =	sld [smem:$0x3FFE];
	_ =	sdelay $0x1  }
0x8a: {  	s1 =	srdreg.scid  }
0x8b: {  	s0 =	sand.u32 $0x1, s1  }
0x8c: {  	s17 =	sshll.u32 s0, $0xA;
	s2 =	sadd.s32 s3, s2  }
0x8d: {  	s2 =	sadd.s32 s2, s17  }
0x8e: {  	[smem:$0x3F94] =	sst s2  }
0x8f: {  	_ = 	snop  }
0x90: {  	s2 =	sld [smem:$0x3FD0];
	(tm) =	ssettm $0x1  }
0x91: {  	s18 =	sld [smem:$0x3FFB];
	_ =	sdelay $0x3  }
0x92: {  	_ =	strace s18  }
0x93: {  	s3 =	sld [smem:$0x3FFC];
	_ =	sdelay $0x3  }
0x94: {  	_ =	strace s3  }
0x95: {  	s3 =	sld [smem:$0x3FFD];
	_ =	sdelay $0x3  }
0x96: {  	_ =	strace s3  }
0x97: {  	_ =	strace $0x8FFFFFFF  }
0x98: {  	s19 =	sld [smem:$0x3FDB];
	_ =	sdelay $0x1  }
0x99: {  	s4 =	simm.s32 $_scs_section_size  }
0x9a: {  	s5 =	simm.s32 $_size__tile_overlayer_lowered;
	s6 =	simm.s32 $_tile_overlayer_lowered  }
0x9b: {  	s22 =	simm.s32 $0x1BFF;
	s21 =	sshll.u32 s6, $0x1;
	s3 =	sadd.s32 s4, s19  }
0x9c: {  	s7 =	simm.s32 $0x0;
	s20 =	sshll.u32 s5, $0x1;
	s5 =	sadd.s32 s21, s3  }
0x9d: {  	[timem:s7], [sflag:s22] =	dma.local [hbm:s5], s20  }
0x9e: {  	_ =	swait.ge [sflag:s22], s20  }
0x9f: {  	s4 =	ssub.s32 $0x0, s20;
	[sflag:s22] =	ssyncset.done $0x0  }
0xa0: {  	[sflag:s22] =	ssyncadd.s32 s4;
	_ =	sdelay $0x1  }
0xa1: {  	s23 =	simm.s32 $0x1B8B  }
0xa2: {  	_ =	swait.ge [sflag:s23], $0x1  }
0xa3: {  	[sflag:s23] =	ssyncset.done $0x0  }
0xa4: {  	s25 =	simm.s32 $0x1B8E;
	s24 =	sld [smem:$0x3FFE];
	[sflag:s23] =	ssyncadd.s32 $0xFFFFFFFF  }
0xa5: {  	s26 =	simm.s32 $execute0_lowered;
	[smem:$0x3FD2] =	sst s25  }
0xa6: {  	s5 =	sshll.u32 s26, $0x1;
	_ =	strace $0x80000046;
	[dreg:$0x1] =	wrdreg $0xFFFFFFFF  }
0xa7: {  	s28 =	simm.s32 $_size_execute0_lowered;
	s3 =	sadd.s32 s3, s5;
	[dreg:$0x0] =	wrdreg $0x0  }
0xa8: {  	s5 =	sshll.u32 s28, $0x1;
	[dreg:$0x2] =	wrdreg s3  }
0xa9: {  	[dreg:$0x3] =	wrdreg s5  }
0xaa: {  	[dreg:$0x4] =	wrdreg $0xC0  }
0xab: {  	_ =	task [dreg:s7], $0x5FFFF  }
0xac: {  	[dreg:$0x1] =	wrdreg $0xFFFFFFFF  }
0xad: {  	[dreg:$0x0] =	wrdreg $0x60  }
0xae: {  	[dreg:$0x2] =	wrdreg s2  }
0xaf: {  	[dreg:$0x3] =	wrdreg s24  }
0xb0: {  	[dreg:$0x4] =	wrdreg $0x9  }
0xb1: {  	_ =	task.clear_ibuf [dreg:s7], $0x5FFFF;
	_ =	strace $0x90000046  }
0xb2: {  	s29 =	simm.s32 $0x9;
	_ =	strace $0x80000048  }
0xb3: {  	_ =	swait.ge [sflag:s29], $0x1  }
0xb4: {  	[sflag:s29] =	ssyncadd.s32 $0xFFFFFFFF  }
0xb5: {  	_ =	strace $0x90000048  }
0xb6: {  	_ =	sfence  }
0xb7: {  	s30 =	sld [smem:$0x0];
	_ =	sdelay $0x2  }
0xb8: {  	s31 =	sshll.u32 s1, $0xD;
	s1 =	sshrl.u32 s1, $0x2  }
0xb9: {  	s3 =	sand.u32 $0x4000, s31;
	s1 =	sadd.s32 s1, s30  }
0xba: {  	s0 =	sor.u32 s3, s0;
	s1 =	sshll.u32 s1, $0x11  }
0xbb: {  	s0 =	sor.u32 s1, s0  }
0xbc: {  	s0 =	sadd.s32 $0x8F2B, s0  }
0xbd: {  	[sflag:s0] =	ssyncadd.remote.s32 $0x1  }
0xbe: {  	_ =	sfence.sel $0xFFFF  }
0xbf: {  	[dreg:$0x0] =	wrdreg $0xFFFFFFFF;
	(pc) =	sbr.abs _section_cstart, $3  }
0xc0: {  	[dreg:$0x1] =	wrdreg $0xFFFFFFFF  }
0xc1: {  	_ =	task.clear_ibuf [dreg:s7], $0x2FFFF;
	_ =	strace $0x9FFFFFFF  }
0xc2: {  	(tm) =	ssettm $0x7FFFFFFF  }
0xc3: {  	_ =	shalt  }
tec
execute0_lowered:
.L_overlay_start_1:
0x0: {  	(tag) =	ssettag $0x1  }
0x1: {  	s1 =	srdreg.scid;
	s2 =	rddreg [dreg:$0x0]  }
0x2: {  	s0 =	stileid.u32;
	s8 =	rddreg [dreg:$0x1]  }
0x3: {  	s5 =	simm.s32 $0x1;
	s9 =	simm.s32 $0x1;
	s1 =	sshll.u32 s1, $0x5  }
0x4: {  	s10 =	simm.s32 $0x3;
	s3 =	sshll.u32 s0, $0x6;
	s4 =	sand.u32 $0x20, s1  }
0x5: {  	s13 =	simm.s32 $0x0;
	s12 =	simm.s32 $0x0;
	s3 =	sor.u32 s3, s4  }
0x6: {  	s1 =	rddreg [dreg:$0x2];
	_ =	strace $0x80000047;
	s7 =	ssub.s32 $0x800, s3  }
.Ltmp0:
0x7: {  	s4 =	sadd.s32 $0x80000, s8;
	s6 =	sand.u32 $0x3E0, s7;
	(pc) =	sbr.rel .LBB2_1-.Ltmp0, $4  }
0x8: {  	[sflag:s5] =	ssyncpa.u1 $0x0;
	s8 =	sadd.s32 $0x80200, s8;
	p0 =	sne.s32 s6, $0x0  }
0x9: {  	s7 =	sshrl.u32 s7, $0xA;
	s6 =	simm.s32 $0x2;
	s9 =	simm.s32 @!p0 $0x0  }
0xa: {  	s11 =	smov.u32 s3;
	[sflag:s6] =	ssyncpa.u1 $0x0;
	s7 =	sadd.s32 s9, s7  }
0xb: {  	vm0 =	vmmov $0xffff;
	[sflag:s10] =	ssyncpa.u1 $0x0;
	s10 =	simm.s32 $0x0;
	s9 =	sadd.s32 $0x1, s7  }
.LBB2_5:
0xc: {  	s15 =	sadd.s32 $0x400, s11  }
0xd: {  	p1 =	sgt.s32 s15, $0x7FF  }
0xe: {  	s15 =	smov.u32 @p1 s3;
	p1 =	sne.s32 s12, s9  }
.Ltmp1:
0xf: {  	p0 =	slt.u32 s12, $0x2;
	(pc) =	sbr.rel @!p1 .LBB2_6-.Ltmp1, $4  }
0x10: {  	s14 =	simm.s32 @!p0 $0x3  }
0x11: {  	_ =	swait.ge @!p0 [sflag:s14], $0x20  }
0x12: {  	s16 =	sadd.s32 $0x1, s12;
	s13 =	smov.u32 s11;
	[sflag:s14] =	ssyncset.done @!p0 $0x0  }
0x13: {  	s12 =	smov.u32 s16;
	s11 =	smov.u32 s15;
	[sflag:s14] =	ssyncadd.s32 @!p0 $0xFFFFFFE0  }
.LBB2_1:
0x14: {  	p0 =	sge.u32 s12, s7  }
0x15: {  	s14 =	sxor.u32 @!p0 $0xFFFFFFFF, s12  }
0x16: {  	s31 =	sadd.s32 $0xFFFFFFFF, s12;
	s15 =	sshrl.u32 @!p0 s11, $0x3;
	s14 =	sshll.u32 @!p0 s14, $0x5  }
0x17: {  	s16 =	sand.u32 @!p0 $0x7, s11;
	s15 =	sadd.s32 @!p0 s4, s15;
	s14 =	sand.u32 @!p0 $0x20, s14  }
0x18: {  	[tilespmem:s14], [sflag:$0x2] =	stream.linear.gather @!p0 [hbm4b:s15+s16], $0x20, $0x38;
	[tilespmem:$0x80] =	vst v63  }
0x19: {  	p0 =	sge.u32 s31, s7  }
.Ltmp2:
0x1a: {  	_ = 	snop;
	(pc) =	sbr.rel @p0 .LBB2_5-.Ltmp2, $1  }
0x1b: {  	_ =	sdelay $0x3  }
0x1c: {  	_ =	swait.ge [sflag:s6], $0x20;
	s14 =	sshll.u32 s12, $0x5;
	s16 =	simm.s32 $0x0  }
0x1d: {  	p0 =	por $0x1, $0x1;
	[sflag:s6] =	ssyncset.done $0x0;
	s15 =	sand.u32 $0x20, s14  }
0x1e: {  	[sflag:s6] =	ssyncadd.s32 $0xFFFFFFE0;
	(ifvalue) =	ssetifvalue $0x7FFFFFFF;
	s14 =	sor.u32 $0x40, s15  }
.LBB2_3:
0x1f: {  	s17 =	sadd.s32 s16, s15  }
0x20: {  	v0 =	vld.msk [tilespmem:s17+$0x0 ss:$0x1], $0xffff;
	_ =	sdelay $0x4  }
0x21: {  	v1 =	vshrl.u32 v0, $0x1  }
0x22: {  	vm1 =	veq.s32 v0, $0x80000000;
	v1 =	vand.u32 $0xFFF, v1  }
0x23: {  	v0 =	vand.u32 $0x1, v0;
	v1 =	vsel vm1, $0xFFFFFFFF, v1  }
0x24: {  	v0 =	vsel vm1, $0xFFFFFFFF, v0;
	v2 =	vshll.u32 v1, $0x1  }
0x25: {  	v3 =	vand.u32 $0xFFFFE000, v0;
	v0 =	vshll.u32 v0, $0x7;
	v2 =	vand.u32 $0xFFFFFF00, v2  }
0x26: {  	v0 =	vand.u32 $0x80, v0;
	v2 =	vadd.s32 v3, v2  }
0x27: {  	v1 =	vand.u32 $0x7F, v1;
	v0 =	vor.u32 v0, v2  }
0x28: {  	p1 =	por p0, p0;
	v0 =	vor.u32 v1, v0  }
.Ltmp3:
0x29: {  	_ = 	snop;
	(pc) =	sbr.rel @p1 .LBB2_3-.Ltmp3, $4  }
0x2a: {  	_ = 	snop  }
0x2b: {  	s31 =	sadd.s32 s16, s14  }
0x2c: {  	s16 =	simm.s32 $0x10;
	p0 =	por $0x0, $0x0;
	(ifvalue) =	ssetifvalue $0x7FFFFFFF  }
0x2d: {  	[tilespmem:s31], [sflag:$0x1] =	stream.indirect_vreg.gather [hbm4b:s2+s10], $0x1, v0, vm0, $0x4038;
	[tilespmem:$0x80] =	vst v63  }
.Ltmp4:
0x2e: {  	(pc) =	sbr.rel .LBB2_5-.Ltmp4, $4  }
0x2f: {  	_ =	swait.ge [sflag:s5], $0x20  }
0x30: {  	s15 =	sshrl.u32 s13, $0x3;
	[sflag:s5] =	ssyncset.done $0x0  }
0x31: {  	s31 =	sand.u32 $0x7, s13;
	s15 =	sadd.s32 s8, s15;
	[sflag:s5] =	ssyncadd.s32 $0xFFFFFFE0  }
0x32: {  	[hbm4b:s15+s31] =	stream.linear.scatter [tilespmem:s14], [sflag:$0x3], $0x20, $0x38;
	[tilespmem:$0x80] =	vst v63  }
.LBB2_6:
0x33: {  	_ =	sfence.sel $0x180000  }
0x34: {  	s2 =	simm.s32 $0x2;
	[bflag:$0x0] =	sbarrier.arrive $0xFFFF  }
0x35: {  	s30 =	simm.s32 $0x3;
	[sflag:s2] =	ssyncpa.u1 $0x1  }
0x36: {  	s31 =	simm.s32 $0x1;
	[sflag:s30] =	ssyncpa.u1 $0x1  }
0x37: {  	[sflag:s31] =	ssyncpa.u1 $0x1  }
0x38: {  	p0 =	sne.s32 s0, $0x0;
	_ =	strace $0x90000047  }
0x39: {  	s0 =	sadd.s32 @!p0 $0x100000, s1;
	[bflag:$0x2] =	sbarrier.arrive $0xFFFF  }
0x3a: {  	[sflag:s0] =	ssyncadd.tile.s32 @!p0 $0x1;
	_ =	shalt  }
.Lfunc_end2:
_tile_overlayer_lowered:
.L_overlay_start_2:
0x3b: {  	(tag) =	ssettag $0x2  }
0x3c: {  	s0 =	rddreg [dreg:$0x0];
	s2 =	stileid.u32  }
0x3d: {  	s1 =	rddreg [dreg:$0x1];
	p0 =	sne.s32 s2, $0x0  }
0x3e: {  	s3 =	rddreg [dreg:$0x2];
	[bflag:$0x3] =	sbarrier.arrive $0xFFFF;
	s2 =	simm.s32 @!p0 $0x1C01  }
0x3f: {  	[timem:s3], [sflag:s2] =	dma.local @!p0 [hbm:s0], s1  }
0x40: {  	s0 =	simm.s32 @!p0 $0x1  }
0x41: {  	_ =	swait.ge @!p0 [sflag:s0], s1  }
0x42: {  	s1 =	ssub.s32 @!p0 $0x0, s1;
	[sflag:s0] =	ssyncset.done @!p0 $0x0  }
0x43: {  	[sflag:s0] =	ssyncadd.s32 @!p0 s1  }
0x44: {  	[bflag:$0x3] =	sbarrier.arrive $0xFFFF  }
0x45: {  	_ =	shalt  }

// kernel: kernel.4.cloned.1.call-start
scs
__scs_entry_jumppad:
0x0: {  	(pc) =	sbr.rel $0x88, $3  }
0x1: {  	(tag) =	ssettag $0x0;
	lr =	simm.s32 $0x1  }
0x2: {  	[smem:$0x3F6D] =	sst lr;
	_ =	strace $0xD0000000  }
0x3: {  	_ = 	snop  }
0x4: {  	_ = 	snop  }
0x5: {  	_ = 	snop  }
0x6: {  	_ = 	snop  }
0x7: {  	_ = 	snop  }
__scs_overlays_trampoline_lowered:
0x8: {  	[smem:$0x3F7C] =	sst s0  }
0x9: {  	[smem:$0x3F7D] =	sst s1  }
0xa: {  	[smem:$0x3F7E] =	sst s2  }
0xb: {  	[smem:$0x3F7F] =	sst s3  }
0xc: {  	[smem:$0x3F80] =	sst s4  }
0xd: {  	[smem:$0x3F81] =	sst s5  }
0xe: {  	[smem:$0x3F82] =	sst s6  }
0xf: {  	[smem:$0x3F83] =	sst s7  }
0x10: {  	[smem:$0x3F84] =	sst s8  }
0x11: {  	[smem:$0x3F85] =	sst s9;
	s0 =	simm.s32 @!p0 $0x0  }
0x12: {  	s1 =	sld [smem:$0x3F6B];
	s0 =	simm.s32 @p0 $0x1  }
0x13: {  	[smem:$0x3F86] =	sst s0;
	s0 =	simm.s32 @!p1 $0x0  }
0x14: {  	s2 =	sld [smem:$0x3F6A];
	s0 =	simm.s32 @p1 $0x1  }
0x15: {  	[smem:$0x3F87] =	sst s0;
	s0 =	simm.s32 @!p2 $0x0  }
0x16: {  	s3 =	sld [smem:$0x3FDB];
	s0 =	simm.s32 @p2 $0x1  }
0x17: {  	s4 =	simm.s32 $0x1BF5;
	[smem:$0x3F89] =	sst s0  }
0x18: {  	s0 =	sld [smem:$0x3F6C];
	_ =	swait.ge [sflag:s4], $0x0  }
0x19: {  	s7 =	sld [smem:$0x3F6D]  }
0x1a: {  	s8 =	sadd.s32 $0xFFFFE003, lr  }
0x1b: {  	s9 =	sadd.s32 $0xFFFFFEF7, lr;
	s5 =	simm.s32 $0xFFFFFFFF;
	p2 =	slt.u32 s8, $0xFFFFF086  }
0x1c: {  	p1 =	slt.u32 s9, $0xF7A;
	s5 =	simm.s32 @!p2 $0x0  }
0x1d: {  	s5 =	simm.s32 @p1 $0x1;
	p0 =	seq.s32 s7, s2  }
0x1e: {  	s7 =	smul.u32 @!p0 $0xF7A, s2;
	p2 =	seq.s32 @!p0 s5, $0x0  }
0x1f: {  	s9 =	smul.u32 $0xF7A, s1;
	s8 =	simm.s32 @!p0 $0x1BF5;
	p2 =	por !p2, p0  }
0x20: {  	[sflag:s8] =	ssyncset.s32 @!p0 $0xFFFFF086;
	s6 =	sadd.s32 @!p0 s3, s7;
	s7 =	simm.s32 @!p0 $0x108  }
0x21: {  	s3 =	sadd.s32 s3, s9;
	s6 =	sadd.s32 @!p0 $0x88, s6;
	s7 =	simm.s32 @p2 $0x1082  }
0x22: {  	[simem:s7], [sflag:s8] =	dma.local @!p0 [hbm:s6], $0xF7A  }
0x23: {  	s9 =	sor.u32 $0xD0000000, s2;
	s6 =	simm.s32 $0x108;
	_ =	swait.ge @!p0 [sflag:s8], $0x0  }
0x24: {  	s3 =	sadd.s32 $0x88, s3;
	s6 =	simm.s32 @!p1 $0x1082;
	[sflag:s4] =	ssyncset.s32 $0xFFFFF086  }
0x25: {  	[simem:s6], [sflag:s4] =	dma.local [hbm:s3], $0xF7A  }
0x26: {  	[smem:$0x3F6D] =	sst s1;
	(tag) =	ssettag s2;
	_ =	strace s9  }
0x27: {  	s1 =	sld [smem:$0x3F7D]  }
0x28: {  	s2 =	sld [smem:$0x3F7E]  }
0x29: {  	s4 =	sld [smem:$0x3F80]  }
0x2a: {  	p0 =	seq.s32 s5, $0x0;
	s5 =	sld [smem:$0x3F81]  }
0x2b: {  	s6 =	sld [smem:$0x3F82]  }
0x2c: {  	s7 =	sld [smem:$0x3F83]  }
0x2d: {  	s3 =	simm.s32 $0x108;
	s8 =	sld [smem:$0x3F84]  }
0x2e: {  	s3 =	simm.s32 @!p0 $0x1082;
	s9 =	sld [smem:$0x3F85]  }
0x2f: {  	lr =	sadd.s32 s0, s3;
	s0 =	sld [smem:$0x3F7C]  }
0x30: {  	s3 =	sld [smem:$0x3F7F]  }
0x31: {  	[smem:$0x3F88] =	sst s10  }
0x32: {  	s10 =	sld [smem:$0x3F86];
	_ =	sdelay $0x3  }
0x33: {  	p0 =	seq.s32 s10, $0x1;
	s10 =	sld [smem:$0x3F88];
	_ =	sdelay $0x3  }
0x34: {  	[smem:$0x3F88] =	sst s10  }
0x35: {  	s10 =	sld [smem:$0x3F87];
	_ =	sdelay $0x3  }
0x36: {  	p1 =	seq.s32 s10, $0x1;
	s10 =	sld [smem:$0x3F88];
	_ =	sdelay $0x3  }
0x37: {  	[smem:$0x3F88] =	sst s10  }
0x38: {  	s10 =	sld [smem:$0x3F89]  }
0x39: {  	_ = 	snop;
	(pc) =	sbr.ind lr, $3  }
0x3a: {  	_ = 	snop  }
0x3b: {  	_ = 	snop  }
0x3c: {  	p2 =	seq.s32 s10, $0x1;
	s10 =	sld [smem:$0x3F88]  }
0x3d: {  	_ =	shalt  }
0x3e: {  	_ =	shalt  }
0x3f: {  	_ =	shalt  }
0x40: {  	_ =	shalt  }
0x41: {  	_ =	shalt  }
0x42: {  	_ =	shalt  }
0x43: {  	_ =	shalt  }
0x44: {  	_ =	shalt  }
0x45: {  	_ =	shalt  }
0x46: {  	_ =	shalt  }
0x47: {  	_ =	shalt  }
0x48: {  	_ =	shalt  }
0x49: {  	_ =	shalt  }
0x4a: {  	_ =	shalt  }
0x4b: {  	_ =	shalt  }
0x4c: {  	_ =	shalt  }
0x4d: {  	_ =	shalt  }
0x4e: {  	_ =	shalt  }
0x4f: {  	_ =	shalt  }
0x50: {  	_ =	shalt  }
0x51: {  	_ =	shalt  }
0x52: {  	_ =	shalt  }
0x53: {  	_ =	shalt  }
0x54: {  	_ =	shalt  }
0x55: {  	_ =	shalt  }
0x56: {  	_ =	shalt  }
0x57: {  	_ =	shalt  }
0x58: {  	_ =	shalt  }
0x59: {  	_ =	shalt  }
0x5a: {  	_ =	shalt  }
0x5b: {  	_ =	shalt  }
0x5c: {  	_ =	shalt  }
0x5d: {  	_ =	shalt  }
0x5e: {  	_ =	shalt  }
0x5f: {  	_ =	shalt  }
0x60: {  	_ =	shalt  }
0x61: {  	_ =	shalt  }
0x62: {  	_ =	shalt  }
0x63: {  	_ =	shalt  }
0x64: {  	_ =	shalt  }
0x65: {  	_ =	shalt  }
0x66: {  	_ =	shalt  }
0x67: {  	_ =	shalt  }
0x68: {  	_ =	shalt  }
0x69: {  	_ =	shalt  }
0x6a: {  	_ =	shalt  }
0x6b: {  	_ =	shalt  }
0x6c: {  	_ =	shalt  }
0x6d: {  	_ =	shalt  }
0x6e: {  	_ =	shalt  }
0x6f: {  	_ =	shalt  }
0x70: {  	_ =	shalt  }
0x71: {  	_ =	shalt  }
0x72: {  	_ =	shalt  }
0x73: {  	_ =	shalt  }
0x74: {  	_ =	shalt  }
0x75: {  	_ =	shalt  }
0x76: {  	_ =	shalt  }
0x77: {  	_ =	shalt  }
0x78: {  	_ =	shalt  }
0x79: {  	_ =	shalt  }
0x7a: {  	_ =	shalt  }
0x7b: {  	_ =	shalt  }
0x7c: {  	_ =	shalt  }
0x7d: {  	_ =	shalt  }
0x7e: {  	_ =	shalt  }
0x7f: {  	_ =	shalt  }
0x80: {  	_ =	shalt  }
0x81: {  	_ =	shalt  }
0x82: {  	_ =	shalt  }
0x83: {  	_ =	shalt  }
0x84: {  	_ =	shalt  }
0x85: {  	_ =	shalt  }
0x86: {  	_ =	shalt  }
0x87: {  	_ =	shalt  }
.Lfunc_end0:
.L_simem_size_0:
called_computation.1_lowered:
.L_overlay_start_0:
0x88: {  	s2 =	sld [smem:$0x3FD9]  }
0x89: {  	s3 =	sld [smem:$0x3FFE];
	_ =	sdelay $0x1  }
0x8a: {  	s1 =	srdreg.scid  }
0x8b: {  	s0 =	sand.u32 $0x1, s1  }
0x8c: {  	s17 =	sshll.u32 s0, $0xA;
	s2 =	sadd.s32 s3, s2  }
0x8d: {  	s2 =	sadd.s32 s2, s17  }
0x8e: {  	[smem:$0x3F94] =	sst s2  }
0x8f: {  	_ = 	snop  }
0x90: {  	s2 =	sld [smem:$0x3FD0];
	(tm) =	ssettm $0x1  }
0x91: {  	s18 =	sld [smem:$0x3FFB];
	_ =	sdelay $0x3  }
0x92: {  	_ =	strace s18  }
0x93: {  	s3 =	sld [smem:$0x3FFC];
	_ =	sdelay $0x3  }
0x94: {  	_ =	strace s3  }
0x95: {  	s3 =	sld [smem:$0x3FFD];
	_ =	sdelay $0x3  }
0x96: {  	_ =	strace s3  }
0x97: {  	_ =	strace $0x8FFFFFFF  }
0x98: {  	s19 =	sld [smem:$0x3FDB];
	_ =	sdelay $0x1  }
0x99: {  	s4 =	simm.s32 $_scs_section_size  }
0x9a: {  	s5 =	simm.s32 $_size__tile_overlayer_lowered;
	s6 =	simm.s32 $_tile_overlayer_lowered  }
0x9b: {  	s22 =	simm.s32 $0x1BFF;
	s21 =	sshll.u32 s6, $0x1;
	s3 =	sadd.s32 s4, s19  }
0x9c: {  	s7 =	simm.s32 $0x0;
	s20 =	sshll.u32 s5, $0x1;
	s5 =	sadd.s32 s21, s3  }
0x9d: {  	[timem:s7], [sflag:s22] =	dma.local [hbm:s5], s20  }
0x9e: {  	_ =	swait.ge [sflag:s22], s20  }
0x9f: {  	s4 =	ssub.s32 $0x0, s20;
	[sflag:s22] =	ssyncset.done $0x0  }
0xa0: {  	[sflag:s22] =	ssyncadd.s32 s4;
	_ =	sdelay $0x1  }
0xa1: {  	s23 =	simm.s32 $0x1B8B  }
0xa2: {  	_ =	swait.ge [sflag:s23], $0x1  }
0xa3: {  	[sflag:s23] =	ssyncset.done $0x0  }
0xa4: {  	s25 =	simm.s32 $0x1B8E;
	s24 =	sld [smem:$0x3FFE];
	[sflag:s23] =	ssyncadd.s32 $0xFFFFFFFF  }
0xa5: {  	s26 =	simm.s32 $execute0_lowered;
	[smem:$0x3FD2] =	sst s25  }
0xa6: {  	s5 =	sshll.u32 s26, $0x1;
	_ =	strace $0x80000049;
	[dreg:$0x1] =	wrdreg $0xFFFFFFFF  }
0xa7: {  	s28 =	simm.s32 $_size_execute0_lowered;
	s3 =	sadd.s32 s3, s5;
	[dreg:$0x0] =	wrdreg $0x0  }
0xa8: {  	s5 =	sshll.u32 s28, $0x1;
	[dreg:$0x2] =	wrdreg s3  }
0xa9: {  	[dreg:$0x3] =	wrdreg s5  }
0xaa: {  	[dreg:$0x4] =	wrdreg $0xC0  }
0xab: {  	_ =	task [dreg:s7], $0x5FFFF  }
0xac: {  	[dreg:$0x1] =	wrdreg $0xFFFFFFFF  }
0xad: {  	[dreg:$0x0] =	wrdreg $0x60  }
0xae: {  	[dreg:$0x2] =	wrdreg s24  }
0xaf: {  	[dreg:$0x3] =	wrdreg s2  }
0xb0: {  	[dreg:$0x4] =	wrdreg $0x9  }
0xb1: {  	_ =	task.clear_ibuf [dreg:s7], $0x5FFFF;
	_ =	strace $0x90000049  }
0xb2: {  	s29 =	simm.s32 $0x9;
	_ =	strace $0x8000004B  }
0xb3: {  	_ =	swait.ge [sflag:s29], $0x1  }
0xb4: {  	[sflag:s29] =	ssyncadd.s32 $0xFFFFFFFF  }
0xb5: {  	_ =	strace $0x9000004B  }
0xb6: {  	_ =	sfence  }
0xb7: {  	s30 =	sld [smem:$0x0];
	_ =	sdelay $0x2  }
0xb8: {  	s31 =	sshll.u32 s1, $0xD;
	s1 =	sshrl.u32 s1, $0x2  }
0xb9: {  	s3 =	sand.u32 $0x4000, s31;
	s1 =	sadd.s32 s1, s30  }
0xba: {  	s0 =	sor.u32 s3, s0;
	s1 =	sshll.u32 s1, $0x11  }
0xbb: {  	s0 =	sor.u32 s1, s0  }
0xbc: {  	s0 =	sadd.s32 $0x8F2B, s0  }
0xbd: {  	[sflag:s0] =	ssyncadd.remote.s32 $0x1  }
0xbe: {  	_ =	sfence.sel $0xFFFF  }
0xbf: {  	[dreg:$0x0] =	wrdreg $0xFFFFFFFF;
	(pc) =	sbr.abs _section_cstart, $3  }
0xc0: {  	[dreg:$0x1] =	wrdreg $0xFFFFFFFF  }
0xc1: {  	_ =	task.clear_ibuf [dreg:s7], $0x2FFFF;
	_ =	strace $0x9FFFFFFF  }
0xc2: {  	(tm) =	ssettm $0x7FFFFFFF  }
0xc3: {  	_ =	shalt  }
tec
execute0_lowered:
.L_overlay_start_1:
0x0: {  	(tag) =	ssettag $0x1  }
0x1: {  	s1 =	srdreg.scid;
	s0 =	stileid.u32  }
0x2: {  	s11 =	rddreg [dreg:$0x0];
	s13 =	sand.u32 $0x1, s1;
	s29 =	sshll.u32 s0, $0x1  }
0x3: {  	s12 =	rddreg [dreg:$0x1];
	s9 =	sor.u32 s13, s29  }
0x4: {  	s2 =	simm.s32 $0x0;
	s1 =	rddreg [dreg:$0x2];
	s3 =	smul.u32 $0x30, s9  }
0x5: {  	[smem:$0x7FF] =	sst s2  }
0x6: {  	_ =	strace $0x8000004A;
	s4 =	sadd.s32 s12, s3;
	s3 =	simm.s32 $0x2  }
0x7: {  	[tilespmem:s2], [sflag:$0x2] =	stream.linear.gather [hbm4b:s4+s2], $0x80, $0x38;
	[tilespmem:$0x3880] =	vst v63  }
0x8: {  	_ =	swait.ge [sflag:s3], $0x80  }
0x9: {  	s6 =	simm.s32 $0x70;
	s7 =	simm.s32 $0x80;
	[sflag:s3] =	ssyncset.done $0x0  }
0xa: {  	s8 =	simm.s32 $0x1;
	s5 =	sadd.s32 $0x80400, s11;
	[sflag:s3] =	ssyncadd.s32 $0xFFFFFF80  }
0xb: {  	[tilespmem:s7], [sflag:$0x1] =	stream.indirect.gather [hbm4b:s5+s6], $0x80, s2, s6, $0xb8;
	[tilespmem:$0x3880] =	vst v63  }
0xc: {  	s10 =	smul.u32 $0x1500, s9;
	_ =	swait.ge [sflag:s8], $0x3800  }
0xd: {  	[sflag:s8] =	ssyncset.done $0x0  }
0xe: {  	s14 =	smul.u32 $0x3, s9;
	s9 =	sadd.s32 s11, s10;
	[sflag:s8] =	ssyncadd.s32 $0xFFFFC800  }
0xf: {  	[hbm4b:s9+s2] =	stream.linear.scatter [tilespmem:s7], [sflag:$0x2], $0x3800, $0x38;
	[tilespmem:$0x3880] =	vst v63  }
0x10: {  	s15 =	sadd.s32 $0x1, s14;
	_ =	swait.ge [sflag:s3], $0x3800  }
0x11: {  	s30 =	sshll.u32 s15, $0x4;
	[sflag:s3] =	ssyncset.done $0x0  }
0x12: {  	s10 =	sadd.s32 s12, s30;
	[sflag:s3] =	ssyncadd.s32 $0xFFFFC800  }
0x13: {  	[tilespmem:s2], [sflag:$0x2] =	stream.linear.gather [hbm4b:s10+s2], $0x80, $0x38;
	[tilespmem:$0x3880] =	vst v63  }
0x14: {  	_ =	swait.ge [sflag:s3], $0x80  }
0x15: {  	[sflag:s3] =	ssyncset.done $0x0  }
0x16: {  	[sflag:s3] =	ssyncadd.s32 $0xFFFFFF80  }
0x17: {  	[tilespmem:s7], [sflag:$0x1] =	stream.indirect.gather [hbm4b:s5+s6], $0x80, s2, s6, $0xb8;
	[tilespmem:$0x3880] =	vst v63  }
0x18: {  	s15 =	smul.u32 $0x700, s15;
	_ =	swait.ge [sflag:s8], $0x3800  }
0x19: {  	[sflag:s8] =	ssyncset.done $0x0  }
0x1a: {  	s11 =	sadd.s32 s11, s15;
	[sflag:s8] =	ssyncadd.s32 $0xFFFFC800  }
0x1b: {  	[hbm4b:s11+s2] =	stream.linear.scatter [tilespmem:s7], [sflag:$0x2], $0x3800, $0x38;
	[tilespmem:$0x3880] =	vst v63  }
0x1c: {  	s14 =	sshll.u32 s14, $0x4;
	_ =	swait.ge [sflag:s3], $0x3800  }
0x1d: {  	s12 =	sadd.s32 s12, s14;
	[sflag:s3] =	ssyncset.done $0x0  }
0x1e: {  	s13 =	ssub.s32 $0x2, s13;
	s12 =	sadd.s32 $0x20, s12;
	[sflag:s3] =	ssyncadd.s32 $0xFFFFC800  }
0x1f: {  	[tilespmem:s2], [sflag:$0x2] =	stream.linear.gather [hbm4b:s12+s2], $0x80, $0x38;
	[tilespmem:$0x3880] =	vst v63  }
0x20: {  	s31 =	sshrl.u32 s13, $0x1;
	_ =	swait.ge [sflag:s3], $0x80  }
0x21: {  	s14 =	ssub.s32 s13, s31;
	[sflag:s3] =	ssyncset.done $0x0  }
0x22: {  	s14 =	smax.u32 s14, $0x1;
	[sflag:s3] =	ssyncadd.s32 $0xFFFFFF80  }
0x23: {  	[tilespmem:s7], [sflag:$0x1] =	stream.indirect.gather [hbm4b:s5+s6], $0x80, s2, s6, $0xb8;
	[tilespmem:$0x3880] =	vst v63  }
0x24: {  	p0 =	sne.s32 s14, $0x1;
	_ =	swait.ge [sflag:s8], $0x3800  }
.Ltmp0:
0x25: {  	[sflag:s8] =	ssyncset.done $0x0;
	(pc) =	sbr.rel @!p0 .LBB2_2-.Ltmp0, $4  }
0x26: {  	s13 =	sadd.s32 $0xE00, s9;
	[sflag:s8] =	ssyncadd.s32 $0xFFFFC800  }
0x27: {  	[hbm4b:s13+s2] =	stream.linear.scatter [tilespmem:s7], [sflag:$0x2], $0x3800, $0x38;
	[tilespmem:$0x3880] =	vst v63  }
0x28: {  	_ =	swait.ge [sflag:s3], $0x3800  }
0x29: {  	s14 =	sadd.s32 $0xFFFFFFFF, s14;
	[sflag:s3] =	ssyncset.done $0x0  }
.LBB2_1:
0x2a: {  	p0 =	sne.s32 s14, $0x1;
	s14 =	sadd.s32 $0xFFFFFFFF, s14;
	[sflag:s3] =	ssyncadd.s32 $0xFFFFC800  }
0x2b: {  	[tilespmem:s2], [sflag:$0x2] =	stream.linear.gather [hbm4b:s4+s2], $0x80, $0x38;
	[tilespmem:$0x3880] =	vst v63  }
0x2c: {  	_ =	swait.ge [sflag:s3], $0x80  }
0x2d: {  	[sflag:s3] =	ssyncset.done $0x0  }
0x2e: {  	[sflag:s3] =	ssyncadd.s32 $0xFFFFFF80  }
0x2f: {  	[tilespmem:s7], [sflag:$0x1] =	stream.indirect.gather [hbm4b:s5+s6], $0x80, s2, s6, $0xb8;
	[tilespmem:$0x3880] =	vst v63  }
0x30: {  	_ =	swait.ge [sflag:s8], $0x3800  }
0x31: {  	[sflag:s8] =	ssyncset.done $0x0  }
0x32: {  	[sflag:s8] =	ssyncadd.s32 $0xFFFFC800  }
0x33: {  	[hbm4b:s9+s2] =	stream.linear.scatter [tilespmem:s7], [sflag:$0x2], $0x3800, $0x38;
	[tilespmem:$0x3880] =	vst v63  }
0x34: {  	_ =	swait.ge [sflag:s3], $0x3800  }
0x35: {  	[sflag:s3] =	ssyncset.done $0x0  }
0x36: {  	[sflag:s3] =	ssyncadd.s32 $0xFFFFC800  }
0x37: {  	[tilespmem:s2], [sflag:$0x2] =	stream.linear.gather [hbm4b:s10+s2], $0x80, $0x38;
	[tilespmem:$0x3880] =	vst v63  }
0x38: {  	_ =	swait.ge [sflag:s3], $0x80  }
0x39: {  	[sflag:s3] =	ssyncset.done $0x0  }
0x3a: {  	[sflag:s3] =	ssyncadd.s32 $0xFFFFFF80  }
0x3b: {  	[tilespmem:s7], [sflag:$0x1] =	stream.indirect.gather [hbm4b:s5+s6], $0x80, s2, s6, $0xb8;
	[tilespmem:$0x3880] =	vst v63  }
0x3c: {  	_ =	swait.ge [sflag:s8], $0x3800  }
0x3d: {  	[sflag:s8] =	ssyncset.done $0x0  }
0x3e: {  	[sflag:s8] =	ssyncadd.s32 $0xFFFFC800  }
0x3f: {  	[hbm4b:s11+s2] =	stream.linear.scatter [tilespmem:s7], [sflag:$0x2], $0x3800, $0x38;
	[tilespmem:$0x3880] =	vst v63  }
0x40: {  	_ =	swait.ge [sflag:s3], $0x3800  }
0x41: {  	[sflag:s3] =	ssyncset.done $0x0  }
0x42: {  	[sflag:s3] =	ssyncadd.s32 $0xFFFFC800  }
0x43: {  	[tilespmem:s2], [sflag:$0x2] =	stream.linear.gather [hbm4b:s12+s2], $0x80, $0x38;
	[tilespmem:$0x3880] =	vst v63  }
0x44: {  	_ =	swait.ge [sflag:s3], $0x80  }
0x45: {  	[sflag:s3] =	ssyncset.done $0x0  }
0x46: {  	[sflag:s3] =	ssyncadd.s32 $0xFFFFFF80  }
0x47: {  	[tilespmem:s7], [sflag:$0x1] =	stream.indirect.gather [hbm4b:s5+s6], $0x80, s2, s6, $0xb8;
	[tilespmem:$0x3880] =	vst v63  }
0x48: {  	_ =	swait.ge [sflag:s8], $0x3800  }
.Ltmp1:
0x49: {  	[sflag:s8] =	ssyncset.done $0x0;
	(pc) =	sbr.rel @p0 .LBB2_1-.Ltmp1, $4  }
0x4a: {  	[sflag:s8] =	ssyncadd.s32 $0xFFFFC800  }
0x4b: {  	[hbm4b:s13+s2] =	stream.linear.scatter [tilespmem:s7], [sflag:$0x2], $0x3800, $0x38;
	[tilespmem:$0x3880] =	vst v63  }
0x4c: {  	_ =	swait.ge [sflag:s3], $0x3800  }
0x4d: {  	[sflag:s3] =	ssyncset.done $0x0  }
.LBB2_2:
0x4e: {  	[sflag:s3] =	ssyncadd.s32 $0xFFFFC800  }
0x4f: {  	_ =	sfence.sel $0x180000  }
0x50: {  	[bflag:$0x0] =	sbarrier.arrive $0xFFFF  }
0x51: {  	p0 =	sne.s32 s0, $0x0;
	_ =	strace $0x9000004A  }
0x52: {  	s0 =	sadd.s32 @!p0 $0x100000, s1;
	[bflag:$0x2] =	sbarrier.arrive $0xFFFF  }
0x53: {  	[sflag:s0] =	ssyncadd.tile.s32 @!p0 $0x1;
	_ =	shalt  }
.Lfunc_end2:
_tile_overlayer_lowered:
.L_overlay_start_2:
0x54: {  	(tag) =	ssettag $0x2  }
0x55: {  	s0 =	rddreg [dreg:$0x0];
	s2 =	stileid.u32  }
0x56: {  	s1 =	rddreg [dreg:$0x1];
	p0 =	sne.s32 s2, $0x0  }
0x57: {  	s3 =	rddreg [dreg:$0x2];
	[bflag:$0x3] =	sbarrier.arrive $0xFFFF;
	s2 =	simm.s32 @!p0 $0x1C02  }
0x58: {  	[timem:s3], [sflag:s2] =	dma.local @!p0 [hbm:s0], s1  }
0x59: {  	s0 =	simm.s32 @!p0 $0x2  }
0x5a: {  	_ =	swait.ge @!p0 [sflag:s0], s1  }
0x5b: {  	s1 =	ssub.s32 @!p0 $0x0, s1;
	[sflag:s0] =	ssyncset.done @!p0 $0x0  }
0x5c: {  	[sflag:s0] =	ssyncadd.s32 @!p0 s1  }
0x5d: {  	[bflag:$0x3] =	sbarrier.arrive $0xFFFF  }
0x5e: {  	_ =	shalt  }

</sc_bundles>
